<compile_context>
chip_gen: v7x
topology: tpu7x:2x2x1
jax: 0.10.2.dev20260603
libtpu: 0.0.44.dev20260713+nightly
codegen_flags: <defaults>
</compile_context>

<pallas_src>
import functools

import jax
import jax.numpy as jnp
from jax import lax
from jax.experimental import pallas as pl
from jax.experimental.pallas import tpu as pltpu
from jax.experimental.pallas import tpu_sc as plsc

B = 4
N = 2048
K = 16
NSAMP = 500
_NW = 32



def _knn_body(xb_ref, xf_ref, xt_ref, idx_ref, *, rb):
    b = pl.program_id(0)
    j = pl.program_id(1)
    xb = xb_ref[0]
    xf = xf_ref[0]
    xt = xt_ref[0]
    e = lax.dot_general(xb, xt, (((1,), (0,)), ((), ())),
                        preferred_element_type=jnp.float32)
    sqb = jnp.sum(xb * xb, axis=-1)
    sqf = jnp.sum(xf * xf, axis=-1)
    d = sqb[:, None] + sqf[None, :] - 2.0 * e
    rows = j * rb + lax.broadcasted_iota(jnp.int32, (rb, N), 0)
    cols = lax.broadcasted_iota(jnp.int32, (rb, N), 1)
    d = jnp.where(rows == cols, jnp.inf, d)
    lanes = lax.broadcasted_iota(jnp.int32, (rb, K), 1)
    acc = jnp.zeros((rb, K), jnp.int32)
    for t in range(K):
        m = jnp.min(d, axis=1)
        hit = d == m[:, None]
        am = jnp.min(jnp.where(hit, cols, N), axis=1)
        acc = acc + jnp.where(lanes == t, am[:, None], 0)
        d = jnp.where(cols == am[:, None], jnp.inf, d)
    idx_ref[0] = acc + b * N


def _knn(x, xt, d_feat):
    rb = 256
    return pl.pallas_call(
        functools.partial(_knn_body, rb=rb),
        grid=(B, N // rb),
        in_specs=[
            pl.BlockSpec((1, rb, d_feat), lambda b, j: (b, j, 0)),
            pl.BlockSpec((1, N, d_feat), lambda b, j: (b, 0, 0)),
            pl.BlockSpec((1, d_feat, N), lambda b, j: (b, 0, 0)),
        ],
        out_specs=pl.BlockSpec((1, rb, K), lambda b, j: (b, j, 0)),
        out_shape=jax.ShapeDtypeStruct((B, N, K), jnp.int32),
    )(x, x, xt)



def _gather_rows(table, idx, chunk):
    e_total, d_feat = idx.shape[0], table.shape[1]
    epw = e_total // _NW
    nch = epw // chunk
    mesh = plsc.VectorSubcoreMesh(core_axis_name="c", subcore_axis_name="s")

    @functools.partial(
        pl.kernel, mesh=mesh,
        out_type=jax.ShapeDtypeStruct((e_total, d_feat), jnp.float32),
        compiler_params=pltpu.CompilerParams(use_tc_tiling_on_sc=False),
        scratch_types=[
            pltpu.VMEM((chunk,), jnp.int32),
            pltpu.VMEM((chunk, d_feat), jnp.float32),
            pltpu.SemaphoreType.DMA,
        ],
    )
    def gk(tab, idxh, outh, idx_v, buf, sem):
        wid = lax.axis_index("s") * 2 + lax.axis_index("c")
        base = wid * epw

        def body(c, carry):
            off = base + c * chunk
            pltpu.sync_copy(idxh.at[pl.ds(off, chunk)], idx_v)
            pltpu.async_copy(tab.at[idx_v], buf, sem).wait()
            pltpu.sync_copy(buf, outh.at[pl.ds(off, chunk)])
            return carry

        lax.fori_loop(0, nch, body, 0)

    return gk(table, idx)


def _final_gather_sc(tp, ty, t1, t2, t3, idx):
    epw = idx.shape[0] // _NW
    mesh = plsc.VectorSubcoreMesh(core_axis_name="c", subcore_axis_name="s")
    tabs = (tp, ty, t1, t2, t3)

    @functools.partial(
        pl.kernel, mesh=mesh,
        out_type=[jax.ShapeDtypeStruct((idx.shape[0], t.shape[1]), jnp.float32)
                  for t in tabs],
        compiler_params=pltpu.CompilerParams(use_tc_tiling_on_sc=False),
        scratch_types=[pltpu.VMEM((epw,), jnp.int32)] +
                      [pltpu.VMEM((epw, t.shape[1]), jnp.float32) for t in tabs] +
                      [pltpu.SemaphoreType.DMA],
    )
    def gk(h0, h1, h2, h3, h4, idxh, o0, o1, o2, o3, o4,
           idx_v, b0, b1, b2, b3, b4, sem):
        wid = lax.axis_index("s") * 2 + lax.axis_index("c")
        base = wid * epw
        pltpu.sync_copy(idxh.at[pl.ds(base, epw)], idx_v)
        for th, bh, oh in ((h0, b0, o0), (h1, b1, o1), (h2, b2, o2),
                           (h3, b3, o3), (h4, b4, o4)):
            pltpu.async_copy(th.at[idx_v], bh, sem).wait()
            pltpu.sync_copy(bh, oh.at[pl.ds(base, epw)])

    return gk(*tabs, idx)



def _edge_body(x_ref, g_ref, w1_ref, b1_ref, w2_ref, b2_ref, w3_ref, b3_ref,
               o_ref, *, rb, d_feat):
    xi = x_ref[0]
    g = g_ref[0][:, :, :d_feat]
    xi3 = jnp.broadcast_to(xi[:, None, :], (rb, K, d_feat))
    ef = jnp.concatenate([xi3, g - xi3], axis=-1).reshape(rb * K, 2 * d_feat)
    h = jax.nn.relu(jnp.dot(ef, w1_ref[...]) + b1_ref[...])
    h = jax.nn.relu(jnp.dot(h, w2_ref[...]) + b2_ref[...])
    h = jax.nn.relu(jnp.dot(h, w3_ref[...]) + b3_ref[...])
    o_ref[0] = jnp.max(h.reshape(rb, K, h.shape[-1]), axis=1)


def _edge(x, g, layers, d_feat, rb):
    (w1, b1), (w2, b2), (w3, b3) = layers
    d_tab = g.shape[-1]
    out_d = w3.shape[1]
    wspec = lambda w: pl.BlockSpec(w.shape, lambda b, j: tuple(0 for _ in w.shape))
    return pl.pallas_call(
        functools.partial(_edge_body, rb=rb, d_feat=d_feat),
        grid=(B, N // rb),
        in_specs=[
            pl.BlockSpec((1, rb, d_feat), lambda b, j: (b, j, 0)),
            pl.BlockSpec((1, rb, K, d_tab), lambda b, j: (b, j, 0, 0)),
            wspec(w1), wspec(b1), wspec(w2), wspec(b2), wspec(w3), wspec(b3),
        ],
        out_specs=pl.BlockSpec((1, rb, out_d), lambda b, j: (b, j, 0)),
        out_shape=jax.ShapeDtypeStruct((B, N, out_d), jnp.float32),
    )(x, g, w1, b1, w2, b2, w3, b3)



def _shared_body(x1_ref, x2_ref, x3_ref, ws1_ref, bs1_ref, ws2_ref, bs2_ref,
                 wc_ref, bc_ref, probs_ref, gemb_ref):
    j = pl.program_id(1)
    xcat = jnp.concatenate([x1_ref[0], x2_ref[0], x3_ref[0]], axis=-1)
    h = jax.nn.relu(jnp.dot(xcat, ws1_ref[...]) + bs1_ref[...])
    sh = jax.nn.relu(jnp.dot(h, ws2_ref[...]) + bs2_ref[...])
    logits = jnp.dot(sh, wc_ref[...]) + bc_ref[...]
    probs_ref[0] = jax.nn.sigmoid(logits)
    gm = jnp.max(sh, axis=0)

    @pl.when(j == 0)
    def _():
        gemb_ref[0, 0] = gm

    @pl.when(j != 0)
    def _():
        gemb_ref[0, 0] = jnp.maximum(gemb_ref[0, 0], gm)


def _shared(x1, x2, x3, ws1, bs1, ws2, bs2, wc, bc):
    rb = 512
    wspec = lambda w: pl.BlockSpec(w.shape, lambda b, j: tuple(0 for _ in w.shape))
    return pl.pallas_call(
        _shared_body,
        grid=(B, N // rb),
        in_specs=[
            pl.BlockSpec((1, rb, 32), lambda b, j: (b, j, 0)),
            pl.BlockSpec((1, rb, 128), lambda b, j: (b, j, 0)),
            pl.BlockSpec((1, rb, 512), lambda b, j: (b, j, 0)),
            wspec(ws1), wspec(bs1), wspec(ws2), wspec(bs2), wspec(wc), wspec(bc),
        ],
        out_specs=[
            pl.BlockSpec((1, rb, 1), lambda b, j: (b, j, 0)),
            pl.BlockSpec((1, 1, 128), lambda b, j: (b, 0, 0)),
        ],
        out_shape=[
            jax.ShapeDtypeStruct((B, N, 1), jnp.float32),
            jax.ShapeDtypeStruct((B, 1, 128), jnp.float32),
        ],
    )(x1, x2, x3, ws1, bs1, ws2, bs2, wc, bc)



def _grasp_body(l1_ref, l2_ref, l3_ref, rep_ref, ap_ref, w1_ref, b1_ref,
                w2_ref, b2_ref, o_ref):
    gf = jnp.concatenate(
        [l1_ref[...], l2_ref[...], l3_ref[...], rep_ref[...], ap_ref[...]],
        axis=-1)
    h = jax.nn.relu(jnp.dot(gf, w1_ref[...]) + b1_ref[...])
    o_ref[...] = jnp.dot(h, w2_ref[...]) + b2_ref[...]


def _grasp(l1, l2, l3, rep, ap, w1, b1, w2, b2):
    m = l1.shape[0]
    return pl.pallas_call(
        _grasp_body,
        out_shape=jax.ShapeDtypeStruct((m, 16), jnp.float32),
    )(l1, l2, l3, rep, ap, w1, b1, w2, b2)



def kernel(pos, y, batch, params):
    p = params
    r2 = lambda b: b.reshape(1, -1)

    x0 = pos.reshape(B, N, 3)
    pos_pad = jnp.pad(pos, ((0, 0), (0, 13)))

    idx1 = _knn(x0, jnp.swapaxes(x0, 1, 2), 3)
    g1 = _gather_rows(pos_pad, idx1.reshape(-1), 2048)
    c1 = [(w, r2(b)) for w, b in p['conv1']]
    x1 = _edge(x0, g1.reshape(B, N, K, 16), c1, 3, 256)

    idx2 = _knn(x1, jnp.swapaxes(x1, 1, 2), 32)
    g2 = _gather_rows(x1.reshape(B * N, 32), idx2.reshape(-1), 1024)
    c2 = [(w, r2(b)) for w, b in p['conv2']]
    x2 = _edge(x1, g2.reshape(B, N, K, 32), c2, 32, 256)

    idx3 = _knn(x2, jnp.swapaxes(x2, 1, 2), 128)
    g3 = _gather_rows(x2.reshape(B * N, 128), idx3.reshape(-1), 512)
    c3 = [(w, r2(b)) for w, b in p['conv3']]
    x3 = _edge(x2, g3.reshape(B, N, K, 128), c3, 128, 256)

    (ws1, bs1), (ws2, bs2) = p['shared']
    wc, bc = p['cls']
    probs3, gemb3 = _shared(x1, x2, x3, ws1, r2(bs1), ws2, r2(bs2), wc, r2(bc))
    gemb = gemb3[:, 0, :]
    probs = probs3[..., 0]
    cls_out = probs.reshape(-1)

    keys = jax.random.split(jax.random.key(42), B)
    idx_s = jnp.stack([
        jax.random.choice(keys[i], N, shape=(NSAMP,), replace=True,
                          p=probs[i] / jnp.sum(probs[i]))
        for i in range(B)
    ])
    gidx = (idx_s.astype(jnp.int32)
            + (jnp.arange(B, dtype=jnp.int32) * N)[:, None]).reshape(-1)
    gidx = jnp.concatenate(
        [gidx, jnp.zeros((2048 - B * NSAMP,), jnp.int32)])

    apg, ggtg, l1g, l2g, l3g = _final_gather_sc(
        pos_pad, y, x1.reshape(B * N, 32), x2.reshape(B * N, 128),
        x3.reshape(B * N, 512), gidx)
    m = B * NSAMP
    ap = apg[:m, :3]
    ggt = ggtg[:m]

    rep = jnp.tile(gemb, (NSAMP, 1))
    (wg1, bg1), (wg2, bg2) = p['grasp']
    go = _grasp(l1g[:m], l2g[:m], l3g[:m], rep, ap,
                wg1, r2(bg1), wg2, r2(bg2))
    return cls_out, go, ap, ggt

# --- scband reference (transcript-rebuilt; emitter-appended) ---
"""Pipeline reference for scband-dyn-anet-54099408060629 (READ-ONLY COPY).

The authoritative reference and input builder live on the scoring server;
editing this copy changes nothing except your own understanding.
"""

import jax, jax.numpy as jnp
import numpy as np

B, NPTS, K, NSAMP = 4, 2048, 16, 500


def _mlp(x, layers):
    # torch_geometric-style MLP (Lin -> ReLU -> BN); eval-mode BN with default
    # running stats (mean=0, var=1, gamma=1, beta=0) is identity, so Lin+ReLU.
    for W, b in layers:
        x = jax.nn.relu(x @ W + b)
    return x


def _edge_conv(x, layers, k):
    # DynamicEdgeConv: kNN graph in feature space (per-graph), edge feature
    # [x_i, x_j - x_i], shared MLP, max aggregation over neighbors.
    n = x.shape[1]
    sq = jnp.sum(x * x, axis=-1)
    d = sq[:, :, None] + sq[:, None, :] - 2.0 * jnp.einsum('bnd,bmd->bnm', x, x)
    d = jnp.where(jnp.eye(n, dtype=bool)[None, :, :], jnp.inf, d)  # loop=False
    _, idx = jax.lax.top_k(-d, k)  # [B, n, k] nearest neighbors
    xj = jax.vmap(lambda xb, ib: xb[ib])(x, idx)  # gather [B, n, k, d]
    xi = jnp.broadcast_to(x[:, :, None, :], xj.shape)
    h = _mlp(jnp.concatenate([xi, xj - xi], axis=-1), layers)
    return jnp.max(h, axis=2)


def _forward(pos, y, params):
    x0 = pos.reshape(B, NPTS, 3)
    x1 = _edge_conv(x0, params['conv1'], K)   # [B, n, 32]
    x2 = _edge_conv(x1, params['conv2'], K)   # [B, n, 128]
    x3 = _edge_conv(x2, params['conv3'], K)   # [B, n, 512]
    x = jnp.concatenate([x1, x2, x3], axis=-1)  # [B, n, 672]
    shared = _mlp(x, params['shared'])          # [B, n, 128]
    Wc, bc = params['cls']
    logits = (shared @ Wc + bc)[..., 0]
    cls_out = jax.nn.sigmoid(logits)            # [B, n]
    gemb = jnp.max(shared, axis=1)              # global_max_pool -> [B, 128]
    # eval-path: multinomial sampling from classification probabilities
    probs = jax.lax.stop_gradient(cls_out)
    keys = jax.random.split(jax.random.key(42), B)
    idx = jnp.stack([
        jax.random.choice(keys[i], NPTS, shape=(NSAMP,), replace=True,
                          p=probs[i] / jnp.sum(probs[i]))
        for i in range(B)
    ])  # [B, NSAMP]
    gather = jax.vmap(lambda a, ib: a[ib])
    ap = gather(x0, idx).reshape(B * NSAMP, 3)                    # approach_points
    ggt = gather(y.reshape(B, NPTS, 16), idx).reshape(B * NSAMP, 16)  # grasp_gt
    loc = gather(x, idx).reshape(B * NSAMP, 672)                  # selected local feats
    rep = jnp.tile(gemb, (NSAMP, 1))  # faithful to torch .repeat(NSAMP, 1)
    gf = jnp.concatenate([loc, rep, ap], axis=1)  # [B*NSAMP, 803]
    (W1, b1), (W2, b2) = params['grasp']
    go = jax.nn.relu(gf @ W1 + b1) @ W2 + b2      # grasp head, [B*NSAMP, 16]
    go = go.reshape(-1, 4, 4).reshape(-1, 16)      # original in-place add is discarded (no-op)
    return cls_out.reshape(-1), go, ap, ggt


def setup_inputs(seed: int = 0):
    key = jax.random.key(seed)
    ks = jax.random.split(key, 8)
    pos = jax.random.normal(ks[0], (B * NPTS, 3), dtype=jnp.float32)
    y = jax.random.normal(ks[1], (B * NPTS, 16), dtype=jnp.float32)
    batch = jnp.repeat(jnp.arange(B, dtype=jnp.int32), NPTS)

    def lin(k, fin, fout):
        return (jax.random.normal(k, (fin, fout), dtype=jnp.float32) / np.sqrt(fin),
                jnp.zeros((fout,), dtype=jnp.float32))

    def mlp(kbase, dims):
        kk = jax.random.split(kbase, len(dims) - 1)
        return [lin(kk[i], dims[i], dims[i + 1]) for i in range(len(dims) - 1)]

    params = {
        'conv1': mlp(ks[2], [6, 16, 16, 32]),
        'conv2': mlp(ks[3], [64, 64, 64, 128]),
        'conv3': mlp(ks[4], [256, 256, 256, 512]),
        'shared': mlp(ks[5], [672, 256, 128]),
        'cls': lin(ks[6], 128, 1),
        'grasp': mlp(ks[7], [803, 64, 16]),
    }
    return {'pos': pos, 'y': y, 'batch': batch, 'params': params}


def reference(pos, y, batch, params):
    # batch is structurally encoded as B equal-sized graphs of NPTS points
    return _forward(pos, y, params)

if __name__ == "__main__":
    import jax
    _d = setup_inputs()
    print(jax.jit(kernel)(*tuple(_d.values())))

</pallas_src>

<mosaic_0001>
#map = affine_map<(d0, d1) -> (0, 0)>
#map1 = affine_map<(d0, d1) -> (0)>
module attributes {stable_mosaic.version = 14 : i64} {
  func.func @gk(%arg0: i32, %arg1: i32, %arg2: memref<8192x16xf32, #tpu.memory_space<hbm>>, %arg3: memref<131072xi32, #tpu.memory_space<hbm>>, %arg4: memref<131072x16xf32, #tpu.memory_space<hbm>>, %arg5: memref<2048xi32, #tpu.memory_space<vmem>>, %arg6: memref<2048x16xf32, #tpu.memory_space<vmem>>, %arg7: memref<!tpu.dma_semaphore, #tpu.memory_space<semaphore_mem>>) attributes {dimension_semantics = [#tpu.dimension_semantics<core_parallel>, #tpu.dimension_semantics<subcore_parallel>], iteration_bounds = array<i64: 2, 16>, scalar_prefetch = 0 : i64, scratch_operands = 3 : i64, tpu.core_type = #tpu.core_type<sc_vector_subcore>, window_params = [{transform_indices = #map}, {transform_indices = #map1}, {transform_indices = #map}]} {
    %mul3A = arith.constant 2 : i32
    %mul3A_0 = arith.muli %arg1, %mul3A : i32
    %add3A = arith.addi %mul3A_0, %arg0 : i32
    %mul3A_1 = arith.constant 4096 : i32
    %mul3A_2 = arith.muli %add3A, %mul3A_1 : i32
    %scan3A = arith.constant 0 : i32
    %scan3A_3 = arith.constant 0 : i32
    %scan3A_4 = arith.constant 2 : i32
    %scan3A_5 = arith.addi %scan3A_3, %scan3A_4 : i32
    %scan3A_6 = arith.constant 1 : i32
    scf.for %scan3A_8 = %scan3A_3 to %scan3A_5 step %scan3A_6  : i32 {
      %mul3A_9 = arith.constant 2048 : i32
      %mul3A_10 = arith.muli %scan3A_8, %mul3A_9 : i32
      %add3A_11 = arith.addi %mul3A_2, %mul3A_10 : i32
      "tpu.region"() ({
        %run_scoped3A = tpu.sem_alloc : memref<!tpu.dma_semaphore, #tpu.memory_space<semaphore_mem>>
        %dma_start3A_16 = tpu.memref_slice %arg3[%add3A_11] : memref<131072xi32, #tpu.memory_space<hbm>> -> memref<2048xi32, #tpu.memory_space<hbm>>
        %dma_start3A_17 = tpu.memref_slice %arg3[%add3A_11] : memref<131072xi32, #tpu.memory_space<hbm>> -> memref<2048xi32, #tpu.memory_space<hbm>>
        tpu.enqueue_dma source(%dma_start3A_17 : memref<2048xi32, #tpu.memory_space<hbm>>) target(%arg5 : memref<2048xi32, #tpu.memory_space<vmem>>) target_semaphore(%run_scoped3A : memref<!tpu.dma_semaphore, #tpu.memory_space<semaphore_mem>>)
        %dma_wait3A_18 = tpu.memref_slice %arg3[%add3A_11] : memref<131072xi32, #tpu.memory_space<hbm>> -> memref<2048xi32, #tpu.memory_space<hbm>>
        %dma_wait3A_19 = tpu.memref_slice %arg3[%add3A_11] : memref<131072xi32, #tpu.memory_space<hbm>> -> memref<2048xi32, #tpu.memory_space<hbm>>
        tpu.wait_dma2 semaphore(%run_scoped3A : memref<!tpu.dma_semaphore, #tpu.memory_space<semaphore_mem>>) src(%dma_wait3A_19 : memref<2048xi32, #tpu.memory_space<hbm>>) dst(%arg5 : memref<2048xi32, #tpu.memory_space<vmem>>)
        tpu.yield
      }) : () -> ()
      %dma_start3A = arith.constant 0 : i32
      %dma_start3A_12 = arith.constant 0 : i32
      %dma_start3A_13 = tpu.memref_slice %arg2[%dma_start3A, %dma_start3A_12] : memref<8192x16xf32, #tpu.memory_space<hbm>> -> memref<8192x16xf32, #tpu.memory_space<hbm>>
      tpu.enqueue_indirect_dma source(%dma_start3A_13 : memref<8192x16xf32, #tpu.memory_space<hbm>>) target(%arg6 : memref<2048x16xf32, #tpu.memory_space<vmem>>) offsets(%arg5 : memref<2048xi32, #tpu.memory_space<vmem>>) semaphore(%arg7 : memref<!tpu.dma_semaphore, #tpu.memory_space<semaphore_mem>>)
      %dma_wait3A = arith.constant 0 : i32
      %dma_wait3A_14 = arith.constant 0 : i32
      %dma_wait3A_15 = tpu.memref_slice %arg2[%dma_wait3A, %dma_wait3A_14] : memref<8192x16xf32, #tpu.memory_space<hbm>> -> memref<8192x16xf32, #tpu.memory_space<hbm>>
      tpu.wait_indirect_dma semaphore(%arg7 : memref<!tpu.dma_semaphore, #tpu.memory_space<semaphore_mem>>) src(%dma_wait3A_15 : memref<8192x16xf32, #tpu.memory_space<hbm>>) dst(%arg6 : memref<2048x16xf32, #tpu.memory_space<vmem>>)
      "tpu.region"() ({
        %run_scoped3A = tpu.sem_alloc : memref<!tpu.dma_semaphore, #tpu.memory_space<semaphore_mem>>
        %dma_start3A_16 = arith.constant 0 : i32
        %dma_start3A_17 = tpu.memref_slice %arg4[%add3A_11, %dma_start3A_16] : memref<131072x16xf32, #tpu.memory_space<hbm>> -> memref<2048x16xf32, #tpu.memory_space<hbm>>
        %dma_start3A_18 = arith.constant 0 : i32
        %dma_start3A_19 = tpu.memref_slice %arg4[%add3A_11, %dma_start3A_18] : memref<131072x16xf32, #tpu.memory_space<hbm>> -> memref<2048x16xf32, #tpu.memory_space<hbm>>
        tpu.enqueue_dma source(%arg6 : memref<2048x16xf32, #tpu.memory_space<vmem>>) target(%dma_start3A_19 : memref<2048x16xf32, #tpu.memory_space<hbm>>) target_semaphore(%run_scoped3A : memref<!tpu.dma_semaphore, #tpu.memory_space<semaphore_mem>>)
        %dma_wait3A_20 = arith.constant 0 : i32
        %dma_wait3A_21 = tpu.memref_slice %arg4[%add3A_11, %dma_wait3A_20] : memref<131072x16xf32, #tpu.memory_space<hbm>> -> memref<2048x16xf32, #tpu.memory_space<hbm>>
        %dma_wait3A_22 = arith.constant 0 : i32
        %dma_wait3A_23 = tpu.memref_slice %arg4[%add3A_11, %dma_wait3A_22] : memref<131072x16xf32, #tpu.memory_space<hbm>> -> memref<2048x16xf32, #tpu.memory_space<hbm>>
        tpu.wait_dma2 semaphore(%run_scoped3A : memref<!tpu.dma_semaphore, #tpu.memory_space<semaphore_mem>>) src(%arg6 : memref<2048x16xf32, #tpu.memory_space<vmem>>) dst(%dma_wait3A_23 : memref<2048x16xf32, #tpu.memory_space<hbm>>)
        tpu.yield
      }) : () -> ()
    }
    %scan3A_7 = arith.constant 2 : i32
    return
  }
}

#map = affine_map<(d0, d1) -> (0, 0)>
#map1 = affine_map<(d0, d1) -> (0)>
module attributes {stable_mosaic.version = 14 : i64} {
  func.func @gk(%arg0: i32, %arg1: i32, %arg2: memref<8192x128xf32, #tpu.memory_space<hbm>>, %arg3: memref<131072xi32, #tpu.memory_space<hbm>>, %arg4: memref<131072x128xf32, #tpu.memory_space<hbm>>, %arg5: memref<512xi32, #tpu.memory_space<vmem>>, %arg6: memref<512x128xf32, #tpu.memory_space<vmem>>, %arg7: memref<!tpu.dma_semaphore, #tpu.memory_space<semaphore_mem>>) attributes {dimension_semantics = [#tpu.dimension_semantics<core_parallel>, #tpu.dimension_semantics<subcore_parallel>], iteration_bounds = array<i64: 2, 16>, scalar_prefetch = 0 : i64, scratch_operands = 3 : i64, tpu.core_type = #tpu.core_type<sc_vector_subcore>, window_params = [{transform_indices = #map}, {transform_indices = #map1}, {transform_indices = #map}]} {
    %mul3A = arith.constant 2 : i32
    %mul3A_0 = arith.muli %arg1, %mul3A : i32
    %add3A = arith.addi %mul3A_0, %arg0 : i32
    %mul3A_1 = arith.constant 4096 : i32
    %mul3A_2 = arith.muli %add3A, %mul3A_1 : i32
    %scan3A = arith.constant 0 : i32
    %scan3A_3 = arith.constant 0 : i32
    %scan3A_4 = arith.constant 8 : i32
    %scan3A_5 = arith.addi %scan3A_3, %scan3A_4 : i32
    %scan3A_6 = arith.constant 1 : i32
    scf.for %scan3A_8 = %scan3A_3 to %scan3A_5 step %scan3A_6  : i32 {
      %mul3A_9 = arith.constant 512 : i32
      %mul3A_10 = arith.muli %scan3A_8, %mul3A_9 : i32
      %add3A_11 = arith.addi %mul3A_2, %mul3A_10 : i32
      "tpu.region"() ({
        %run_scoped3A = tpu.sem_alloc : memref<!tpu.dma_semaphore, #tpu.memory_space<semaphore_mem>>
        %dma_start3A_16 = tpu.memref_slice %arg3[%add3A_11] : memref<131072xi32, #tpu.memory_space<hbm>> -> memref<512xi32, #tpu.memory_space<hbm>>
        %dma_start3A_17 = tpu.memref_slice %arg3[%add3A_11] : memref<131072xi32, #tpu.memory_space<hbm>> -> memref<512xi32, #tpu.memory_space<hbm>>
        tpu.enqueue_dma source(%dma_start3A_17 : memref<512xi32, #tpu.memory_space<hbm>>) target(%arg5 : memref<512xi32, #tpu.memory_space<vmem>>) target_semaphore(%run_scoped3A : memref<!tpu.dma_semaphore, #tpu.memory_space<semaphore_mem>>)
        %dma_wait3A_18 = tpu.memref_slice %arg3[%add3A_11] : memref<131072xi32, #tpu.memory_space<hbm>> -> memref<512xi32, #tpu.memory_space<hbm>>
        %dma_wait3A_19 = tpu.memref_slice %arg3[%add3A_11] : memref<131072xi32, #tpu.memory_space<hbm>> -> memref<512xi32, #tpu.memory_space<hbm>>
        tpu.wait_dma2 semaphore(%run_scoped3A : memref<!tpu.dma_semaphore, #tpu.memory_space<semaphore_mem>>) src(%dma_wait3A_19 : memref<512xi32, #tpu.memory_space<hbm>>) dst(%arg5 : memref<512xi32, #tpu.memory_space<vmem>>)
        tpu.yield
      }) : () -> ()
      %dma_start3A = arith.constant 0 : i32
      %dma_start3A_12 = arith.constant 0 : i32
      %dma_start3A_13 = tpu.memref_slice %arg2[%dma_start3A, %dma_start3A_12] : memref<8192x128xf32, #tpu.memory_space<hbm>> -> memref<8192x128xf32, #tpu.memory_space<hbm>>
      tpu.enqueue_indirect_dma source(%dma_start3A_13 : memref<8192x128xf32, #tpu.memory_space<hbm>>) target(%arg6 : memref<512x128xf32, #tpu.memory_space<vmem>>) offsets(%arg5 : memref<512xi32, #tpu.memory_space<vmem>>) semaphore(%arg7 : memref<!tpu.dma_semaphore, #tpu.memory_space<semaphore_mem>>)
      %dma_wait3A = arith.constant 0 : i32
      %dma_wait3A_14 = arith.constant 0 : i32
      %dma_wait3A_15 = tpu.memref_slice %arg2[%dma_wait3A, %dma_wait3A_14] : memref<8192x128xf32, #tpu.memory_space<hbm>> -> memref<8192x128xf32, #tpu.memory_space<hbm>>
      tpu.wait_indirect_dma semaphore(%arg7 : memref<!tpu.dma_semaphore, #tpu.memory_space<semaphore_mem>>) src(%dma_wait3A_15 : memref<8192x128xf32, #tpu.memory_space<hbm>>) dst(%arg6 : memref<512x128xf32, #tpu.memory_space<vmem>>)
      "tpu.region"() ({
        %run_scoped3A = tpu.sem_alloc : memref<!tpu.dma_semaphore, #tpu.memory_space<semaphore_mem>>
        %dma_start3A_16 = arith.constant 0 : i32
        %dma_start3A_17 = tpu.memref_slice %arg4[%add3A_11, %dma_start3A_16] : memref<131072x128xf32, #tpu.memory_space<hbm>> -> memref<512x128xf32, #tpu.memory_space<hbm>>
        %dma_start3A_18 = arith.constant 0 : i32
        %dma_start3A_19 = tpu.memref_slice %arg4[%add3A_11, %dma_start3A_18] : memref<131072x128xf32, #tpu.memory_space<hbm>> -> memref<512x128xf32, #tpu.memory_space<hbm>>
        tpu.enqueue_dma source(%arg6 : memref<512x128xf32, #tpu.memory_space<vmem>>) target(%dma_start3A_19 : memref<512x128xf32, #tpu.memory_space<hbm>>) target_semaphore(%run_scoped3A : memref<!tpu.dma_semaphore, #tpu.memory_space<semaphore_mem>>)
        %dma_wait3A_20 = arith.constant 0 : i32
        %dma_wait3A_21 = tpu.memref_slice %arg4[%add3A_11, %dma_wait3A_20] : memref<131072x128xf32, #tpu.memory_space<hbm>> -> memref<512x128xf32, #tpu.memory_space<hbm>>
        %dma_wait3A_22 = arith.constant 0 : i32
        %dma_wait3A_23 = tpu.memref_slice %arg4[%add3A_11, %dma_wait3A_22] : memref<131072x128xf32, #tpu.memory_space<hbm>> -> memref<512x128xf32, #tpu.memory_space<hbm>>
        tpu.wait_dma2 semaphore(%run_scoped3A : memref<!tpu.dma_semaphore, #tpu.memory_space<semaphore_mem>>) src(%arg6 : memref<512x128xf32, #tpu.memory_space<vmem>>) dst(%dma_wait3A_23 : memref<512x128xf32, #tpu.memory_space<hbm>>)
        tpu.yield
      }) : () -> ()
    }
    %scan3A_7 = arith.constant 8 : i32
    return
  }
}

#map = affine_map<(d0, d1) -> (0, 0)>
#map1 = affine_map<(d0, d1) -> (0)>
module attributes {stable_mosaic.version = 14 : i64} {
  func.func @gk(%arg0: i32, %arg1: i32, %arg2: memref<8192x16xf32, #tpu.memory_space<hbm>>, %arg3: memref<8192x16xf32, #tpu.memory_space<hbm>>, %arg4: memref<8192x32xf32, #tpu.memory_space<hbm>>, %arg5: memref<8192x128xf32, #tpu.memory_space<hbm>>, %arg6: memref<8192x512xf32, #tpu.memory_space<hbm>>, %arg7: memref<2048xi32, #tpu.memory_space<hbm>>, %arg8: memref<2048x16xf32, #tpu.memory_space<hbm>>, %arg9: memref<2048x16xf32, #tpu.memory_space<hbm>>, %arg10: memref<2048x32xf32, #tpu.memory_space<hbm>>, %arg11: memref<2048x128xf32, #tpu.memory_space<hbm>>, %arg12: memref<2048x512xf32, #tpu.memory_space<hbm>>, %arg13: memref<64xi32, #tpu.memory_space<vmem>>, %arg14: memref<64x16xf32, #tpu.memory_space<vmem>>, %arg15: memref<64x16xf32, #tpu.memory_space<vmem>>, %arg16: memref<64x32xf32, #tpu.memory_space<vmem>>, %arg17: memref<64x128xf32, #tpu.memory_space<vmem>>, %arg18: memref<64x512xf32, #tpu.memory_space<vmem>>, %arg19: memref<!tpu.dma_semaphore, #tpu.memory_space<semaphore_mem>>) attributes {dimension_semantics = [#tpu.dimension_semantics<core_parallel>, #tpu.dimension_semantics<subcore_parallel>], iteration_bounds = array<i64: 2, 16>, scalar_prefetch = 0 : i64, scratch_operands = 7 : i64, tpu.core_type = #tpu.core_type<sc_vector_subcore>, window_params = [{transform_indices = #map}, {transform_indices = #map}, {transform_indices = #map}, {transform_indices = #map}, {transform_indices = #map}, {transform_indices = #map1}, {transform_indices = #map}, {transform_indices = #map}, {transform_indices = #map}, {transform_indices = #map}, {transform_indices = #map}]} {
    %mul3A = arith.constant 2 : i32
    %mul3A_0 = arith.muli %arg1, %mul3A : i32
    %add3A = arith.addi %mul3A_0, %arg0 : i32
    %mul3A_1 = arith.constant 64 : i32
    %mul3A_2 = arith.muli %add3A, %mul3A_1 : i32
    "tpu.region"() ({
      %run_scoped3A = tpu.sem_alloc : memref<!tpu.dma_semaphore, #tpu.memory_space<semaphore_mem>>
      %dma_start3A_31 = tpu.memref_slice %arg7[%mul3A_2] : memref<2048xi32, #tpu.memory_space<hbm>> -> memref<64xi32, #tpu.memory_space<hbm>>
      %dma_start3A_32 = tpu.memref_slice %arg7[%mul3A_2] : memref<2048xi32, #tpu.memory_space<hbm>> -> memref<64xi32, #tpu.memory_space<hbm>>
      tpu.enqueue_dma source(%dma_start3A_32 : memref<64xi32, #tpu.memory_space<hbm>>) target(%arg13 : memref<64xi32, #tpu.memory_space<vmem>>) target_semaphore(%run_scoped3A : memref<!tpu.dma_semaphore, #tpu.memory_space<semaphore_mem>>)
      %dma_wait3A_33 = tpu.memref_slice %arg7[%mul3A_2] : memref<2048xi32, #tpu.memory_space<hbm>> -> memref<64xi32, #tpu.memory_space<hbm>>
      %dma_wait3A_34 = tpu.memref_slice %arg7[%mul3A_2] : memref<2048xi32, #tpu.memory_space<hbm>> -> memref<64xi32, #tpu.memory_space<hbm>>
      tpu.wait_dma2 semaphore(%run_scoped3A : memref<!tpu.dma_semaphore, #tpu.memory_space<semaphore_mem>>) src(%dma_wait3A_34 : memref<64xi32, #tpu.memory_space<hbm>>) dst(%arg13 : memref<64xi32, #tpu.memory_space<vmem>>)
      tpu.yield
    }) : () -> ()
    %dma_start3A = arith.constant 0 : i32
    %dma_start3A_3 = arith.constant 0 : i32
    %dma_start3A_4 = tpu.memref_slice %arg2[%dma_start3A, %dma_start3A_3] : memref<8192x16xf32, #tpu.memory_space<hbm>> -> memref<8192x16xf32, #tpu.memory_space<hbm>>
    tpu.enqueue_indirect_dma source(%dma_start3A_4 : memref<8192x16xf32, #tpu.memory_space<hbm>>) target(%arg14 : memref<64x16xf32, #tpu.memory_space<vmem>>) offsets(%arg13 : memref<64xi32, #tpu.memory_space<vmem>>) semaphore(%arg19 : memref<!tpu.dma_semaphore, #tpu.memory_space<semaphore_mem>>)
    %dma_wait3A = arith.constant 0 : i32
    %dma_wait3A_5 = arith.constant 0 : i32
    %dma_wait3A_6 = tpu.memref_slice %arg2[%dma_wait3A, %dma_wait3A_5] : memref<8192x16xf32, #tpu.memory_space<hbm>> -> memref<8192x16xf32, #tpu.memory_space<hbm>>
    tpu.wait_indirect_dma semaphore(%arg19 : memref<!tpu.dma_semaphore, #tpu.memory_space<semaphore_mem>>) src(%dma_wait3A_6 : memref<8192x16xf32, #tpu.memory_space<hbm>>) dst(%arg14 : memref<64x16xf32, #tpu.memory_space<vmem>>)
    "tpu.region"() ({
      %run_scoped3A = tpu.sem_alloc : memref<!tpu.dma_semaphore, #tpu.memory_space<semaphore_mem>>
      %dma_start3A_31 = arith.constant 0 : i32
      %dma_start3A_32 = tpu.memref_slice %arg8[%mul3A_2, %dma_start3A_31] : memref<2048x16xf32, #tpu.memory_space<hbm>> -> memref<64x16xf32, #tpu.memory_space<hbm>>
      %dma_start3A_33 = arith.constant 0 : i32
      %dma_start3A_34 = tpu.memref_slice %arg8[%mul3A_2, %dma_start3A_33] : memref<2048x16xf32, #tpu.memory_space<hbm>> -> memref<64x16xf32, #tpu.memory_space<hbm>>
      tpu.enqueue_dma source(%arg14 : memref<64x16xf32, #tpu.memory_space<vmem>>) target(%dma_start3A_34 : memref<64x16xf32, #tpu.memory_space<hbm>>) target_semaphore(%run_scoped3A : memref<!tpu.dma_semaphore, #tpu.memory_space<semaphore_mem>>)
      %dma_wait3A_35 = arith.constant 0 : i32
      %dma_wait3A_36 = tpu.memref_slice %arg8[%mul3A_2, %dma_wait3A_35] : memref<2048x16xf32, #tpu.memory_space<hbm>> -> memref<64x16xf32, #tpu.memory_space<hbm>>
      %dma_wait3A_37 = arith.constant 0 : i32
      %dma_wait3A_38 = tpu.memref_slice %arg8[%mul3A_2, %dma_wait3A_37] : memref<2048x16xf32, #tpu.memory_space<hbm>> -> memref<64x16xf32, #tpu.memory_space<hbm>>
      tpu.wait_dma2 semaphore(%run_scoped3A : memref<!tpu.dma_semaphore, #tpu.memory_space<semaphore_mem>>) src(%arg14 : memref<64x16xf32, #tpu.memory_space<vmem>>) dst(%dma_wait3A_38 : memref<64x16xf32, #tpu.memory_space<hbm>>)
      tpu.yield
    }) : () -> ()
    %dma_start3A_7 = arith.constant 0 : i32
    %dma_start3A_8 = arith.constant 0 : i32
    %dma_start3A_9 = tpu.memref_slice %arg3[%dma_start3A_7, %dma_start3A_8] : memref<8192x16xf32, #tpu.memory_space<hbm>> -> memref<8192x16xf32, #tpu.memory_space<hbm>>
    tpu.enqueue_indirect_dma source(%dma_start3A_9 : memref<8192x16xf32, #tpu.memory_space<hbm>>) target(%arg15 : memref<64x16xf32, #tpu.memory_space<vmem>>) offsets(%arg13 : memref<64xi32, #tpu.memory_space<vmem>>) semaphore(%arg19 : memref<!tpu.dma_semaphore, #tpu.memory_space<semaphore_mem>>)
    %dma_wait3A_10 = arith.constant 0 : i32
    %dma_wait3A_11 = arith.constant 0 : i32
    %dma_wait3A_12 = tpu.memref_slice %arg3[%dma_wait3A_10, %dma_wait3A_11] : memref<8192x16xf32, #tpu.memory_space<hbm>> -> memref<8192x16xf32, #tpu.memory_space<hbm>>
    tpu.wait_indirect_dma semaphore(%arg19 : memref<!tpu.dma_semaphore, #tpu.memory_space<semaphore_mem>>) src(%dma_wait3A_12 : memref<8192x16xf32, #tpu.memory_space<hbm>>) dst(%arg15 : memref<64x16xf32, #tpu.memory_space<vmem>>)
    "tpu.region"() ({
      %run_scoped3A = tpu.sem_alloc : memref<!tpu.dma_semaphore, #tpu.memory_space<semaphore_mem>>
      %dma_start3A_31 = arith.constant 0 : i32
      %dma_start3A_32 = tpu.memref_slice %arg9[%mul3A_2, %dma_start3A_31] : memref<2048x16xf32, #tpu.memory_space<hbm>> -> memref<64x16xf32, #tpu.memory_space<hbm>>
      %dma_start3A_33 = arith.constant 0 : i32
      %dma_start3A_34 = tpu.memref_slice %arg9[%mul3A_2, %dma_start3A_33] : memref<2048x16xf32, #tpu.memory_space<hbm>> -> memref<64x16xf32, #tpu.memory_space<hbm>>
      tpu.enqueue_dma source(%arg15 : memref<64x16xf32, #tpu.memory_space<vmem>>) target(%dma_start3A_34 : memref<64x16xf32, #tpu.memory_space<hbm>>) target_semaphore(%run_scoped3A : memref<!tpu.dma_semaphore, #tpu.memory_space<semaphore_mem>>)
      %dma_wait3A_35 = arith.constant 0 : i32
      %dma_wait3A_36 = tpu.memref_slice %arg9[%mul3A_2, %dma_wait3A_35] : memref<2048x16xf32, #tpu.memory_space<hbm>> -> memref<64x16xf32, #tpu.memory_space<hbm>>
      %dma_wait3A_37 = arith.constant 0 : i32
      %dma_wait3A_38 = tpu.memref_slice %arg9[%mul3A_2, %dma_wait3A_37] : memref<2048x16xf32, #tpu.memory_space<hbm>> -> memref<64x16xf32, #tpu.memory_space<hbm>>
      tpu.wait_dma2 semaphore(%run_scoped3A : memref<!tpu.dma_semaphore, #tpu.memory_space<semaphore_mem>>) src(%arg15 : memref<64x16xf32, #tpu.memory_space<vmem>>) dst(%dma_wait3A_38 : memref<64x16xf32, #tpu.memory_space<hbm>>)
      tpu.yield
    }) : () -> ()
    %dma_start3A_13 = arith.constant 0 : i32
    %dma_start3A_14 = arith.constant 0 : i32
    %dma_start3A_15 = tpu.memref_slice %arg4[%dma_start3A_13, %dma_start3A_14] : memref<8192x32xf32, #tpu.memory_space<hbm>> -> memref<8192x32xf32, #tpu.memory_space<hbm>>
    tpu.enqueue_indirect_dma source(%dma_start3A_15 : memref<8192x32xf32, #tpu.memory_space<hbm>>) target(%arg16 : memref<64x32xf32, #tpu.memory_space<vmem>>) offsets(%arg13 : memref<64xi32, #tpu.memory_space<vmem>>) semaphore(%arg19 : memref<!tpu.dma_semaphore, #tpu.memory_space<semaphore_mem>>)
    %dma_wait3A_16 = arith.constant 0 : i32
    %dma_wait3A_17 = arith.constant 0 : i32
    %dma_wait3A_18 = tpu.memref_slice %arg4[%dma_wait3A_16, %dma_wait3A_17] : memref<8192x32xf32, #tpu.memory_space<hbm>> -> memref<8192x32xf32, #tpu.memory_space<hbm>>
    tpu.wait_indirect_dma semaphore(%arg19 : memref<!tpu.dma_semaphore, #tpu.memory_space<semaphore_mem>>) src(%dma_wait3A_18 : memref<8192x32xf32, #tpu.memory_space<hbm>>) dst(%arg16 : memref<64x32xf32, #tpu.memory_space<vmem>>)
    "tpu.region"() ({
      %run_scoped3A = tpu.sem_alloc : memref<!tpu.dma_semaphore, #tpu.memory_space<semaphore_mem>>
      %dma_start3A_31 = arith.constant 0 : i32
      %dma_start3A_32 = tpu.memref_slice %arg10[%mul3A_2, %dma_start3A_31] : memref<2048x32xf32, #tpu.memory_space<hbm>> -> memref<64x32xf32, #tpu.memory_space<hbm>>
      %dma_start3A_33 = arith.constant 0 : i32
      %dma_start3A_34 = tpu.memref_slice %arg10[%mul3A_2, %dma_start3A_33] : memref<2048x32xf32, #tpu.memory_space<hbm>> -> memref<64x32xf32, #tpu.memory_space<hbm>>
      tpu.enqueue_dma source(%arg16 : memref<64x32xf32, #tpu.memory_space<vmem>>) target(%dma_start3A_34 : memref<64x32xf32, #tpu.memory_space<hbm>>) target_semaphore(%run_scoped3A : memref<!tpu.dma_semaphore, #tpu.memory_space<semaphore_mem>>)
      %dma_wait3A_35 = arith.constant 0 : i32
      %dma_wait3A_36 = tpu.memref_slice %arg10[%mul3A_2, %dma_wait3A_35] : memref<2048x32xf32, #tpu.memory_space<hbm>> -> memref<64x32xf32, #tpu.memory_space<hbm>>
      %dma_wait3A_37 = arith.constant 0 : i32
      %dma_wait3A_38 = tpu.memref_slice %arg10[%mul3A_2, %dma_wait3A_37] : memref<2048x32xf32, #tpu.memory_space<hbm>> -> memref<64x32xf32, #tpu.memory_space<hbm>>
      tpu.wait_dma2 semaphore(%run_scoped3A : memref<!tpu.dma_semaphore, #tpu.memory_space<semaphore_mem>>) src(%arg16 : memref<64x32xf32, #tpu.memory_space<vmem>>) dst(%dma_wait3A_38 : memref<64x32xf32, #tpu.memory_space<hbm>>)
      tpu.yield
    }) : () -> ()
    %dma_start3A_19 = arith.constant 0 : i32
    %dma_start3A_20 = arith.constant 0 : i32
    %dma_start3A_21 = tpu.memref_slice %arg5[%dma_start3A_19, %dma_start3A_20] : memref<8192x128xf32, #tpu.memory_space<hbm>> -> memref<8192x128xf32, #tpu.memory_space<hbm>>
    tpu.enqueue_indirect_dma source(%dma_start3A_21 : memref<8192x128xf32, #tpu.memory_space<hbm>>) target(%arg17 : memref<64x128xf32, #tpu.memory_space<vmem>>) offsets(%arg13 : memref<64xi32, #tpu.memory_space<vmem>>) semaphore(%arg19 : memref<!tpu.dma_semaphore, #tpu.memory_space<semaphore_mem>>)
    %dma_wait3A_22 = arith.constant 0 : i32
    %dma_wait3A_23 = arith.constant 0 : i32
    %dma_wait3A_24 = tpu.memref_slice %arg5[%dma_wait3A_22, %dma_wait3A_23] : memref<8192x128xf32, #tpu.memory_space<hbm>> -> memref<8192x128xf32, #tpu.memory_space<hbm>>
    tpu.wait_indirect_dma semaphore(%arg19 : memref<!tpu.dma_semaphore, #tpu.memory_space<semaphore_mem>>) src(%dma_wait3A_24 : memref<8192x128xf32, #tpu.memory_space<hbm>>) dst(%arg17 : memref<64x128xf32, #tpu.memory_space<vmem>>)
    "tpu.region"() ({
      %run_scoped3A = tpu.sem_alloc : memref<!tpu.dma_semaphore, #tpu.memory_space<semaphore_mem>>
      %dma_start3A_31 = arith.constant 0 : i32
      %dma_start3A_32 = tpu.memref_slice %arg11[%mul3A_2, %dma_start3A_31] : memref<2048x128xf32, #tpu.memory_space<hbm>> -> memref<64x128xf32, #tpu.memory_space<hbm>>
      %dma_start3A_33 = arith.constant 0 : i32
      %dma_start3A_34 = tpu.memref_slice %arg11[%mul3A_2, %dma_start3A_33] : memref<2048x128xf32, #tpu.memory_space<hbm>> -> memref<64x128xf32, #tpu.memory_space<hbm>>
      tpu.enqueue_dma source(%arg17 : memref<64x128xf32, #tpu.memory_space<vmem>>) target(%dma_start3A_34 : memref<64x128xf32, #tpu.memory_space<hbm>>) target_semaphore(%run_scoped3A : memref<!tpu.dma_semaphore, #tpu.memory_space<semaphore_mem>>)
      %dma_wait3A_35 = arith.constant 0 : i32
      %dma_wait3A_36 = tpu.memref_slice %arg11[%mul3A_2, %dma_wait3A_35] : memref<2048x128xf32, #tpu.memory_space<hbm>> -> memref<64x128xf32, #tpu.memory_space<hbm>>
      %dma_wait3A_37 = arith.constant 0 : i32
      %dma_wait3A_38 = tpu.memref_slice %arg11[%mul3A_2, %dma_wait3A_37] : memref<2048x128xf32, #tpu.memory_space<hbm>> -> memref<64x128xf32, #tpu.memory_space<hbm>>
      tpu.wait_dma2 semaphore(%run_scoped3A : memref<!tpu.dma_semaphore, #tpu.memory_space<semaphore_mem>>) src(%arg17 : memref<64x128xf32, #tpu.memory_space<vmem>>) dst(%dma_wait3A_38 : memref<64x128xf32, #tpu.memory_space<hbm>>)
      tpu.yield
    }) : () -> ()
    %dma_start3A_25 = arith.constant 0 : i32
    %dma_start3A_26 = arith.constant 0 : i32
    %dma_start3A_27 = tpu.memref_slice %arg6[%dma_start3A_25, %dma_start3A_26] : memref<8192x512xf32, #tpu.memory_space<hbm>> -> memref<8192x512xf32, #tpu.memory_space<hbm>>
    tpu.enqueue_indirect_dma source(%dma_start3A_27 : memref<8192x512xf32, #tpu.memory_space<hbm>>) target(%arg18 : memref<64x512xf32, #tpu.memory_space<vmem>>) offsets(%arg13 : memref<64xi32, #tpu.memory_space<vmem>>) semaphore(%arg19 : memref<!tpu.dma_semaphore, #tpu.memory_space<semaphore_mem>>)
    %dma_wait3A_28 = arith.constant 0 : i32
    %dma_wait3A_29 = arith.constant 0 : i32
    %dma_wait3A_30 = tpu.memref_slice %arg6[%dma_wait3A_28, %dma_wait3A_29] : memref<8192x512xf32, #tpu.memory_space<hbm>> -> memref<8192x512xf32, #tpu.memory_space<hbm>>
    tpu.wait_indirect_dma semaphore(%arg19 : memref<!tpu.dma_semaphore, #tpu.memory_space<semaphore_mem>>) src(%dma_wait3A_30 : memref<8192x512xf32, #tpu.memory_space<hbm>>) dst(%arg18 : memref<64x512xf32, #tpu.memory_space<vmem>>)
    "tpu.region"() ({
      %run_scoped3A = tpu.sem_alloc : memref<!tpu.dma_semaphore, #tpu.memory_space<semaphore_mem>>
      %dma_start3A_31 = arith.constant 0 : i32
      %dma_start3A_32 = tpu.memref_slice %arg12[%mul3A_2, %dma_start3A_31] : memref<2048x512xf32, #tpu.memory_space<hbm>> -> memref<64x512xf32, #tpu.memory_space<hbm>>
      %dma_start3A_33 = arith.constant 0 : i32
      %dma_start3A_34 = tpu.memref_slice %arg12[%mul3A_2, %dma_start3A_33] : memref<2048x512xf32, #tpu.memory_space<hbm>> -> memref<64x512xf32, #tpu.memory_space<hbm>>
      tpu.enqueue_dma source(%arg18 : memref<64x512xf32, #tpu.memory_space<vmem>>) target(%dma_start3A_34 : memref<64x512xf32, #tpu.memory_space<hbm>>) target_semaphore(%run_scoped3A : memref<!tpu.dma_semaphore, #tpu.memory_space<semaphore_mem>>)
      %dma_wait3A_35 = arith.constant 0 : i32
      %dma_wait3A_36 = tpu.memref_slice %arg12[%mul3A_2, %dma_wait3A_35] : memref<2048x512xf32, #tpu.memory_space<hbm>> -> memref<64x512xf32, #tpu.memory_space<hbm>>
      %dma_wait3A_37 = arith.constant 0 : i32
      %dma_wait3A_38 = tpu.memref_slice %arg12[%mul3A_2, %dma_wait3A_37] : memref<2048x512xf32, #tpu.memory_space<hbm>> -> memref<64x512xf32, #tpu.memory_space<hbm>>
      tpu.wait_dma2 semaphore(%run_scoped3A : memref<!tpu.dma_semaphore, #tpu.memory_space<semaphore_mem>>) src(%arg18 : memref<64x512xf32, #tpu.memory_space<vmem>>) dst(%dma_wait3A_38 : memref<64x512xf32, #tpu.memory_space<hbm>>)
      tpu.yield
    }) : () -> ()
    return
  }
}

#map = affine_map<(d0, d1) -> (0, 0)>
#map1 = affine_map<(d0, d1) -> (0)>
module attributes {stable_mosaic.version = 14 : i64} {
  func.func @gk(%arg0: i32, %arg1: i32, %arg2: memref<8192x32xf32, #tpu.memory_space<hbm>>, %arg3: memref<131072xi32, #tpu.memory_space<hbm>>, %arg4: memref<131072x32xf32, #tpu.memory_space<hbm>>, %arg5: memref<1024xi32, #tpu.memory_space<vmem>>, %arg6: memref<1024x32xf32, #tpu.memory_space<vmem>>, %arg7: memref<!tpu.dma_semaphore, #tpu.memory_space<semaphore_mem>>) attributes {dimension_semantics = [#tpu.dimension_semantics<core_parallel>, #tpu.dimension_semantics<subcore_parallel>], iteration_bounds = array<i64: 2, 16>, scalar_prefetch = 0 : i64, scratch_operands = 3 : i64, tpu.core_type = #tpu.core_type<sc_vector_subcore>, window_params = [{transform_indices = #map}, {transform_indices = #map1}, {transform_indices = #map}]} {
    %mul3A = arith.constant 2 : i32
    %mul3A_0 = arith.muli %arg1, %mul3A : i32
    %add3A = arith.addi %mul3A_0, %arg0 : i32
    %mul3A_1 = arith.constant 4096 : i32
    %mul3A_2 = arith.muli %add3A, %mul3A_1 : i32
    %scan3A = arith.constant 0 : i32
    %scan3A_3 = arith.constant 0 : i32
    %scan3A_4 = arith.constant 4 : i32
    %scan3A_5 = arith.addi %scan3A_3, %scan3A_4 : i32
    %scan3A_6 = arith.constant 1 : i32
    scf.for %scan3A_8 = %scan3A_3 to %scan3A_5 step %scan3A_6  : i32 {
      %mul3A_9 = arith.constant 1024 : i32
      %mul3A_10 = arith.muli %scan3A_8, %mul3A_9 : i32
      %add3A_11 = arith.addi %mul3A_2, %mul3A_10 : i32
      "tpu.region"() ({
        %run_scoped3A = tpu.sem_alloc : memref<!tpu.dma_semaphore, #tpu.memory_space<semaphore_mem>>
        %dma_start3A_16 = tpu.memref_slice %arg3[%add3A_11] : memref<131072xi32, #tpu.memory_space<hbm>> -> memref<1024xi32, #tpu.memory_space<hbm>>
        %dma_start3A_17 = tpu.memref_slice %arg3[%add3A_11] : memref<131072xi32, #tpu.memory_space<hbm>> -> memref<1024xi32, #tpu.memory_space<hbm>>
        tpu.enqueue_dma source(%dma_start3A_17 : memref<1024xi32, #tpu.memory_space<hbm>>) target(%arg5 : memref<1024xi32, #tpu.memory_space<vmem>>) target_semaphore(%run_scoped3A : memref<!tpu.dma_semaphore, #tpu.memory_space<semaphore_mem>>)
        %dma_wait3A_18 = tpu.memref_slice %arg3[%add3A_11] : memref<131072xi32, #tpu.memory_space<hbm>> -> memref<1024xi32, #tpu.memory_space<hbm>>
        %dma_wait3A_19 = tpu.memref_slice %arg3[%add3A_11] : memref<131072xi32, #tpu.memory_space<hbm>> -> memref<1024xi32, #tpu.memory_space<hbm>>
        tpu.wait_dma2 semaphore(%run_scoped3A : memref<!tpu.dma_semaphore, #tpu.memory_space<semaphore_mem>>) src(%dma_wait3A_19 : memref<1024xi32, #tpu.memory_space<hbm>>) dst(%arg5 : memref<1024xi32, #tpu.memory_space<vmem>>)
        tpu.yield
      }) : () -> ()
      %dma_start3A = arith.constant 0 : i32
      %dma_start3A_12 = arith.constant 0 : i32
      %dma_start3A_13 = tpu.memref_slice %arg2[%dma_start3A, %dma_start3A_12] : memref<8192x32xf32, #tpu.memory_space<hbm>> -> memref<8192x32xf32, #tpu.memory_space<hbm>>
      tpu.enqueue_indirect_dma source(%dma_start3A_13 : memref<8192x32xf32, #tpu.memory_space<hbm>>) target(%arg6 : memref<1024x32xf32, #tpu.memory_space<vmem>>) offsets(%arg5 : memref<1024xi32, #tpu.memory_space<vmem>>) semaphore(%arg7 : memref<!tpu.dma_semaphore, #tpu.memory_space<semaphore_mem>>)
      %dma_wait3A = arith.constant 0 : i32
      %dma_wait3A_14 = arith.constant 0 : i32
      %dma_wait3A_15 = tpu.memref_slice %arg2[%dma_wait3A, %dma_wait3A_14] : memref<8192x32xf32, #tpu.memory_space<hbm>> -> memref<8192x32xf32, #tpu.memory_space<hbm>>
      tpu.wait_indirect_dma semaphore(%arg7 : memref<!tpu.dma_semaphore, #tpu.memory_space<semaphore_mem>>) src(%dma_wait3A_15 : memref<8192x32xf32, #tpu.memory_space<hbm>>) dst(%arg6 : memref<1024x32xf32, #tpu.memory_space<vmem>>)
      "tpu.region"() ({
        %run_scoped3A = tpu.sem_alloc : memref<!tpu.dma_semaphore, #tpu.memory_space<semaphore_mem>>
        %dma_start3A_16 = arith.constant 0 : i32
        %dma_start3A_17 = tpu.memref_slice %arg4[%add3A_11, %dma_start3A_16] : memref<131072x32xf32, #tpu.memory_space<hbm>> -> memref<1024x32xf32, #tpu.memory_space<hbm>>
        %dma_start3A_18 = arith.constant 0 : i32
        %dma_start3A_19 = tpu.memref_slice %arg4[%add3A_11, %dma_start3A_18] : memref<131072x32xf32, #tpu.memory_space<hbm>> -> memref<1024x32xf32, #tpu.memory_space<hbm>>
        tpu.enqueue_dma source(%arg6 : memref<1024x32xf32, #tpu.memory_space<vmem>>) target(%dma_start3A_19 : memref<1024x32xf32, #tpu.memory_space<hbm>>) target_semaphore(%run_scoped3A : memref<!tpu.dma_semaphore, #tpu.memory_space<semaphore_mem>>)
        %dma_wait3A_20 = arith.constant 0 : i32
        %dma_wait3A_21 = tpu.memref_slice %arg4[%add3A_11, %dma_wait3A_20] : memref<131072x32xf32, #tpu.memory_space<hbm>> -> memref<1024x32xf32, #tpu.memory_space<hbm>>
        %dma_wait3A_22 = arith.constant 0 : i32
        %dma_wait3A_23 = tpu.memref_slice %arg4[%add3A_11, %dma_wait3A_22] : memref<131072x32xf32, #tpu.memory_space<hbm>> -> memref<1024x32xf32, #tpu.memory_space<hbm>>
        tpu.wait_dma2 semaphore(%run_scoped3A : memref<!tpu.dma_semaphore, #tpu.memory_space<semaphore_mem>>) src(%arg6 : memref<1024x32xf32, #tpu.memory_space<vmem>>) dst(%dma_wait3A_23 : memref<1024x32xf32, #tpu.memory_space<hbm>>)
        tpu.yield
      }) : () -> ()
    }
    %scan3A_7 = arith.constant 4 : i32
    return
  }
}

module attributes {stable_mosaic.version = 14 : i64} {
  func.func @_knn_body(%arg0: i32, %arg1: i32, %arg2: memref<1x256x3xf32, #tpu.memory_space<vmem>>, %arg3: memref<1x2048x3xf32, #tpu.memory_space<vmem>>, %arg4: memref<1x3x2048xf32, #tpu.memory_space<vmem>>, %arg5: memref<1x256x16xi32, #tpu.memory_space<vmem>>) attributes {dimension_semantics = [#tpu.dimension_semantics<arbitrary>, #tpu.dimension_semantics<arbitrary>], iteration_bounds = array<i64: 4, 8>, scalar_prefetch = 0 : i64, scratch_operands = 0 : i64, tpu.core_type = #tpu.core_type<tc>, window_params = [{transform_indices = @transform_0, window_bounds = array<i64: 1, 256, 3>}, {transform_indices = @transform_1, window_bounds = array<i64: 1, 2048, 3>}, {transform_indices = @transform_2, window_bounds = array<i64: 1, 3, 2048>}, {transform_indices = @transform_3, window_bounds = array<i64: 1, 256, 16>}]} {
    %get3A = arith.constant 0 : index
    %get3A_0 = arith.constant 0 : index
    %get3A_1 = arith.constant 0 : index
    %get3A_2 = vector.load %arg2[%get3A, %get3A_0, %get3A_1] : memref<1x256x3xf32, #tpu.memory_space<vmem>>, vector<1x256x3xf32>
    %get3A_3 = vector.shape_cast %get3A_2 : vector<1x256x3xf32> to vector<256x3xf32>
    %get3A_4 = arith.constant 0 : index
    %get3A_5 = arith.constant 0 : index
    %get3A_6 = arith.constant 0 : index
    %get3A_7 = vector.load %arg3[%get3A_4, %get3A_5, %get3A_6] : memref<1x2048x3xf32, #tpu.memory_space<vmem>>, vector<1x2048x3xf32>
    %get3A_8 = vector.shape_cast %get3A_7 : vector<1x2048x3xf32> to vector<2048x3xf32>
    %get3A_9 = arith.constant 0 : index
    %get3A_10 = arith.constant 0 : index
    %get3A_11 = arith.constant 0 : index
    %get3A_12 = vector.load %arg4[%get3A_9, %get3A_10, %get3A_11] : memref<1x3x2048xf32, #tpu.memory_space<vmem>>, vector<1x3x2048xf32>
    %get3A_13 = vector.shape_cast %get3A_12 : vector<1x3x2048xf32> to vector<3x2048xf32>
    %dot_general3A = arith.constant dense<0.000000e+00> : vector<256x2048xf32>
    %dot_general3A_14 = tpu.matmul %get3A_3, %get3A_13, %dot_general3A {dimension_numbers = #tpu.dot_dimension_numbers<[1], [0], [0], [1], [0, 0, 1, 1], [], []>, transpose_lhs_hint = false} : vector<256x3xf32>, vector<3x2048xf32>, vector<256x2048xf32> -> vector<256x2048xf32>
    %mul3A = arith.mulf %get3A_3, %get3A_3 : vector<256x3xf32>
    %reduce_sum3A = arith.constant dense<0.000000e+00> : vector<256xf32>
    %reduce_sum3A_15 = vector.multi_reduction <add>, %mul3A, %reduce_sum3A [1] : vector<256x3xf32> to vector<256xf32>
    %mul3A_16 = arith.mulf %get3A_8, %get3A_8 : vector<2048x3xf32>
    %reduce_sum3A_17 = arith.constant dense<0.000000e+00> : vector<2048xf32>
    %reduce_sum3A_18 = vector.multi_reduction <add>, %mul3A_16, %reduce_sum3A_17 [1] : vector<2048x3xf32> to vector<2048xf32>
    %broadcast_in_dim3A = vector.shape_cast %reduce_sum3A_15 : vector<256xf32> to vector<256x1xf32>
    %broadcast_in_dim3A_19 = vector.shape_cast %reduce_sum3A_18 : vector<2048xf32> to vector<1x2048xf32>
    %add3A = vector.broadcast %broadcast_in_dim3A : vector<256x1xf32> to vector<256x2048xf32>
    %add3A_20 = vector.broadcast %broadcast_in_dim3A_19 : vector<1x2048xf32> to vector<256x2048xf32>
    %add3A_21 = arith.addf %add3A, %add3A_20 : vector<256x2048xf32>
    %mul3A_22 = arith.constant 2.000000e+00 : f32
    %mul3A_23 = vector.broadcast %mul3A_22 : f32 to vector<256x2048xf32>
    %mul3A_24 = arith.mulf %mul3A_23, %dot_general3A_14 : vector<256x2048xf32>
    %sub3A = arith.subf %add3A_21, %mul3A_24 : vector<256x2048xf32>
    %mul3A_25 = arith.constant 256 : i32
    %mul3A_26 = arith.muli %arg1, %mul3A_25 : i32
    %iota3A = tpu.iota {dimensions = array<i32: 0>} : vector<256x2048xi32>
    %add3A_27 = vector.broadcast %mul3A_26 : i32 to vector<256x2048xi32>
    %add3A_28 = arith.addi %add3A_27, %iota3A : vector<256x2048xi32>
    %iota3A_29 = tpu.iota {dimensions = array<i32: 1>} : vector<256x2048xi32>
    %eq3A = arith.cmpi eq, %add3A_28, %iota3A_29 : vector<256x2048xi32>
    %jit3A = arith.constant 0x7F800000 : f32
    %broadcast_in_dim3A_30 = vector.broadcast %jit3A : f32 to vector<256x2048xf32>
    %select_n3A = arith.select %eq3A, %broadcast_in_dim3A_30, %sub3A : vector<256x2048xi1>, vector<256x2048xf32>
    %iota3A_31 = tpu.iota {dimensions = array<i32: 1>} : vector<256x16xi32>
    %broadcast_in_dim3A_32 = arith.constant 0 : i32
    %broadcast_in_dim3A_33 = vector.broadcast %broadcast_in_dim3A_32 : i32 to vector<256x16xi32>
    %reduce_min3A = arith.constant dense<0x7F800000> : vector<256xf32>
    %reduce_min3A_34 = vector.multi_reduction <minimumf>, %select_n3A, %reduce_min3A [1] : vector<256x2048xf32> to vector<256xf32>
    %broadcast_in_dim3A_35 = vector.shape_cast %reduce_min3A_34 : vector<256xf32> to vector<256x1xf32>
    %eq3A_36 = vector.broadcast %broadcast_in_dim3A_35 : vector<256x1xf32> to vector<256x2048xf32>
    %eq3A_37 = arith.cmpf oeq, %select_n3A, %eq3A_36 : vector<256x2048xf32>
    %jit3A_38 = arith.constant 2048 : i32
    %broadcast_in_dim3A_39 = vector.broadcast %jit3A_38 : i32 to vector<256x2048xi32>
    %select_n3A_40 = arith.select %eq3A_37, %iota3A_29, %broadcast_in_dim3A_39 : vector<256x2048xi1>, vector<256x2048xi32>
    %reduce_min3A_41 = arith.constant dense<2147483647> : vector<256xi32>
    %reduce_min3A_42 = vector.multi_reduction <minsi>, %select_n3A_40, %reduce_min3A_41 [1] : vector<256x2048xi32> to vector<256xi32>
    %eq3A_43 = arith.constant 0 : i32
    %eq3A_44 = vector.broadcast %eq3A_43 : i32 to vector<256x16xi32>
    %eq3A_45 = arith.cmpi eq, %iota3A_31, %eq3A_44 : vector<256x16xi32>
    %broadcast_in_dim3A_46 = vector.shape_cast %reduce_min3A_42 : vector<256xi32> to vector<256x1xi32>
    %jit3A_47 = arith.constant 0 : i32
    %broadcast_in_dim3A_48 = vector.shape_cast %broadcast_in_dim3A_46 : vector<256x1xi32> to vector<256x1xi32>
    %broadcast_in_dim3A_49 = vector.broadcast %broadcast_in_dim3A_48 : vector<256x1xi32> to vector<256x16xi32>
    %broadcast_in_dim3A_50 = vector.broadcast %jit3A_47 : i32 to vector<256x16xi32>
    %select_n3A_51 = arith.select %eq3A_45, %broadcast_in_dim3A_49, %broadcast_in_dim3A_50 : vector<256x16xi1>, vector<256x16xi32>
    %add3A_52 = arith.addi %broadcast_in_dim3A_33, %select_n3A_51 : vector<256x16xi32>
    %broadcast_in_dim3A_53 = vector.shape_cast %reduce_min3A_42 : vector<256xi32> to vector<256x1xi32>
    %eq3A_54 = vector.broadcast %broadcast_in_dim3A_53 : vector<256x1xi32> to vector<256x2048xi32>
    %eq3A_55 = arith.cmpi eq, %iota3A_29, %eq3A_54 : vector<256x2048xi32>
    %jit3A_56 = arith.constant 0x7F800000 : f32
    %broadcast_in_dim3A_57 = vector.broadcast %jit3A_56 : f32 to vector<256x2048xf32>
    %select_n3A_58 = arith.select %eq3A_55, %broadcast_in_dim3A_57, %select_n3A : vector<256x2048xi1>, vector<256x2048xf32>
    %reduce_min3A_59 = arith.constant dense<0x7F800000> : vector<256xf32>
    %reduce_min3A_60 = vector.multi_reduction <minimumf>, %select_n3A_58, %reduce_min3A_59 [1] : vector<256x2048xf32> to vector<256xf32>
    %broadcast_in_dim3A_61 = vector.shape_cast %reduce_min3A_60 : vector<256xf32> to vector<256x1xf32>
    %eq3A_62 = vector.broadcast %broadcast_in_dim3A_61 : vector<256x1xf32> to vector<256x2048xf32>
    %eq3A_63 = arith.cmpf oeq, %select_n3A_58, %eq3A_62 : vector<256x2048xf32>
    %jit3A_64 = arith.constant 2048 : i32
    %broadcast_in_dim3A_65 = vector.broadcast %jit3A_64 : i32 to vector<256x2048xi32>
    %select_n3A_66 = arith.select %eq3A_63, %iota3A_29, %broadcast_in_dim3A_65 : vector<256x2048xi1>, vector<256x2048xi32>
    %reduce_min3A_67 = arith.constant dense<2147483647> : vector<256xi32>
    %reduce_min3A_68 = vector.multi_reduction <minsi>, %select_n3A_66, %reduce_min3A_67 [1] : vector<256x2048xi32> to vector<256xi32>
    %eq3A_69 = arith.constant 1 : i32
    %eq3A_70 = vector.broadcast %eq3A_69 : i32 to vector<256x16xi32>
    %eq3A_71 = arith.cmpi eq, %iota3A_31, %eq3A_70 : vector<256x16xi32>
    %broadcast_in_dim3A_72 = vector.shape_cast %reduce_min3A_68 : vector<256xi32> to vector<256x1xi32>
    %jit3A_73 = arith.constant 0 : i32
    %broadcast_in_dim3A_74 = vector.shape_cast %broadcast_in_dim3A_72 : vector<256x1xi32> to vector<256x1xi32>
    %broadcast_in_dim3A_75 = vector.broadcast %broadcast_in_dim3A_74 : vector<256x1xi32> to vector<256x16xi32>
    %broadcast_in_dim3A_76 = vector.broadcast %jit3A_73 : i32 to vector<256x16xi32>
    %select_n3A_77 = arith.select %eq3A_71, %broadcast_in_dim3A_75, %broadcast_in_dim3A_76 : vector<256x16xi1>, vector<256x16xi32>
    %add3A_78 = arith.addi %add3A_52, %select_n3A_77 : vector<256x16xi32>
    %broadcast_in_dim3A_79 = vector.shape_cast %reduce_min3A_68 : vector<256xi32> to vector<256x1xi32>
    %eq3A_80 = vector.broadcast %broadcast_in_dim3A_79 : vector<256x1xi32> to vector<256x2048xi32>
    %eq3A_81 = arith.cmpi eq, %iota3A_29, %eq3A_80 : vector<256x2048xi32>
    %jit3A_82 = arith.constant 0x7F800000 : f32
    %broadcast_in_dim3A_83 = vector.broadcast %jit3A_82 : f32 to vector<256x2048xf32>
    %select_n3A_84 = arith.select %eq3A_81, %broadcast_in_dim3A_83, %select_n3A_58 : vector<256x2048xi1>, vector<256x2048xf32>
    %reduce_min3A_85 = arith.constant dense<0x7F800000> : vector<256xf32>
    %reduce_min3A_86 = vector.multi_reduction <minimumf>, %select_n3A_84, %reduce_min3A_85 [1] : vector<256x2048xf32> to vector<256xf32>
    %broadcast_in_dim3A_87 = vector.shape_cast %reduce_min3A_86 : vector<256xf32> to vector<256x1xf32>
    %eq3A_88 = vector.broadcast %broadcast_in_dim3A_87 : vector<256x1xf32> to vector<256x2048xf32>
    %eq3A_89 = arith.cmpf oeq, %select_n3A_84, %eq3A_88 : vector<256x2048xf32>
    %jit3A_90 = arith.constant 2048 : i32
    %broadcast_in_dim3A_91 = vector.broadcast %jit3A_90 : i32 to vector<256x2048xi32>
    %select_n3A_92 = arith.select %eq3A_89, %iota3A_29, %broadcast_in_dim3A_91 : vector<256x2048xi1>, vector<256x2048xi32>
    %reduce_min3A_93 = arith.constant dense<2147483647> : vector<256xi32>
    %reduce_min3A_94 = vector.multi_reduction <minsi>, %select_n3A_92, %reduce_min3A_93 [1] : vector<256x2048xi32> to vector<256xi32>
    %eq3A_95 = arith.constant 2 : i32
    %eq3A_96 = vector.broadcast %eq3A_95 : i32 to vector<256x16xi32>
    %eq3A_97 = arith.cmpi eq, %iota3A_31, %eq3A_96 : vector<256x16xi32>
    %broadcast_in_dim3A_98 = vector.shape_cast %reduce_min3A_94 : vector<256xi32> to vector<256x1xi32>
    %jit3A_99 = arith.constant 0 : i32
    %broadcast_in_dim3A_100 = vector.shape_cast %broadcast_in_dim3A_98 : vector<256x1xi32> to vector<256x1xi32>
    %broadcast_in_dim3A_101 = vector.broadcast %broadcast_in_dim3A_100 : vector<256x1xi32> to vector<256x16xi32>
    %broadcast_in_dim3A_102 = vector.broadcast %jit3A_99 : i32 to vector<256x16xi32>
    %select_n3A_103 = arith.select %eq3A_97, %broadcast_in_dim3A_101, %broadcast_in_dim3A_102 : vector<256x16xi1>, vector<256x16xi32>
    %add3A_104 = arith.addi %add3A_78, %select_n3A_103 : vector<256x16xi32>
    %broadcast_in_dim3A_105 = vector.shape_cast %reduce_min3A_94 : vector<256xi32> to vector<256x1xi32>
    %eq3A_106 = vector.broadcast %broadcast_in_dim3A_105 : vector<256x1xi32> to vector<256x2048xi32>
    %eq3A_107 = arith.cmpi eq, %iota3A_29, %eq3A_106 : vector<256x2048xi32>
    %jit3A_108 = arith.constant 0x7F800000 : f32
    %broadcast_in_dim3A_109 = vector.broadcast %jit3A_108 : f32 to vector<256x2048xf32>
    %select_n3A_110 = arith.select %eq3A_107, %broadcast_in_dim3A_109, %select_n3A_84 : vector<256x2048xi1>, vector<256x2048xf32>
    %reduce_min3A_111 = arith.constant dense<0x7F800000> : vector<256xf32>
    %reduce_min3A_112 = vector.multi_reduction <minimumf>, %select_n3A_110, %reduce_min3A_111 [1] : vector<256x2048xf32> to vector<256xf32>
    %broadcast_in_dim3A_113 = vector.shape_cast %reduce_min3A_112 : vector<256xf32> to vector<256x1xf32>
    %eq3A_114 = vector.broadcast %broadcast_in_dim3A_113 : vector<256x1xf32> to vector<256x2048xf32>
    %eq3A_115 = arith.cmpf oeq, %select_n3A_110, %eq3A_114 : vector<256x2048xf32>
    %jit3A_116 = arith.constant 2048 : i32
    %broadcast_in_dim3A_117 = vector.broadcast %jit3A_116 : i32 to vector<256x2048xi32>
    %select_n3A_118 = arith.select %eq3A_115, %iota3A_29, %broadcast_in_dim3A_117 : vector<256x2048xi1>, vector<256x2048xi32>
    %reduce_min3A_119 = arith.constant dense<2147483647> : vector<256xi32>
    %reduce_min3A_120 = vector.multi_reduction <minsi>, %select_n3A_118, %reduce_min3A_119 [1] : vector<256x2048xi32> to vector<256xi32>
    %eq3A_121 = arith.constant 3 : i32
    %eq3A_122 = vector.broadcast %eq3A_121 : i32 to vector<256x16xi32>
    %eq3A_123 = arith.cmpi eq, %iota3A_31, %eq3A_122 : vector<256x16xi32>
    %broadcast_in_dim3A_124 = vector.shape_cast %reduce_min3A_120 : vector<256xi32> to vector<256x1xi32>
    %jit3A_125 = arith.constant 0 : i32
    %broadcast_in_dim3A_126 = vector.shape_cast %broadcast_in_dim3A_124 : vector<256x1xi32> to vector<256x1xi32>
    %broadcast_in_dim3A_127 = vector.broadcast %broadcast_in_dim3A_126 : vector<256x1xi32> to vector<256x16xi32>
    %broadcast_in_dim3A_128 = vector.broadcast %jit3A_125 : i32 to vector<256x16xi32>
    %select_n3A_129 = arith.select %eq3A_123, %broadcast_in_dim3A_127, %broadcast_in_dim3A_128 : vector<256x16xi1>, vector<256x16xi32>
    %add3A_130 = arith.addi %add3A_104, %select_n3A_129 : vector<256x16xi32>
    %broadcast_in_dim3A_131 = vector.shape_cast %reduce_min3A_120 : vector<256xi32> to vector<256x1xi32>
    %eq3A_132 = vector.broadcast %broadcast_in_dim3A_131 : vector<256x1xi32> to vector<256x2048xi32>
    %eq3A_133 = arith.cmpi eq, %iota3A_29, %eq3A_132 : vector<256x2048xi32>
    %jit3A_134 = arith.constant 0x7F800000 : f32
    %broadcast_in_dim3A_135 = vector.broadcast %jit3A_134 : f32 to vector<256x2048xf32>
    %select_n3A_136 = arith.select %eq3A_133, %broadcast_in_dim3A_135, %select_n3A_110 : vector<256x2048xi1>, vector<256x2048xf32>
    %reduce_min3A_137 = arith.constant dense<0x7F800000> : vector<256xf32>
    %reduce_min3A_138 = vector.multi_reduction <minimumf>, %select_n3A_136, %reduce_min3A_137 [1] : vector<256x2048xf32> to vector<256xf32>
    %broadcast_in_dim3A_139 = vector.shape_cast %reduce_min3A_138 : vector<256xf32> to vector<256x1xf32>
    %eq3A_140 = vector.broadcast %broadcast_in_dim3A_139 : vector<256x1xf32> to vector<256x2048xf32>
    %eq3A_141 = arith.cmpf oeq, %select_n3A_136, %eq3A_140 : vector<256x2048xf32>
    %jit3A_142 = arith.constant 2048 : i32
    %broadcast_in_dim3A_143 = vector.broadcast %jit3A_142 : i32 to vector<256x2048xi32>
    %select_n3A_144 = arith.select %eq3A_141, %iota3A_29, %broadcast_in_dim3A_143 : vector<256x2048xi1>, vector<256x2048xi32>
    %reduce_min3A_145 = arith.constant dense<2147483647> : vector<256xi32>
    %reduce_min3A_146 = vector.multi_reduction <minsi>, %select_n3A_144, %reduce_min3A_145 [1] : vector<256x2048xi32> to vector<256xi32>
    %eq3A_147 = arith.constant 4 : i32
    %eq3A_148 = vector.broadcast %eq3A_147 : i32 to vector<256x16xi32>
    %eq3A_149 = arith.cmpi eq, %iota3A_31, %eq3A_148 : vector<256x16xi32>
    %broadcast_in_dim3A_150 = vector.shape_cast %reduce_min3A_146 : vector<256xi32> to vector<256x1xi32>
    %jit3A_151 = arith.constant 0 : i32
    %broadcast_in_dim3A_152 = vector.shape_cast %broadcast_in_dim3A_150 : vector<256x1xi32> to vector<256x1xi32>
    %broadcast_in_dim3A_153 = vector.broadcast %broadcast_in_dim3A_152 : vector<256x1xi32> to vector<256x16xi32>
    %broadcast_in_dim3A_154 = vector.broadcast %jit3A_151 : i32 to vector<256x16xi32>
    %select_n3A_155 = arith.select %eq3A_149, %broadcast_in_dim3A_153, %broadcast_in_dim3A_154 : vector<256x16xi1>, vector<256x16xi32>
    %add3A_156 = arith.addi %add3A_130, %select_n3A_155 : vector<256x16xi32>
    %broadcast_in_dim3A_157 = vector.shape_cast %reduce_min3A_146 : vector<256xi32> to vector<256x1xi32>
    %eq3A_158 = vector.broadcast %broadcast_in_dim3A_157 : vector<256x1xi32> to vector<256x2048xi32>
    %eq3A_159 = arith.cmpi eq, %iota3A_29, %eq3A_158 : vector<256x2048xi32>
    %jit3A_160 = arith.constant 0x7F800000 : f32
    %broadcast_in_dim3A_161 = vector.broadcast %jit3A_160 : f32 to vector<256x2048xf32>
    %select_n3A_162 = arith.select %eq3A_159, %broadcast_in_dim3A_161, %select_n3A_136 : vector<256x2048xi1>, vector<256x2048xf32>
    %reduce_min3A_163 = arith.constant dense<0x7F800000> : vector<256xf32>
    %reduce_min3A_164 = vector.multi_reduction <minimumf>, %select_n3A_162, %reduce_min3A_163 [1] : vector<256x2048xf32> to vector<256xf32>
    %broadcast_in_dim3A_165 = vector.shape_cast %reduce_min3A_164 : vector<256xf32> to vector<256x1xf32>
    %eq3A_166 = vector.broadcast %broadcast_in_dim3A_165 : vector<256x1xf32> to vector<256x2048xf32>
    %eq3A_167 = arith.cmpf oeq, %select_n3A_162, %eq3A_166 : vector<256x2048xf32>
    %jit3A_168 = arith.constant 2048 : i32
    %broadcast_in_dim3A_169 = vector.broadcast %jit3A_168 : i32 to vector<256x2048xi32>
    %select_n3A_170 = arith.select %eq3A_167, %iota3A_29, %broadcast_in_dim3A_169 : vector<256x2048xi1>, vector<256x2048xi32>
    %reduce_min3A_171 = arith.constant dense<2147483647> : vector<256xi32>
    %reduce_min3A_172 = vector.multi_reduction <minsi>, %select_n3A_170, %reduce_min3A_171 [1] : vector<256x2048xi32> to vector<256xi32>
    %eq3A_173 = arith.constant 5 : i32
    %eq3A_174 = vector.broadcast %eq3A_173 : i32 to vector<256x16xi32>
    %eq3A_175 = arith.cmpi eq, %iota3A_31, %eq3A_174 : vector<256x16xi32>
    %broadcast_in_dim3A_176 = vector.shape_cast %reduce_min3A_172 : vector<256xi32> to vector<256x1xi32>
    %jit3A_177 = arith.constant 0 : i32
    %broadcast_in_dim3A_178 = vector.shape_cast %broadcast_in_dim3A_176 : vector<256x1xi32> to vector<256x1xi32>
    %broadcast_in_dim3A_179 = vector.broadcast %broadcast_in_dim3A_178 : vector<256x1xi32> to vector<256x16xi32>
    %broadcast_in_dim3A_180 = vector.broadcast %jit3A_177 : i32 to vector<256x16xi32>
    %select_n3A_181 = arith.select %eq3A_175, %broadcast_in_dim3A_179, %broadcast_in_dim3A_180 : vector<256x16xi1>, vector<256x16xi32>
    %add3A_182 = arith.addi %add3A_156, %select_n3A_181 : vector<256x16xi32>
    %broadcast_in_dim3A_183 = vector.shape_cast %reduce_min3A_172 : vector<256xi32> to vector<256x1xi32>
    %eq3A_184 = vector.broadcast %broadcast_in_dim3A_183 : vector<256x1xi32> to vector<256x2048xi32>
    %eq3A_185 = arith.cmpi eq, %iota3A_29, %eq3A_184 : vector<256x2048xi32>
    %jit3A_186 = arith.constant 0x7F800000 : f32
    %broadcast_in_dim3A_187 = vector.broadcast %jit3A_186 : f32 to vector<256x2048xf32>
    %select_n3A_188 = arith.select %eq3A_185, %broadcast_in_dim3A_187, %select_n3A_162 : vector<256x2048xi1>, vector<256x2048xf32>
    %reduce_min3A_189 = arith.constant dense<0x7F800000> : vector<256xf32>
    %reduce_min3A_190 = vector.multi_reduction <minimumf>, %select_n3A_188, %reduce_min3A_189 [1] : vector<256x2048xf32> to vector<256xf32>
    %broadcast_in_dim3A_191 = vector.shape_cast %reduce_min3A_190 : vector<256xf32> to vector<256x1xf32>
    %eq3A_192 = vector.broadcast %broadcast_in_dim3A_191 : vector<256x1xf32> to vector<256x2048xf32>
    %eq3A_193 = arith.cmpf oeq, %select_n3A_188, %eq3A_192 : vector<256x2048xf32>
    %jit3A_194 = arith.constant 2048 : i32
    %broadcast_in_dim3A_195 = vector.broadcast %jit3A_194 : i32 to vector<256x2048xi32>
    %select_n3A_196 = arith.select %eq3A_193, %iota3A_29, %broadcast_in_dim3A_195 : vector<256x2048xi1>, vector<256x2048xi32>
    %reduce_min3A_197 = arith.constant dense<2147483647> : vector<256xi32>
    %reduce_min3A_198 = vector.multi_reduction <minsi>, %select_n3A_196, %reduce_min3A_197 [1] : vector<256x2048xi32> to vector<256xi32>
    %eq3A_199 = arith.constant 6 : i32
    %eq3A_200 = vector.broadcast %eq3A_199 : i32 to vector<256x16xi32>
    %eq3A_201 = arith.cmpi eq, %iota3A_31, %eq3A_200 : vector<256x16xi32>
    %broadcast_in_dim3A_202 = vector.shape_cast %reduce_min3A_198 : vector<256xi32> to vector<256x1xi32>
    %jit3A_203 = arith.constant 0 : i32
    %broadcast_in_dim3A_204 = vector.shape_cast %broadcast_in_dim3A_202 : vector<256x1xi32> to vector<256x1xi32>
    %broadcast_in_dim3A_205 = vector.broadcast %broadcast_in_dim3A_204 : vector<256x1xi32> to vector<256x16xi32>
    %broadcast_in_dim3A_206 = vector.broadcast %jit3A_203 : i32 to vector<256x16xi32>
    %select_n3A_207 = arith.select %eq3A_201, %broadcast_in_dim3A_205, %broadcast_in_dim3A_206 : vector<256x16xi1>, vector<256x16xi32>
    %add3A_208 = arith.addi %add3A_182, %select_n3A_207 : vector<256x16xi32>
    %broadcast_in_dim3A_209 = vector.shape_cast %reduce_min3A_198 : vector<256xi32> to vector<256x1xi32>
    %eq3A_210 = vector.broadcast %broadcast_in_dim3A_209 : vector<256x1xi32> to vector<256x2048xi32>
    %eq3A_211 = arith.cmpi eq, %iota3A_29, %eq3A_210 : vector<256x2048xi32>
    %jit3A_212 = arith.constant 0x7F800000 : f32
    %broadcast_in_dim3A_213 = vector.broadcast %jit3A_212 : f32 to vector<256x2048xf32>
    %select_n3A_214 = arith.select %eq3A_211, %broadcast_in_dim3A_213, %select_n3A_188 : vector<256x2048xi1>, vector<256x2048xf32>
    %reduce_min3A_215 = arith.constant dense<0x7F800000> : vector<256xf32>
    %reduce_min3A_216 = vector.multi_reduction <minimumf>, %select_n3A_214, %reduce_min3A_215 [1] : vector<256x2048xf32> to vector<256xf32>
    %broadcast_in_dim3A_217 = vector.shape_cast %reduce_min3A_216 : vector<256xf32> to vector<256x1xf32>
    %eq3A_218 = vector.broadcast %broadcast_in_dim3A_217 : vector<256x1xf32> to vector<256x2048xf32>
    %eq3A_219 = arith.cmpf oeq, %select_n3A_214, %eq3A_218 : vector<256x2048xf32>
    %jit3A_220 = arith.constant 2048 : i32
    %broadcast_in_dim3A_221 = vector.broadcast %jit3A_220 : i32 to vector<256x2048xi32>
    %select_n3A_222 = arith.select %eq3A_219, %iota3A_29, %broadcast_in_dim3A_221 : vector<256x2048xi1>, vector<256x2048xi32>
    %reduce_min3A_223 = arith.constant dense<2147483647> : vector<256xi32>
    %reduce_min3A_224 = vector.multi_reduction <minsi>, %select_n3A_222, %reduce_min3A_223 [1] : vector<256x2048xi32> to vector<256xi32>
    %eq3A_225 = arith.constant 7 : i32
    %eq3A_226 = vector.broadcast %eq3A_225 : i32 to vector<256x16xi32>
    %eq3A_227 = arith.cmpi eq, %iota3A_31, %eq3A_226 : vector<256x16xi32>
    %broadcast_in_dim3A_228 = vector.shape_cast %reduce_min3A_224 : vector<256xi32> to vector<256x1xi32>
    %jit3A_229 = arith.constant 0 : i32
    %broadcast_in_dim3A_230 = vector.shape_cast %broadcast_in_dim3A_228 : vector<256x1xi32> to vector<256x1xi32>
    %broadcast_in_dim3A_231 = vector.broadcast %broadcast_in_dim3A_230 : vector<256x1xi32> to vector<256x16xi32>
    %broadcast_in_dim3A_232 = vector.broadcast %jit3A_229 : i32 to vector<256x16xi32>
    %select_n3A_233 = arith.select %eq3A_227, %broadcast_in_dim3A_231, %broadcast_in_dim3A_232 : vector<256x16xi1>, vector<256x16xi32>
    %add3A_234 = arith.addi %add3A_208, %select_n3A_233 : vector<256x16xi32>
    %broadcast_in_dim3A_235 = vector.shape_cast %reduce_min3A_224 : vector<256xi32> to vector<256x1xi32>
    %eq3A_236 = vector.broadcast %broadcast_in_dim3A_235 : vector<256x1xi32> to vector<256x2048xi32>
    %eq3A_237 = arith.cmpi eq, %iota3A_29, %eq3A_236 : vector<256x2048xi32>
    %jit3A_238 = arith.constant 0x7F800000 : f32
    %broadcast_in_dim3A_239 = vector.broadcast %jit3A_238 : f32 to vector<256x2048xf32>
    %select_n3A_240 = arith.select %eq3A_237, %broadcast_in_dim3A_239, %select_n3A_214 : vector<256x2048xi1>, vector<256x2048xf32>
    %reduce_min3A_241 = arith.constant dense<0x7F800000> : vector<256xf32>
    %reduce_min3A_242 = vector.multi_reduction <minimumf>, %select_n3A_240, %reduce_min3A_241 [1] : vector<256x2048xf32> to vector<256xf32>
    %broadcast_in_dim3A_243 = vector.shape_cast %reduce_min3A_242 : vector<256xf32> to vector<256x1xf32>
    %eq3A_244 = vector.broadcast %broadcast_in_dim3A_243 : vector<256x1xf32> to vector<256x2048xf32>
    %eq3A_245 = arith.cmpf oeq, %select_n3A_240, %eq3A_244 : vector<256x2048xf32>
    %jit3A_246 = arith.constant 2048 : i32
    %broadcast_in_dim3A_247 = vector.broadcast %jit3A_246 : i32 to vector<256x2048xi32>
    %select_n3A_248 = arith.select %eq3A_245, %iota3A_29, %broadcast_in_dim3A_247 : vector<256x2048xi1>, vector<256x2048xi32>
    %reduce_min3A_249 = arith.constant dense<2147483647> : vector<256xi32>
    %reduce_min3A_250 = vector.multi_reduction <minsi>, %select_n3A_248, %reduce_min3A_249 [1] : vector<256x2048xi32> to vector<256xi32>
    %eq3A_251 = arith.constant 8 : i32
    %eq3A_252 = vector.broadcast %eq3A_251 : i32 to vector<256x16xi32>
    %eq3A_253 = arith.cmpi eq, %iota3A_31, %eq3A_252 : vector<256x16xi32>
    %broadcast_in_dim3A_254 = vector.shape_cast %reduce_min3A_250 : vector<256xi32> to vector<256x1xi32>
    %jit3A_255 = arith.constant 0 : i32
    %broadcast_in_dim3A_256 = vector.shape_cast %broadcast_in_dim3A_254 : vector<256x1xi32> to vector<256x1xi32>
    %broadcast_in_dim3A_257 = vector.broadcast %broadcast_in_dim3A_256 : vector<256x1xi32> to vector<256x16xi32>
    %broadcast_in_dim3A_258 = vector.broadcast %jit3A_255 : i32 to vector<256x16xi32>
    %select_n3A_259 = arith.select %eq3A_253, %broadcast_in_dim3A_257, %broadcast_in_dim3A_258 : vector<256x16xi1>, vector<256x16xi32>
    %add3A_260 = arith.addi %add3A_234, %select_n3A_259 : vector<256x16xi32>
    %broadcast_in_dim3A_261 = vector.shape_cast %reduce_min3A_250 : vector<256xi32> to vector<256x1xi32>
    %eq3A_262 = vector.broadcast %broadcast_in_dim3A_261 : vector<256x1xi32> to vector<256x2048xi32>
    %eq3A_263 = arith.cmpi eq, %iota3A_29, %eq3A_262 : vector<256x2048xi32>
    %jit3A_264 = arith.constant 0x7F800000 : f32
    %broadcast_in_dim3A_265 = vector.broadcast %jit3A_264 : f32 to vector<256x2048xf32>
    %select_n3A_266 = arith.select %eq3A_263, %broadcast_in_dim3A_265, %select_n3A_240 : vector<256x2048xi1>, vector<256x2048xf32>
    %reduce_min3A_267 = arith.constant dense<0x7F800000> : vector<256xf32>
    %reduce_min3A_268 = vector.multi_reduction <minimumf>, %select_n3A_266, %reduce_min3A_267 [1] : vector<256x2048xf32> to vector<256xf32>
    %broadcast_in_dim3A_269 = vector.shape_cast %reduce_min3A_268 : vector<256xf32> to vector<256x1xf32>
    %eq3A_270 = vector.broadcast %broadcast_in_dim3A_269 : vector<256x1xf32> to vector<256x2048xf32>
    %eq3A_271 = arith.cmpf oeq, %select_n3A_266, %eq3A_270 : vector<256x2048xf32>
    %jit3A_272 = arith.constant 2048 : i32
    %broadcast_in_dim3A_273 = vector.broadcast %jit3A_272 : i32 to vector<256x2048xi32>
    %select_n3A_274 = arith.select %eq3A_271, %iota3A_29, %broadcast_in_dim3A_273 : vector<256x2048xi1>, vector<256x2048xi32>
    %reduce_min3A_275 = arith.constant dense<2147483647> : vector<256xi32>
    %reduce_min3A_276 = vector.multi_reduction <minsi>, %select_n3A_274, %reduce_min3A_275 [1] : vector<256x2048xi32> to vector<256xi32>
    %eq3A_277 = arith.constant 9 : i32
    %eq3A_278 = vector.broadcast %eq3A_277 : i32 to vector<256x16xi32>
    %eq3A_279 = arith.cmpi eq, %iota3A_31, %eq3A_278 : vector<256x16xi32>
    %broadcast_in_dim3A_280 = vector.shape_cast %reduce_min3A_276 : vector<256xi32> to vector<256x1xi32>
    %jit3A_281 = arith.constant 0 : i32
    %broadcast_in_dim3A_282 = vector.shape_cast %broadcast_in_dim3A_280 : vector<256x1xi32> to vector<256x1xi32>
    %broadcast_in_dim3A_283 = vector.broadcast %broadcast_in_dim3A_282 : vector<256x1xi32> to vector<256x16xi32>
    %broadcast_in_dim3A_284 = vector.broadcast %jit3A_281 : i32 to vector<256x16xi32>
    %select_n3A_285 = arith.select %eq3A_279, %broadcast_in_dim3A_283, %broadcast_in_dim3A_284 : vector<256x16xi1>, vector<256x16xi32>
    %add3A_286 = arith.addi %add3A_260, %select_n3A_285 : vector<256x16xi32>
    %broadcast_in_dim3A_287 = vector.shape_cast %reduce_min3A_276 : vector<256xi32> to vector<256x1xi32>
    %eq3A_288 = vector.broadcast %broadcast_in_dim3A_287 : vector<256x1xi32> to vector<256x2048xi32>
    %eq3A_289 = arith.cmpi eq, %iota3A_29, %eq3A_288 : vector<256x2048xi32>
    %jit3A_290 = arith.constant 0x7F800000 : f32
    %broadcast_in_dim3A_291 = vector.broadcast %jit3A_290 : f32 to vector<256x2048xf32>
    %select_n3A_292 = arith.select %eq3A_289, %broadcast_in_dim3A_291, %select_n3A_266 : vector<256x2048xi1>, vector<256x2048xf32>
    %reduce_min3A_293 = arith.constant dense<0x7F800000> : vector<256xf32>
    %reduce_min3A_294 = vector.multi_reduction <minimumf>, %select_n3A_292, %reduce_min3A_293 [1] : vector<256x2048xf32> to vector<256xf32>
    %broadcast_in_dim3A_295 = vector.shape_cast %reduce_min3A_294 : vector<256xf32> to vector<256x1xf32>
    %eq3A_296 = vector.broadcast %broadcast_in_dim3A_295 : vector<256x1xf32> to vector<256x2048xf32>
    %eq3A_297 = arith.cmpf oeq, %select_n3A_292, %eq3A_296 : vector<256x2048xf32>
    %jit3A_298 = arith.constant 2048 : i32
    %broadcast_in_dim3A_299 = vector.broadcast %jit3A_298 : i32 to vector<256x2048xi32>
    %select_n3A_300 = arith.select %eq3A_297, %iota3A_29, %broadcast_in_dim3A_299 : vector<256x2048xi1>, vector<256x2048xi32>
    %reduce_min3A_301 = arith.constant dense<2147483647> : vector<256xi32>
    %reduce_min3A_302 = vector.multi_reduction <minsi>, %select_n3A_300, %reduce_min3A_301 [1] : vector<256x2048xi32> to vector<256xi32>
    %eq3A_303 = arith.constant 10 : i32
    %eq3A_304 = vector.broadcast %eq3A_303 : i32 to vector<256x16xi32>
    %eq3A_305 = arith.cmpi eq, %iota3A_31, %eq3A_304 : vector<256x16xi32>
    %broadcast_in_dim3A_306 = vector.shape_cast %reduce_min3A_302 : vector<256xi32> to vector<256x1xi32>
    %jit3A_307 = arith.constant 0 : i32
    %broadcast_in_dim3A_308 = vector.shape_cast %broadcast_in_dim3A_306 : vector<256x1xi32> to vector<256x1xi32>
    %broadcast_in_dim3A_309 = vector.broadcast %broadcast_in_dim3A_308 : vector<256x1xi32> to vector<256x16xi32>
    %broadcast_in_dim3A_310 = vector.broadcast %jit3A_307 : i32 to vector<256x16xi32>
    %select_n3A_311 = arith.select %eq3A_305, %broadcast_in_dim3A_309, %broadcast_in_dim3A_310 : vector<256x16xi1>, vector<256x16xi32>
    %add3A_312 = arith.addi %add3A_286, %select_n3A_311 : vector<256x16xi32>
    %broadcast_in_dim3A_313 = vector.shape_cast %reduce_min3A_302 : vector<256xi32> to vector<256x1xi32>
    %eq3A_314 = vector.broadcast %broadcast_in_dim3A_313 : vector<256x1xi32> to vector<256x2048xi32>
    %eq3A_315 = arith.cmpi eq, %iota3A_29, %eq3A_314 : vector<256x2048xi32>
    %jit3A_316 = arith.constant 0x7F800000 : f32
    %broadcast_in_dim3A_317 = vector.broadcast %jit3A_316 : f32 to vector<256x2048xf32>
    %select_n3A_318 = arith.select %eq3A_315, %broadcast_in_dim3A_317, %select_n3A_292 : vector<256x2048xi1>, vector<256x2048xf32>
    %reduce_min3A_319 = arith.constant dense<0x7F800000> : vector<256xf32>
    %reduce_min3A_320 = vector.multi_reduction <minimumf>, %select_n3A_318, %reduce_min3A_319 [1] : vector<256x2048xf32> to vector<256xf32>
    %broadcast_in_dim3A_321 = vector.shape_cast %reduce_min3A_320 : vector<256xf32> to vector<256x1xf32>
    %eq3A_322 = vector.broadcast %broadcast_in_dim3A_321 : vector<256x1xf32> to vector<256x2048xf32>
    %eq3A_323 = arith.cmpf oeq, %select_n3A_318, %eq3A_322 : vector<256x2048xf32>
    %jit3A_324 = arith.constant 2048 : i32
    %broadcast_in_dim3A_325 = vector.broadcast %jit3A_324 : i32 to vector<256x2048xi32>
    %select_n3A_326 = arith.select %eq3A_323, %iota3A_29, %broadcast_in_dim3A_325 : vector<256x2048xi1>, vector<256x2048xi32>
    %reduce_min3A_327 = arith.constant dense<2147483647> : vector<256xi32>
    %reduce_min3A_328 = vector.multi_reduction <minsi>, %select_n3A_326, %reduce_min3A_327 [1] : vector<256x2048xi32> to vector<256xi32>
    %eq3A_329 = arith.constant 11 : i32
    %eq3A_330 = vector.broadcast %eq3A_329 : i32 to vector<256x16xi32>
    %eq3A_331 = arith.cmpi eq, %iota3A_31, %eq3A_330 : vector<256x16xi32>
    %broadcast_in_dim3A_332 = vector.shape_cast %reduce_min3A_328 : vector<256xi32> to vector<256x1xi32>
    %jit3A_333 = arith.constant 0 : i32
    %broadcast_in_dim3A_334 = vector.shape_cast %broadcast_in_dim3A_332 : vector<256x1xi32> to vector<256x1xi32>
    %broadcast_in_dim3A_335 = vector.broadcast %broadcast_in_dim3A_334 : vector<256x1xi32> to vector<256x16xi32>
    %broadcast_in_dim3A_336 = vector.broadcast %jit3A_333 : i32 to vector<256x16xi32>
    %select_n3A_337 = arith.select %eq3A_331, %broadcast_in_dim3A_335, %broadcast_in_dim3A_336 : vector<256x16xi1>, vector<256x16xi32>
    %add3A_338 = arith.addi %add3A_312, %select_n3A_337 : vector<256x16xi32>
    %broadcast_in_dim3A_339 = vector.shape_cast %reduce_min3A_328 : vector<256xi32> to vector<256x1xi32>
    %eq3A_340 = vector.broadcast %broadcast_in_dim3A_339 : vector<256x1xi32> to vector<256x2048xi32>
    %eq3A_341 = arith.cmpi eq, %iota3A_29, %eq3A_340 : vector<256x2048xi32>
    %jit3A_342 = arith.constant 0x7F800000 : f32
    %broadcast_in_dim3A_343 = vector.broadcast %jit3A_342 : f32 to vector<256x2048xf32>
    %select_n3A_344 = arith.select %eq3A_341, %broadcast_in_dim3A_343, %select_n3A_318 : vector<256x2048xi1>, vector<256x2048xf32>
    %reduce_min3A_345 = arith.constant dense<0x7F800000> : vector<256xf32>
    %reduce_min3A_346 = vector.multi_reduction <minimumf>, %select_n3A_344, %reduce_min3A_345 [1] : vector<256x2048xf32> to vector<256xf32>
    %broadcast_in_dim3A_347 = vector.shape_cast %reduce_min3A_346 : vector<256xf32> to vector<256x1xf32>
    %eq3A_348 = vector.broadcast %broadcast_in_dim3A_347 : vector<256x1xf32> to vector<256x2048xf32>
    %eq3A_349 = arith.cmpf oeq, %select_n3A_344, %eq3A_348 : vector<256x2048xf32>
    %jit3A_350 = arith.constant 2048 : i32
    %broadcast_in_dim3A_351 = vector.broadcast %jit3A_350 : i32 to vector<256x2048xi32>
    %select_n3A_352 = arith.select %eq3A_349, %iota3A_29, %broadcast_in_dim3A_351 : vector<256x2048xi1>, vector<256x2048xi32>
    %reduce_min3A_353 = arith.constant dense<2147483647> : vector<256xi32>
    %reduce_min3A_354 = vector.multi_reduction <minsi>, %select_n3A_352, %reduce_min3A_353 [1] : vector<256x2048xi32> to vector<256xi32>
    %eq3A_355 = arith.constant 12 : i32
    %eq3A_356 = vector.broadcast %eq3A_355 : i32 to vector<256x16xi32>
    %eq3A_357 = arith.cmpi eq, %iota3A_31, %eq3A_356 : vector<256x16xi32>
    %broadcast_in_dim3A_358 = vector.shape_cast %reduce_min3A_354 : vector<256xi32> to vector<256x1xi32>
    %jit3A_359 = arith.constant 0 : i32
    %broadcast_in_dim3A_360 = vector.shape_cast %broadcast_in_dim3A_358 : vector<256x1xi32> to vector<256x1xi32>
    %broadcast_in_dim3A_361 = vector.broadcast %broadcast_in_dim3A_360 : vector<256x1xi32> to vector<256x16xi32>
    %broadcast_in_dim3A_362 = vector.broadcast %jit3A_359 : i32 to vector<256x16xi32>
    %select_n3A_363 = arith.select %eq3A_357, %broadcast_in_dim3A_361, %broadcast_in_dim3A_362 : vector<256x16xi1>, vector<256x16xi32>
    %add3A_364 = arith.addi %add3A_338, %select_n3A_363 : vector<256x16xi32>
    %broadcast_in_dim3A_365 = vector.shape_cast %reduce_min3A_354 : vector<256xi32> to vector<256x1xi32>
    %eq3A_366 = vector.broadcast %broadcast_in_dim3A_365 : vector<256x1xi32> to vector<256x2048xi32>
    %eq3A_367 = arith.cmpi eq, %iota3A_29, %eq3A_366 : vector<256x2048xi32>
    %jit3A_368 = arith.constant 0x7F800000 : f32
    %broadcast_in_dim3A_369 = vector.broadcast %jit3A_368 : f32 to vector<256x2048xf32>
    %select_n3A_370 = arith.select %eq3A_367, %broadcast_in_dim3A_369, %select_n3A_344 : vector<256x2048xi1>, vector<256x2048xf32>
    %reduce_min3A_371 = arith.constant dense<0x7F800000> : vector<256xf32>
    %reduce_min3A_372 = vector.multi_reduction <minimumf>, %select_n3A_370, %reduce_min3A_371 [1] : vector<256x2048xf32> to vector<256xf32>
    %broadcast_in_dim3A_373 = vector.shape_cast %reduce_min3A_372 : vector<256xf32> to vector<256x1xf32>
    %eq3A_374 = vector.broadcast %broadcast_in_dim3A_373 : vector<256x1xf32> to vector<256x2048xf32>
    %eq3A_375 = arith.cmpf oeq, %select_n3A_370, %eq3A_374 : vector<256x2048xf32>
    %jit3A_376 = arith.constant 2048 : i32
    %broadcast_in_dim3A_377 = vector.broadcast %jit3A_376 : i32 to vector<256x2048xi32>
    %select_n3A_378 = arith.select %eq3A_375, %iota3A_29, %broadcast_in_dim3A_377 : vector<256x2048xi1>, vector<256x2048xi32>
    %reduce_min3A_379 = arith.constant dense<2147483647> : vector<256xi32>
    %reduce_min3A_380 = vector.multi_reduction <minsi>, %select_n3A_378, %reduce_min3A_379 [1] : vector<256x2048xi32> to vector<256xi32>
    %eq3A_381 = arith.constant 13 : i32
    %eq3A_382 = vector.broadcast %eq3A_381 : i32 to vector<256x16xi32>
    %eq3A_383 = arith.cmpi eq, %iota3A_31, %eq3A_382 : vector<256x16xi32>
    %broadcast_in_dim3A_384 = vector.shape_cast %reduce_min3A_380 : vector<256xi32> to vector<256x1xi32>
    %jit3A_385 = arith.constant 0 : i32
    %broadcast_in_dim3A_386 = vector.shape_cast %broadcast_in_dim3A_384 : vector<256x1xi32> to vector<256x1xi32>
    %broadcast_in_dim3A_387 = vector.broadcast %broadcast_in_dim3A_386 : vector<256x1xi32> to vector<256x16xi32>
    %broadcast_in_dim3A_388 = vector.broadcast %jit3A_385 : i32 to vector<256x16xi32>
    %select_n3A_389 = arith.select %eq3A_383, %broadcast_in_dim3A_387, %broadcast_in_dim3A_388 : vector<256x16xi1>, vector<256x16xi32>
    %add3A_390 = arith.addi %add3A_364, %select_n3A_389 : vector<256x16xi32>
    %broadcast_in_dim3A_391 = vector.shape_cast %reduce_min3A_380 : vector<256xi32> to vector<256x1xi32>
    %eq3A_392 = vector.broadcast %broadcast_in_dim3A_391 : vector<256x1xi32> to vector<256x2048xi32>
    %eq3A_393 = arith.cmpi eq, %iota3A_29, %eq3A_392 : vector<256x2048xi32>
    %jit3A_394 = arith.constant 0x7F800000 : f32
    %broadcast_in_dim3A_395 = vector.broadcast %jit3A_394 : f32 to vector<256x2048xf32>
    %select_n3A_396 = arith.select %eq3A_393, %broadcast_in_dim3A_395, %select_n3A_370 : vector<256x2048xi1>, vector<256x2048xf32>
    %reduce_min3A_397 = arith.constant dense<0x7F800000> : vector<256xf32>
    %reduce_min3A_398 = vector.multi_reduction <minimumf>, %select_n3A_396, %reduce_min3A_397 [1] : vector<256x2048xf32> to vector<256xf32>
    %broadcast_in_dim3A_399 = vector.shape_cast %reduce_min3A_398 : vector<256xf32> to vector<256x1xf32>
    %eq3A_400 = vector.broadcast %broadcast_in_dim3A_399 : vector<256x1xf32> to vector<256x2048xf32>
    %eq3A_401 = arith.cmpf oeq, %select_n3A_396, %eq3A_400 : vector<256x2048xf32>
    %jit3A_402 = arith.constant 2048 : i32
    %broadcast_in_dim3A_403 = vector.broadcast %jit3A_402 : i32 to vector<256x2048xi32>
    %select_n3A_404 = arith.select %eq3A_401, %iota3A_29, %broadcast_in_dim3A_403 : vector<256x2048xi1>, vector<256x2048xi32>
    %reduce_min3A_405 = arith.constant dense<2147483647> : vector<256xi32>
    %reduce_min3A_406 = vector.multi_reduction <minsi>, %select_n3A_404, %reduce_min3A_405 [1] : vector<256x2048xi32> to vector<256xi32>
    %eq3A_407 = arith.constant 14 : i32
    %eq3A_408 = vector.broadcast %eq3A_407 : i32 to vector<256x16xi32>
    %eq3A_409 = arith.cmpi eq, %iota3A_31, %eq3A_408 : vector<256x16xi32>
    %broadcast_in_dim3A_410 = vector.shape_cast %reduce_min3A_406 : vector<256xi32> to vector<256x1xi32>
    %jit3A_411 = arith.constant 0 : i32
    %broadcast_in_dim3A_412 = vector.shape_cast %broadcast_in_dim3A_410 : vector<256x1xi32> to vector<256x1xi32>
    %broadcast_in_dim3A_413 = vector.broadcast %broadcast_in_dim3A_412 : vector<256x1xi32> to vector<256x16xi32>
    %broadcast_in_dim3A_414 = vector.broadcast %jit3A_411 : i32 to vector<256x16xi32>
    %select_n3A_415 = arith.select %eq3A_409, %broadcast_in_dim3A_413, %broadcast_in_dim3A_414 : vector<256x16xi1>, vector<256x16xi32>
    %add3A_416 = arith.addi %add3A_390, %select_n3A_415 : vector<256x16xi32>
    %broadcast_in_dim3A_417 = vector.shape_cast %reduce_min3A_406 : vector<256xi32> to vector<256x1xi32>
    %eq3A_418 = vector.broadcast %broadcast_in_dim3A_417 : vector<256x1xi32> to vector<256x2048xi32>
    %eq3A_419 = arith.cmpi eq, %iota3A_29, %eq3A_418 : vector<256x2048xi32>
    %jit3A_420 = arith.constant 0x7F800000 : f32
    %broadcast_in_dim3A_421 = vector.broadcast %jit3A_420 : f32 to vector<256x2048xf32>
    %select_n3A_422 = arith.select %eq3A_419, %broadcast_in_dim3A_421, %select_n3A_396 : vector<256x2048xi1>, vector<256x2048xf32>
    %reduce_min3A_423 = arith.constant dense<0x7F800000> : vector<256xf32>
    %reduce_min3A_424 = vector.multi_reduction <minimumf>, %select_n3A_422, %reduce_min3A_423 [1] : vector<256x2048xf32> to vector<256xf32>
    %broadcast_in_dim3A_425 = vector.shape_cast %reduce_min3A_424 : vector<256xf32> to vector<256x1xf32>
    %eq3A_426 = vector.broadcast %broadcast_in_dim3A_425 : vector<256x1xf32> to vector<256x2048xf32>
    %eq3A_427 = arith.cmpf oeq, %select_n3A_422, %eq3A_426 : vector<256x2048xf32>
    %jit3A_428 = arith.constant 2048 : i32
    %broadcast_in_dim3A_429 = vector.broadcast %jit3A_428 : i32 to vector<256x2048xi32>
    %select_n3A_430 = arith.select %eq3A_427, %iota3A_29, %broadcast_in_dim3A_429 : vector<256x2048xi1>, vector<256x2048xi32>
    %reduce_min3A_431 = arith.constant dense<2147483647> : vector<256xi32>
    %reduce_min3A_432 = vector.multi_reduction <minsi>, %select_n3A_430, %reduce_min3A_431 [1] : vector<256x2048xi32> to vector<256xi32>
    %eq3A_433 = arith.constant 15 : i32
    %eq3A_434 = vector.broadcast %eq3A_433 : i32 to vector<256x16xi32>
    %eq3A_435 = arith.cmpi eq, %iota3A_31, %eq3A_434 : vector<256x16xi32>
    %broadcast_in_dim3A_436 = vector.shape_cast %reduce_min3A_432 : vector<256xi32> to vector<256x1xi32>
    %jit3A_437 = arith.constant 0 : i32
    %broadcast_in_dim3A_438 = vector.shape_cast %broadcast_in_dim3A_436 : vector<256x1xi32> to vector<256x1xi32>
    %broadcast_in_dim3A_439 = vector.broadcast %broadcast_in_dim3A_438 : vector<256x1xi32> to vector<256x16xi32>
    %broadcast_in_dim3A_440 = vector.broadcast %jit3A_437 : i32 to vector<256x16xi32>
    %select_n3A_441 = arith.select %eq3A_435, %broadcast_in_dim3A_439, %broadcast_in_dim3A_440 : vector<256x16xi1>, vector<256x16xi32>
    %add3A_442 = arith.addi %add3A_416, %select_n3A_441 : vector<256x16xi32>
    %mul3A_443 = arith.constant 2048 : i32
    %mul3A_444 = arith.muli %arg0, %mul3A_443 : i32
    %add3A_445 = vector.broadcast %mul3A_444 : i32 to vector<256x16xi32>
    %add3A_446 = arith.addi %add3A_442, %add3A_445 : vector<256x16xi32>
    %swap3A = arith.constant 0 : index
    %swap3A_447 = arith.constant 0 : index
    %swap3A_448 = arith.constant 0 : index
    %swap3A_449 = vector.load %arg5[%swap3A, %swap3A_447, %swap3A_448] : memref<1x256x16xi32, #tpu.memory_space<vmem>>, vector<1x256x16xi32>
    %swap3A_450 = vector.shape_cast %swap3A_449 : vector<1x256x16xi32> to vector<256x16xi32>
    %swap3A_451 = vector.shape_cast %add3A_446 : vector<256x16xi32> to vector<1x256x16xi32>
    tpu.vector_store %arg5[%swap3A, %swap3A_447, %swap3A_448], %swap3A_451 {strides = array<i32>} : memref<1x256x16xi32, #tpu.memory_space<vmem>>, vector<1x256x16xi32>,
    return
  }
  func.func @transform_0(%arg0: i32, %arg1: i32) -> (i32, i32, i32) {
    %c0_i32 = arith.constant 0 : i32
    %c0_i32_0 = arith.constant 0 : i32
    return %arg0, %arg1, %c0_i32 : i32, i32, i32
  }
  func.func @transform_1(%arg0: i32, %arg1: i32) -> (i32, i32, i32) {
    %c0_i32 = arith.constant 0 : i32
    %c0_i32_0 = arith.constant 0 : i32
    %c0_i32_1 = arith.constant 0 : i32
    return %arg0, %c0_i32, %c0_i32_0 : i32, i32, i32
  }
  func.func @transform_2(%arg0: i32, %arg1: i32) -> (i32, i32, i32) {
    %c0_i32 = arith.constant 0 : i32
    %c0_i32_0 = arith.constant 0 : i32
    %c0_i32_1 = arith.constant 0 : i32
    return %arg0, %c0_i32, %c0_i32_0 : i32, i32, i32
  }
  func.func @transform_3(%arg0: i32, %arg1: i32) -> (i32, i32, i32) {
    %c0_i32 = arith.constant 0 : i32
    %c0_i32_0 = arith.constant 0 : i32
    return %arg0, %arg1, %c0_i32 : i32, i32, i32
  }
}

module attributes {stable_mosaic.version = 14 : i64} {
  func.func @_edge_body(%arg0: i32, %arg1: i32, %arg2: memref<1x256x3xf32, #tpu.memory_space<vmem>>, %arg3: memref<1x256x16x16xf32, #tpu.memory_space<vmem>>, %arg4: memref<6x16xf32, #tpu.memory_space<vmem>>, %arg5: memref<1x16xf32, #tpu.memory_space<vmem>>, %arg6: memref<16x16xf32, #tpu.memory_space<vmem>>, %arg7: memref<1x16xf32, #tpu.memory_space<vmem>>, %arg8: memref<16x32xf32, #tpu.memory_space<vmem>>, %arg9: memref<1x32xf32, #tpu.memory_space<vmem>>, %arg10: memref<1x256x32xf32, #tpu.memory_space<vmem>>) attributes {dimension_semantics = [#tpu.dimension_semantics<arbitrary>, #tpu.dimension_semantics<arbitrary>], iteration_bounds = array<i64: 4, 8>, scalar_prefetch = 0 : i64, scratch_operands = 0 : i64, tpu.core_type = #tpu.core_type<tc>, window_params = [{transform_indices = @transform_0, window_bounds = array<i64: 1, 256, 3>}, {transform_indices = @transform_1, window_bounds = array<i64: 1, 256, 16, 16>}, {pipeline_mode = #tpu.pipeline_mode<synchronous>, transform_indices = @transform_2, window_bounds = array<i64: 6, 16>}, {pipeline_mode = #tpu.pipeline_mode<synchronous>, transform_indices = @transform_3, window_bounds = array<i64: 1, 16>}, {pipeline_mode = #tpu.pipeline_mode<synchronous>, transform_indices = @transform_4, window_bounds = array<i64: 16, 16>}, {pipeline_mode = #tpu.pipeline_mode<synchronous>, transform_indices = @transform_5, window_bounds = array<i64: 1, 16>}, {pipeline_mode = #tpu.pipeline_mode<synchronous>, transform_indices = @transform_6, window_bounds = array<i64: 16, 32>}, {pipeline_mode = #tpu.pipeline_mode<synchronous>, transform_indices = @transform_7, window_bounds = array<i64: 1, 32>}, {transform_indices = @transform_8, window_bounds = array<i64: 1, 256, 32>}]} {
    %get3A = arith.constant 0 : index
    %get3A_0 = arith.constant 0 : index
    %get3A_1 = arith.constant 0 : index
    %get3A_2 = vector.load %arg2[%get3A, %get3A_0, %get3A_1] : memref<1x256x3xf32, #tpu.memory_space<vmem>>, vector<1x256x3xf32>
    %get3A_3 = vector.shape_cast %get3A_2 : vector<1x256x3xf32> to vector<256x3xf32>
    %get3A_4 = arith.constant 0 : index
    %get3A_5 = arith.constant 0 : index
    %get3A_6 = arith.constant 0 : index
    %get3A_7 = arith.constant 0 : index
    %get3A_8 = vector.load %arg3[%get3A_4, %get3A_5, %get3A_6, %get3A_7] : memref<1x256x16x16xf32, #tpu.memory_space<vmem>>, vector<1x256x16x16xf32>
    %get3A_9 = vector.shape_cast %get3A_8 : vector<1x256x16x16xf32> to vector<256x16x16xf32>
    %slice3A = vector.extract_strided_slice %get3A_9 {offsets = [0, 0, 0], sizes = [256, 16, 3], strides = [1, 1, 1]} : vector<256x16x16xf32> to vector<256x16x3xf32>
    %broadcast_in_dim3A = vector.shape_cast %get3A_3 : vector<256x3xf32> to vector<256x1x3xf32>
    %broadcast_in_dim3A_10 = vector.shape_cast %broadcast_in_dim3A : vector<256x1x3xf32> to vector<256x1x3xf32>
    %broadcast_in_dim3A_11 = vector.broadcast %broadcast_in_dim3A_10 : vector<256x1x3xf32> to vector<256x16x3xf32>
    %sub3A = arith.subf %slice3A, %broadcast_in_dim3A_11 : vector<256x16x3xf32>
    %concatenate3A = tpu.concatenate %broadcast_in_dim3A_11, %sub3A in 2 : vector<256x16x3xf32>, vector<256x16x3xf32> -> vector<256x16x6xf32>
    %reshape3A = vector.shape_cast %concatenate3A : vector<256x16x6xf32> to vector<4096x6xf32>
    %get3A_12 = arith.constant 0 : index
    %get3A_13 = arith.constant 0 : index
    %get3A_14 = vector.load %arg4[%get3A_12, %get3A_13] : memref<6x16xf32, #tpu.memory_space<vmem>>, vector<6x16xf32>
    %dot_general3A = arith.constant dense<0.000000e+00> : vector<4096x16xf32>
    %dot_general3A_15 = tpu.matmul %reshape3A, %get3A_14, %dot_general3A {dimension_numbers = #tpu.dot_dimension_numbers<[1], [0], [0], [1], [0, 0, 1, 1], [], []>, transpose_lhs_hint = false} : vector<4096x6xf32>, vector<6x16xf32>, vector<4096x16xf32> -> vector<4096x16xf32>
    %get3A_16 = arith.constant 0 : index
    %get3A_17 = arith.constant 0 : index
    %get3A_18 = vector.load %arg5[%get3A_16, %get3A_17] : memref<1x16xf32, #tpu.memory_space<vmem>>, vector<1x16xf32>
    %add3A = vector.broadcast %get3A_18 : vector<1x16xf32> to vector<4096x16xf32>
    %add3A_19 = arith.addf %dot_general3A_15, %add3A : vector<4096x16xf32>
    %max3A = arith.constant 0.000000e+00 : f32
    %max3A_20 = vector.broadcast %max3A : f32 to vector<4096x16xf32>
    %max3A_21 = arith.maximumf %add3A_19, %max3A_20 : vector<4096x16xf32>
    %get3A_22 = arith.constant 0 : index
    %get3A_23 = arith.constant 0 : index
    %get3A_24 = vector.load %arg6[%get3A_22, %get3A_23] : memref<16x16xf32, #tpu.memory_space<vmem>>, vector<16x16xf32>
    %dot_general3A_25 = arith.constant dense<0.000000e+00> : vector<4096x16xf32>
    %dot_general3A_26 = tpu.matmul %max3A_21, %get3A_24, %dot_general3A_25 {dimension_numbers = #tpu.dot_dimension_numbers<[1], [0], [0], [1], [0, 0, 1, 1], [], []>, transpose_lhs_hint = false} : vector<4096x16xf32>, vector<16x16xf32>, vector<4096x16xf32> -> vector<4096x16xf32>
    %get3A_27 = arith.constant 0 : index
    %get3A_28 = arith.constant 0 : index
    %get3A_29 = vector.load %arg7[%get3A_27, %get3A_28] : memref<1x16xf32, #tpu.memory_space<vmem>>, vector<1x16xf32>
    %add3A_30 = vector.broadcast %get3A_29 : vector<1x16xf32> to vector<4096x16xf32>
    %add3A_31 = arith.addf %dot_general3A_26, %add3A_30 : vector<4096x16xf32>
    %max3A_32 = arith.constant 0.000000e+00 : f32
    %max3A_33 = vector.broadcast %max3A_32 : f32 to vector<4096x16xf32>
    %max3A_34 = arith.maximumf %add3A_31, %max3A_33 : vector<4096x16xf32>
    %get3A_35 = arith.constant 0 : index
    %get3A_36 = arith.constant 0 : index
    %get3A_37 = vector.load %arg8[%get3A_35, %get3A_36] : memref<16x32xf32, #tpu.memory_space<vmem>>, vector<16x32xf32>
    %dot_general3A_38 = arith.constant dense<0.000000e+00> : vector<4096x32xf32>
    %dot_general3A_39 = tpu.matmul %max3A_34, %get3A_37, %dot_general3A_38 {dimension_numbers = #tpu.dot_dimension_numbers<[1], [0], [0], [1], [0, 0, 1, 1], [], []>, transpose_lhs_hint = false} : vector<4096x16xf32>, vector<16x32xf32>, vector<4096x32xf32> -> vector<4096x32xf32>
    %get3A_40 = arith.constant 0 : index
    %get3A_41 = arith.constant 0 : index
    %get3A_42 = vector.load %arg9[%get3A_40, %get3A_41] : memref<1x32xf32, #tpu.memory_space<vmem>>, vector<1x32xf32>
    %add3A_43 = vector.broadcast %get3A_42 : vector<1x32xf32> to vector<4096x32xf32>
    %add3A_44 = arith.addf %dot_general3A_39, %add3A_43 : vector<4096x32xf32>
    %max3A_45 = arith.constant 0.000000e+00 : f32
    %max3A_46 = vector.broadcast %max3A_45 : f32 to vector<4096x32xf32>
    %max3A_47 = arith.maximumf %add3A_44, %max3A_46 : vector<4096x32xf32>
    %reshape3A_48 = vector.shape_cast %max3A_47 : vector<4096x32xf32> to vector<256x16x32xf32>
    %reduce_max3A = arith.constant dense<0xFF800000> : vector<256x32xf32>
    %reduce_max3A_49 = vector.multi_reduction <maximumf>, %reshape3A_48, %reduce_max3A [1] : vector<256x16x32xf32> to vector<256x32xf32>
    %swap3A = arith.constant 0 : index
    %swap3A_50 = arith.constant 0 : index
    %swap3A_51 = arith.constant 0 : index
    %swap3A_52 = vector.load %arg10[%swap3A, %swap3A_50, %swap3A_51] : memref<1x256x32xf32, #tpu.memory_space<vmem>>, vector<1x256x32xf32>
    %swap3A_53 = vector.shape_cast %swap3A_52 : vector<1x256x32xf32> to vector<256x32xf32>
    %swap3A_54 = vector.shape_cast %reduce_max3A_49 : vector<256x32xf32> to vector<1x256x32xf32>
    tpu.vector_store %arg10[%swap3A, %swap3A_50, %swap3A_51], %swap3A_54 {strides = array<i32>} : memref<1x256x32xf32, #tpu.memory_space<vmem>>, vector<1x256x32xf32>,
    return
  }
  func.func @transform_0(%arg0: i32, %arg1: i32) -> (i32, i32, i32) {
    %c0_i32 = arith.constant 0 : i32
    %c0_i32_0 = arith.constant 0 : i32
    return %arg0, %arg1, %c0_i32 : i32, i32, i32
  }
  func.func @transform_1(%arg0: i32, %arg1: i32) -> (i32, i32, i32, i32) {
    %c0_i32 = arith.constant 0 : i32
    %c0_i32_0 = arith.constant 0 : i32
    %c0_i32_1 = arith.constant 0 : i32
    return %arg0, %arg1, %c0_i32, %c0_i32_0 : i32, i32, i32, i32
  }
  func.func @transform_2(%arg0: i32, %arg1: i32) -> (i32, i32) {
    %c0_i32 = arith.constant 0 : i32
    %c0_i32_0 = arith.constant 0 : i32
    %c0_i32_1 = arith.constant 0 : i32
    return %c0_i32, %c0_i32_0 : i32, i32
  }
  func.func @transform_3(%arg0: i32, %arg1: i32) -> (i32, i32) {
    %c0_i32 = arith.constant 0 : i32
    %c0_i32_0 = arith.constant 0 : i32
    %c0_i32_1 = arith.constant 0 : i32
    return %c0_i32, %c0_i32_0 : i32, i32
  }
  func.func @transform_4(%arg0: i32, %arg1: i32) -> (i32, i32) {
    %c0_i32 = arith.constant 0 : i32
    %c0_i32_0 = arith.constant 0 : i32
    %c0_i32_1 = arith.constant 0 : i32
    return %c0_i32, %c0_i32_0 : i32, i32
  }
  func.func @transform_5(%arg0: i32, %arg1: i32) -> (i32, i32) {
    %c0_i32 = arith.constant 0 : i32
    %c0_i32_0 = arith.constant 0 : i32
    %c0_i32_1 = arith.constant 0 : i32
    return %c0_i32, %c0_i32_0 : i32, i32
  }
  func.func @transform_6(%arg0: i32, %arg1: i32) -> (i32, i32) {
    %c0_i32 = arith.constant 0 : i32
    %c0_i32_0 = arith.constant 0 : i32
    %c0_i32_1 = arith.constant 0 : i32
    return %c0_i32, %c0_i32_0 : i32, i32
  }
  func.func @transform_7(%arg0: i32, %arg1: i32) -> (i32, i32) {
    %c0_i32 = arith.constant 0 : i32
    %c0_i32_0 = arith.constant 0 : i32
    %c0_i32_1 = arith.constant 0 : i32
    return %c0_i32, %c0_i32_0 : i32, i32
  }
  func.func @transform_8(%arg0: i32, %arg1: i32) -> (i32, i32, i32) {
    %c0_i32 = arith.constant 0 : i32
    %c0_i32_0 = arith.constant 0 : i32
    return %arg0, %arg1, %c0_i32 : i32, i32, i32
  }
}

module attributes {stable_mosaic.version = 14 : i64} {
  func.func @_knn_body(%arg0: i32, %arg1: i32, %arg2: memref<1x256x32xf32, #tpu.memory_space<vmem>>, %arg3: memref<1x2048x32xf32, #tpu.memory_space<vmem>>, %arg4: memref<1x32x2048xf32, #tpu.memory_space<vmem>>, %arg5: memref<1x256x16xi32, #tpu.memory_space<vmem>>) attributes {dimension_semantics = [#tpu.dimension_semantics<arbitrary>, #tpu.dimension_semantics<arbitrary>], iteration_bounds = array<i64: 4, 8>, scalar_prefetch = 0 : i64, scratch_operands = 0 : i64, tpu.core_type = #tpu.core_type<tc>, window_params = [{transform_indices = @transform_0, window_bounds = array<i64: 1, 256, 32>}, {transform_indices = @transform_1, window_bounds = array<i64: 1, 2048, 32>}, {transform_indices = @transform_2, window_bounds = array<i64: 1, 32, 2048>}, {transform_indices = @transform_3, window_bounds = array<i64: 1, 256, 16>}]} {
    %get3A = arith.constant 0 : index
    %get3A_0 = arith.constant 0 : index
    %get3A_1 = arith.constant 0 : index
    %get3A_2 = vector.load %arg2[%get3A, %get3A_0, %get3A_1] : memref<1x256x32xf32, #tpu.memory_space<vmem>>, vector<1x256x32xf32>
    %get3A_3 = vector.shape_cast %get3A_2 : vector<1x256x32xf32> to vector<256x32xf32>
    %get3A_4 = arith.constant 0 : index
    %get3A_5 = arith.constant 0 : index
    %get3A_6 = arith.constant 0 : index
    %get3A_7 = vector.load %arg3[%get3A_4, %get3A_5, %get3A_6] : memref<1x2048x32xf32, #tpu.memory_space<vmem>>, vector<1x2048x32xf32>
    %get3A_8 = vector.shape_cast %get3A_7 : vector<1x2048x32xf32> to vector<2048x32xf32>
    %get3A_9 = arith.constant 0 : index
    %get3A_10 = arith.constant 0 : index
    %get3A_11 = arith.constant 0 : index
    %get3A_12 = vector.load %arg4[%get3A_9, %get3A_10, %get3A_11] : memref<1x32x2048xf32, #tpu.memory_space<vmem>>, vector<1x32x2048xf32>
    %get3A_13 = vector.shape_cast %get3A_12 : vector<1x32x2048xf32> to vector<32x2048xf32>
    %dot_general3A = arith.constant dense<0.000000e+00> : vector<256x2048xf32>
    %dot_general3A_14 = tpu.matmul %get3A_3, %get3A_13, %dot_general3A {dimension_numbers = #tpu.dot_dimension_numbers<[1], [0], [0], [1], [0, 0, 1, 1], [], []>, transpose_lhs_hint = false} : vector<256x32xf32>, vector<32x2048xf32>, vector<256x2048xf32> -> vector<256x2048xf32>
    %mul3A = arith.mulf %get3A_3, %get3A_3 : vector<256x32xf32>
    %reduce_sum3A = arith.constant dense<0.000000e+00> : vector<256xf32>
    %reduce_sum3A_15 = vector.multi_reduction <add>, %mul3A, %reduce_sum3A [1] : vector<256x32xf32> to vector<256xf32>
    %mul3A_16 = arith.mulf %get3A_8, %get3A_8 : vector<2048x32xf32>
    %reduce_sum3A_17 = arith.constant dense<0.000000e+00> : vector<2048xf32>
    %reduce_sum3A_18 = vector.multi_reduction <add>, %mul3A_16, %reduce_sum3A_17 [1] : vector<2048x32xf32> to vector<2048xf32>
    %broadcast_in_dim3A = vector.shape_cast %reduce_sum3A_15 : vector<256xf32> to vector<256x1xf32>
    %broadcast_in_dim3A_19 = vector.shape_cast %reduce_sum3A_18 : vector<2048xf32> to vector<1x2048xf32>
    %add3A = vector.broadcast %broadcast_in_dim3A : vector<256x1xf32> to vector<256x2048xf32>
    %add3A_20 = vector.broadcast %broadcast_in_dim3A_19 : vector<1x2048xf32> to vector<256x2048xf32>
    %add3A_21 = arith.addf %add3A, %add3A_20 : vector<256x2048xf32>
    %mul3A_22 = arith.constant 2.000000e+00 : f32
    %mul3A_23 = vector.broadcast %mul3A_22 : f32 to vector<256x2048xf32>
    %mul3A_24 = arith.mulf %mul3A_23, %dot_general3A_14 : vector<256x2048xf32>
    %sub3A = arith.subf %add3A_21, %mul3A_24 : vector<256x2048xf32>
    %mul3A_25 = arith.constant 256 : i32
    %mul3A_26 = arith.muli %arg1, %mul3A_25 : i32
    %iota3A = tpu.iota {dimensions = array<i32: 0>} : vector<256x2048xi32>
    %add3A_27 = vector.broadcast %mul3A_26 : i32 to vector<256x2048xi32>
    %add3A_28 = arith.addi %add3A_27, %iota3A : vector<256x2048xi32>
    %iota3A_29 = tpu.iota {dimensions = array<i32: 1>} : vector<256x2048xi32>
    %eq3A = arith.cmpi eq, %add3A_28, %iota3A_29 : vector<256x2048xi32>
    %jit3A = arith.constant 0x7F800000 : f32
    %broadcast_in_dim3A_30 = vector.broadcast %jit3A : f32 to vector<256x2048xf32>
    %select_n3A = arith.select %eq3A, %broadcast_in_dim3A_30, %sub3A : vector<256x2048xi1>, vector<256x2048xf32>
    %iota3A_31 = tpu.iota {dimensions = array<i32: 1>} : vector<256x16xi32>
    %broadcast_in_dim3A_32 = arith.constant 0 : i32
    %broadcast_in_dim3A_33 = vector.broadcast %broadcast_in_dim3A_32 : i32 to vector<256x16xi32>
    %reduce_min3A = arith.constant dense<0x7F800000> : vector<256xf32>
    %reduce_min3A_34 = vector.multi_reduction <minimumf>, %select_n3A, %reduce_min3A [1] : vector<256x2048xf32> to vector<256xf32>
    %broadcast_in_dim3A_35 = vector.shape_cast %reduce_min3A_34 : vector<256xf32> to vector<256x1xf32>
    %eq3A_36 = vector.broadcast %broadcast_in_dim3A_35 : vector<256x1xf32> to vector<256x2048xf32>
    %eq3A_37 = arith.cmpf oeq, %select_n3A, %eq3A_36 : vector<256x2048xf32>
    %jit3A_38 = arith.constant 2048 : i32
    %broadcast_in_dim3A_39 = vector.broadcast %jit3A_38 : i32 to vector<256x2048xi32>
    %select_n3A_40 = arith.select %eq3A_37, %iota3A_29, %broadcast_in_dim3A_39 : vector<256x2048xi1>, vector<256x2048xi32>
    %reduce_min3A_41 = arith.constant dense<2147483647> : vector<256xi32>
    %reduce_min3A_42 = vector.multi_reduction <minsi>, %select_n3A_40, %reduce_min3A_41 [1] : vector<256x2048xi32> to vector<256xi32>
    %eq3A_43 = arith.constant 0 : i32
    %eq3A_44 = vector.broadcast %eq3A_43 : i32 to vector<256x16xi32>
    %eq3A_45 = arith.cmpi eq, %iota3A_31, %eq3A_44 : vector<256x16xi32>
    %broadcast_in_dim3A_46 = vector.shape_cast %reduce_min3A_42 : vector<256xi32> to vector<256x1xi32>
    %jit3A_47 = arith.constant 0 : i32
    %broadcast_in_dim3A_48 = vector.shape_cast %broadcast_in_dim3A_46 : vector<256x1xi32> to vector<256x1xi32>
    %broadcast_in_dim3A_49 = vector.broadcast %broadcast_in_dim3A_48 : vector<256x1xi32> to vector<256x16xi32>
    %broadcast_in_dim3A_50 = vector.broadcast %jit3A_47 : i32 to vector<256x16xi32>
    %select_n3A_51 = arith.select %eq3A_45, %broadcast_in_dim3A_49, %broadcast_in_dim3A_50 : vector<256x16xi1>, vector<256x16xi32>
    %add3A_52 = arith.addi %broadcast_in_dim3A_33, %select_n3A_51 : vector<256x16xi32>
    %broadcast_in_dim3A_53 = vector.shape_cast %reduce_min3A_42 : vector<256xi32> to vector<256x1xi32>
    %eq3A_54 = vector.broadcast %broadcast_in_dim3A_53 : vector<256x1xi32> to vector<256x2048xi32>
    %eq3A_55 = arith.cmpi eq, %iota3A_29, %eq3A_54 : vector<256x2048xi32>
    %jit3A_56 = arith.constant 0x7F800000 : f32
    %broadcast_in_dim3A_57 = vector.broadcast %jit3A_56 : f32 to vector<256x2048xf32>
    %select_n3A_58 = arith.select %eq3A_55, %broadcast_in_dim3A_57, %select_n3A : vector<256x2048xi1>, vector<256x2048xf32>
    %reduce_min3A_59 = arith.constant dense<0x7F800000> : vector<256xf32>
    %reduce_min3A_60 = vector.multi_reduction <minimumf>, %select_n3A_58, %reduce_min3A_59 [1] : vector<256x2048xf32> to vector<256xf32>
    %broadcast_in_dim3A_61 = vector.shape_cast %reduce_min3A_60 : vector<256xf32> to vector<256x1xf32>
    %eq3A_62 = vector.broadcast %broadcast_in_dim3A_61 : vector<256x1xf32> to vector<256x2048xf32>
    %eq3A_63 = arith.cmpf oeq, %select_n3A_58, %eq3A_62 : vector<256x2048xf32>
    %jit3A_64 = arith.constant 2048 : i32
    %broadcast_in_dim3A_65 = vector.broadcast %jit3A_64 : i32 to vector<256x2048xi32>
    %select_n3A_66 = arith.select %eq3A_63, %iota3A_29, %broadcast_in_dim3A_65 : vector<256x2048xi1>, vector<256x2048xi32>
    %reduce_min3A_67 = arith.constant dense<2147483647> : vector<256xi32>
    %reduce_min3A_68 = vector.multi_reduction <minsi>, %select_n3A_66, %reduce_min3A_67 [1] : vector<256x2048xi32> to vector<256xi32>
    %eq3A_69 = arith.constant 1 : i32
    %eq3A_70 = vector.broadcast %eq3A_69 : i32 to vector<256x16xi32>
    %eq3A_71 = arith.cmpi eq, %iota3A_31, %eq3A_70 : vector<256x16xi32>
    %broadcast_in_dim3A_72 = vector.shape_cast %reduce_min3A_68 : vector<256xi32> to vector<256x1xi32>
    %jit3A_73 = arith.constant 0 : i32
    %broadcast_in_dim3A_74 = vector.shape_cast %broadcast_in_dim3A_72 : vector<256x1xi32> to vector<256x1xi32>
    %broadcast_in_dim3A_75 = vector.broadcast %broadcast_in_dim3A_74 : vector<256x1xi32> to vector<256x16xi32>
    %broadcast_in_dim3A_76 = vector.broadcast %jit3A_73 : i32 to vector<256x16xi32>
    %select_n3A_77 = arith.select %eq3A_71, %broadcast_in_dim3A_75, %broadcast_in_dim3A_76 : vector<256x16xi1>, vector<256x16xi32>
    %add3A_78 = arith.addi %add3A_52, %select_n3A_77 : vector<256x16xi32>
    %broadcast_in_dim3A_79 = vector.shape_cast %reduce_min3A_68 : vector<256xi32> to vector<256x1xi32>
    %eq3A_80 = vector.broadcast %broadcast_in_dim3A_79 : vector<256x1xi32> to vector<256x2048xi32>
    %eq3A_81 = arith.cmpi eq, %iota3A_29, %eq3A_80 : vector<256x2048xi32>
    %jit3A_82 = arith.constant 0x7F800000 : f32
    %broadcast_in_dim3A_83 = vector.broadcast %jit3A_82 : f32 to vector<256x2048xf32>
    %select_n3A_84 = arith.select %eq3A_81, %broadcast_in_dim3A_83, %select_n3A_58 : vector<256x2048xi1>, vector<256x2048xf32>
    %reduce_min3A_85 = arith.constant dense<0x7F800000> : vector<256xf32>
    %reduce_min3A_86 = vector.multi_reduction <minimumf>, %select_n3A_84, %reduce_min3A_85 [1] : vector<256x2048xf32> to vector<256xf32>
    %broadcast_in_dim3A_87 = vector.shape_cast %reduce_min3A_86 : vector<256xf32> to vector<256x1xf32>
    %eq3A_88 = vector.broadcast %broadcast_in_dim3A_87 : vector<256x1xf32> to vector<256x2048xf32>
    %eq3A_89 = arith.cmpf oeq, %select_n3A_84, %eq3A_88 : vector<256x2048xf32>
    %jit3A_90 = arith.constant 2048 : i32
    %broadcast_in_dim3A_91 = vector.broadcast %jit3A_90 : i32 to vector<256x2048xi32>
    %select_n3A_92 = arith.select %eq3A_89, %iota3A_29, %broadcast_in_dim3A_91 : vector<256x2048xi1>, vector<256x2048xi32>
    %reduce_min3A_93 = arith.constant dense<2147483647> : vector<256xi32>
    %reduce_min3A_94 = vector.multi_reduction <minsi>, %select_n3A_92, %reduce_min3A_93 [1] : vector<256x2048xi32> to vector<256xi32>
    %eq3A_95 = arith.constant 2 : i32
    %eq3A_96 = vector.broadcast %eq3A_95 : i32 to vector<256x16xi32>
    %eq3A_97 = arith.cmpi eq, %iota3A_31, %eq3A_96 : vector<256x16xi32>
    %broadcast_in_dim3A_98 = vector.shape_cast %reduce_min3A_94 : vector<256xi32> to vector<256x1xi32>
    %jit3A_99 = arith.constant 0 : i32
    %broadcast_in_dim3A_100 = vector.shape_cast %broadcast_in_dim3A_98 : vector<256x1xi32> to vector<256x1xi32>
    %broadcast_in_dim3A_101 = vector.broadcast %broadcast_in_dim3A_100 : vector<256x1xi32> to vector<256x16xi32>
    %broadcast_in_dim3A_102 = vector.broadcast %jit3A_99 : i32 to vector<256x16xi32>
    %select_n3A_103 = arith.select %eq3A_97, %broadcast_in_dim3A_101, %broadcast_in_dim3A_102 : vector<256x16xi1>, vector<256x16xi32>
    %add3A_104 = arith.addi %add3A_78, %select_n3A_103 : vector<256x16xi32>
    %broadcast_in_dim3A_105 = vector.shape_cast %reduce_min3A_94 : vector<256xi32> to vector<256x1xi32>
    %eq3A_106 = vector.broadcast %broadcast_in_dim3A_105 : vector<256x1xi32> to vector<256x2048xi32>
    %eq3A_107 = arith.cmpi eq, %iota3A_29, %eq3A_106 : vector<256x2048xi32>
    %jit3A_108 = arith.constant 0x7F800000 : f32
    %broadcast_in_dim3A_109 = vector.broadcast %jit3A_108 : f32 to vector<256x2048xf32>
    %select_n3A_110 = arith.select %eq3A_107, %broadcast_in_dim3A_109, %select_n3A_84 : vector<256x2048xi1>, vector<256x2048xf32>
    %reduce_min3A_111 = arith.constant dense<0x7F800000> : vector<256xf32>
    %reduce_min3A_112 = vector.multi_reduction <minimumf>, %select_n3A_110, %reduce_min3A_111 [1] : vector<256x2048xf32> to vector<256xf32>
    %broadcast_in_dim3A_113 = vector.shape_cast %reduce_min3A_112 : vector<256xf32> to vector<256x1xf32>
    %eq3A_114 = vector.broadcast %broadcast_in_dim3A_113 : vector<256x1xf32> to vector<256x2048xf32>
    %eq3A_115 = arith.cmpf oeq, %select_n3A_110, %eq3A_114 : vector<256x2048xf32>
    %jit3A_116 = arith.constant 2048 : i32
    %broadcast_in_dim3A_117 = vector.broadcast %jit3A_116 : i32 to vector<256x2048xi32>
    %select_n3A_118 = arith.select %eq3A_115, %iota3A_29, %broadcast_in_dim3A_117 : vector<256x2048xi1>, vector<256x2048xi32>
    %reduce_min3A_119 = arith.constant dense<2147483647> : vector<256xi32>
    %reduce_min3A_120 = vector.multi_reduction <minsi>, %select_n3A_118, %reduce_min3A_119 [1] : vector<256x2048xi32> to vector<256xi32>
    %eq3A_121 = arith.constant 3 : i32
    %eq3A_122 = vector.broadcast %eq3A_121 : i32 to vector<256x16xi32>
    %eq3A_123 = arith.cmpi eq, %iota3A_31, %eq3A_122 : vector<256x16xi32>
    %broadcast_in_dim3A_124 = vector.shape_cast %reduce_min3A_120 : vector<256xi32> to vector<256x1xi32>
    %jit3A_125 = arith.constant 0 : i32
    %broadcast_in_dim3A_126 = vector.shape_cast %broadcast_in_dim3A_124 : vector<256x1xi32> to vector<256x1xi32>
    %broadcast_in_dim3A_127 = vector.broadcast %broadcast_in_dim3A_126 : vector<256x1xi32> to vector<256x16xi32>
    %broadcast_in_dim3A_128 = vector.broadcast %jit3A_125 : i32 to vector<256x16xi32>
    %select_n3A_129 = arith.select %eq3A_123, %broadcast_in_dim3A_127, %broadcast_in_dim3A_128 : vector<256x16xi1>, vector<256x16xi32>
    %add3A_130 = arith.addi %add3A_104, %select_n3A_129 : vector<256x16xi32>
    %broadcast_in_dim3A_131 = vector.shape_cast %reduce_min3A_120 : vector<256xi32> to vector<256x1xi32>
    %eq3A_132 = vector.broadcast %broadcast_in_dim3A_131 : vector<256x1xi32> to vector<256x2048xi32>
    %eq3A_133 = arith.cmpi eq, %iota3A_29, %eq3A_132 : vector<256x2048xi32>
    %jit3A_134 = arith.constant 0x7F800000 : f32
    %broadcast_in_dim3A_135 = vector.broadcast %jit3A_134 : f32 to vector<256x2048xf32>
    %select_n3A_136 = arith.select %eq3A_133, %broadcast_in_dim3A_135, %select_n3A_110 : vector<256x2048xi1>, vector<256x2048xf32>
    %reduce_min3A_137 = arith.constant dense<0x7F800000> : vector<256xf32>
    %reduce_min3A_138 = vector.multi_reduction <minimumf>, %select_n3A_136, %reduce_min3A_137 [1] : vector<256x2048xf32> to vector<256xf32>
    %broadcast_in_dim3A_139 = vector.shape_cast %reduce_min3A_138 : vector<256xf32> to vector<256x1xf32>
    %eq3A_140 = vector.broadcast %broadcast_in_dim3A_139 : vector<256x1xf32> to vector<256x2048xf32>
    %eq3A_141 = arith.cmpf oeq, %select_n3A_136, %eq3A_140 : vector<256x2048xf32>
    %jit3A_142 = arith.constant 2048 : i32
    %broadcast_in_dim3A_143 = vector.broadcast %jit3A_142 : i32 to vector<256x2048xi32>
    %select_n3A_144 = arith.select %eq3A_141, %iota3A_29, %broadcast_in_dim3A_143 : vector<256x2048xi1>, vector<256x2048xi32>
    %reduce_min3A_145 = arith.constant dense<2147483647> : vector<256xi32>
    %reduce_min3A_146 = vector.multi_reduction <minsi>, %select_n3A_144, %reduce_min3A_145 [1] : vector<256x2048xi32> to vector<256xi32>
    %eq3A_147 = arith.constant 4 : i32
    %eq3A_148 = vector.broadcast %eq3A_147 : i32 to vector<256x16xi32>
    %eq3A_149 = arith.cmpi eq, %iota3A_31, %eq3A_148 : vector<256x16xi32>
    %broadcast_in_dim3A_150 = vector.shape_cast %reduce_min3A_146 : vector<256xi32> to vector<256x1xi32>
    %jit3A_151 = arith.constant 0 : i32
    %broadcast_in_dim3A_152 = vector.shape_cast %broadcast_in_dim3A_150 : vector<256x1xi32> to vector<256x1xi32>
    %broadcast_in_dim3A_153 = vector.broadcast %broadcast_in_dim3A_152 : vector<256x1xi32> to vector<256x16xi32>
    %broadcast_in_dim3A_154 = vector.broadcast %jit3A_151 : i32 to vector<256x16xi32>
    %select_n3A_155 = arith.select %eq3A_149, %broadcast_in_dim3A_153, %broadcast_in_dim3A_154 : vector<256x16xi1>, vector<256x16xi32>
    %add3A_156 = arith.addi %add3A_130, %select_n3A_155 : vector<256x16xi32>
    %broadcast_in_dim3A_157 = vector.shape_cast %reduce_min3A_146 : vector<256xi32> to vector<256x1xi32>
    %eq3A_158 = vector.broadcast %broadcast_in_dim3A_157 : vector<256x1xi32> to vector<256x2048xi32>
    %eq3A_159 = arith.cmpi eq, %iota3A_29, %eq3A_158 : vector<256x2048xi32>
    %jit3A_160 = arith.constant 0x7F800000 : f32
    %broadcast_in_dim3A_161 = vector.broadcast %jit3A_160 : f32 to vector<256x2048xf32>
    %select_n3A_162 = arith.select %eq3A_159, %broadcast_in_dim3A_161, %select_n3A_136 : vector<256x2048xi1>, vector<256x2048xf32>
    %reduce_min3A_163 = arith.constant dense<0x7F800000> : vector<256xf32>
    %reduce_min3A_164 = vector.multi_reduction <minimumf>, %select_n3A_162, %reduce_min3A_163 [1] : vector<256x2048xf32> to vector<256xf32>
    %broadcast_in_dim3A_165 = vector.shape_cast %reduce_min3A_164 : vector<256xf32> to vector<256x1xf32>
    %eq3A_166 = vector.broadcast %broadcast_in_dim3A_165 : vector<256x1xf32> to vector<256x2048xf32>
    %eq3A_167 = arith.cmpf oeq, %select_n3A_162, %eq3A_166 : vector<256x2048xf32>
    %jit3A_168 = arith.constant 2048 : i32
    %broadcast_in_dim3A_169 = vector.broadcast %jit3A_168 : i32 to vector<256x2048xi32>
    %select_n3A_170 = arith.select %eq3A_167, %iota3A_29, %broadcast_in_dim3A_169 : vector<256x2048xi1>, vector<256x2048xi32>
    %reduce_min3A_171 = arith.constant dense<2147483647> : vector<256xi32>
    %reduce_min3A_172 = vector.multi_reduction <minsi>, %select_n3A_170, %reduce_min3A_171 [1] : vector<256x2048xi32> to vector<256xi32>
    %eq3A_173 = arith.constant 5 : i32
    %eq3A_174 = vector.broadcast %eq3A_173 : i32 to vector<256x16xi32>
    %eq3A_175 = arith.cmpi eq, %iota3A_31, %eq3A_174 : vector<256x16xi32>
    %broadcast_in_dim3A_176 = vector.shape_cast %reduce_min3A_172 : vector<256xi32> to vector<256x1xi32>
    %jit3A_177 = arith.constant 0 : i32
    %broadcast_in_dim3A_178 = vector.shape_cast %broadcast_in_dim3A_176 : vector<256x1xi32> to vector<256x1xi32>
    %broadcast_in_dim3A_179 = vector.broadcast %broadcast_in_dim3A_178 : vector<256x1xi32> to vector<256x16xi32>
    %broadcast_in_dim3A_180 = vector.broadcast %jit3A_177 : i32 to vector<256x16xi32>
    %select_n3A_181 = arith.select %eq3A_175, %broadcast_in_dim3A_179, %broadcast_in_dim3A_180 : vector<256x16xi1>, vector<256x16xi32>
    %add3A_182 = arith.addi %add3A_156, %select_n3A_181 : vector<256x16xi32>
    %broadcast_in_dim3A_183 = vector.shape_cast %reduce_min3A_172 : vector<256xi32> to vector<256x1xi32>
    %eq3A_184 = vector.broadcast %broadcast_in_dim3A_183 : vector<256x1xi32> to vector<256x2048xi32>
    %eq3A_185 = arith.cmpi eq, %iota3A_29, %eq3A_184 : vector<256x2048xi32>
    %jit3A_186 = arith.constant 0x7F800000 : f32
    %broadcast_in_dim3A_187 = vector.broadcast %jit3A_186 : f32 to vector<256x2048xf32>
    %select_n3A_188 = arith.select %eq3A_185, %broadcast_in_dim3A_187, %select_n3A_162 : vector<256x2048xi1>, vector<256x2048xf32>
    %reduce_min3A_189 = arith.constant dense<0x7F800000> : vector<256xf32>
    %reduce_min3A_190 = vector.multi_reduction <minimumf>, %select_n3A_188, %reduce_min3A_189 [1] : vector<256x2048xf32> to vector<256xf32>
    %broadcast_in_dim3A_191 = vector.shape_cast %reduce_min3A_190 : vector<256xf32> to vector<256x1xf32>
    %eq3A_192 = vector.broadcast %broadcast_in_dim3A_191 : vector<256x1xf32> to vector<256x2048xf32>
    %eq3A_193 = arith.cmpf oeq, %select_n3A_188, %eq3A_192 : vector<256x2048xf32>
    %jit3A_194 = arith.constant 2048 : i32
    %broadcast_in_dim3A_195 = vector.broadcast %jit3A_194 : i32 to vector<256x2048xi32>
    %select_n3A_196 = arith.select %eq3A_193, %iota3A_29, %broadcast_in_dim3A_195 : vector<256x2048xi1>, vector<256x2048xi32>
    %reduce_min3A_197 = arith.constant dense<2147483647> : vector<256xi32>
    %reduce_min3A_198 = vector.multi_reduction <minsi>, %select_n3A_196, %reduce_min3A_197 [1] : vector<256x2048xi32> to vector<256xi32>
    %eq3A_199 = arith.constant 6 : i32
    %eq3A_200 = vector.broadcast %eq3A_199 : i32 to vector<256x16xi32>
    %eq3A_201 = arith.cmpi eq, %iota3A_31, %eq3A_200 : vector<256x16xi32>
    %broadcast_in_dim3A_202 = vector.shape_cast %reduce_min3A_198 : vector<256xi32> to vector<256x1xi32>
    %jit3A_203 = arith.constant 0 : i32
    %broadcast_in_dim3A_204 = vector.shape_cast %broadcast_in_dim3A_202 : vector<256x1xi32> to vector<256x1xi32>
    %broadcast_in_dim3A_205 = vector.broadcast %broadcast_in_dim3A_204 : vector<256x1xi32> to vector<256x16xi32>
    %broadcast_in_dim3A_206 = vector.broadcast %jit3A_203 : i32 to vector<256x16xi32>
    %select_n3A_207 = arith.select %eq3A_201, %broadcast_in_dim3A_205, %broadcast_in_dim3A_206 : vector<256x16xi1>, vector<256x16xi32>
    %add3A_208 = arith.addi %add3A_182, %select_n3A_207 : vector<256x16xi32>
    %broadcast_in_dim3A_209 = vector.shape_cast %reduce_min3A_198 : vector<256xi32> to vector<256x1xi32>
    %eq3A_210 = vector.broadcast %broadcast_in_dim3A_209 : vector<256x1xi32> to vector<256x2048xi32>
    %eq3A_211 = arith.cmpi eq, %iota3A_29, %eq3A_210 : vector<256x2048xi32>
    %jit3A_212 = arith.constant 0x7F800000 : f32
    %broadcast_in_dim3A_213 = vector.broadcast %jit3A_212 : f32 to vector<256x2048xf32>
    %select_n3A_214 = arith.select %eq3A_211, %broadcast_in_dim3A_213, %select_n3A_188 : vector<256x2048xi1>, vector<256x2048xf32>
    %reduce_min3A_215 = arith.constant dense<0x7F800000> : vector<256xf32>
    %reduce_min3A_216 = vector.multi_reduction <minimumf>, %select_n3A_214, %reduce_min3A_215 [1] : vector<256x2048xf32> to vector<256xf32>
    %broadcast_in_dim3A_217 = vector.shape_cast %reduce_min3A_216 : vector<256xf32> to vector<256x1xf32>
    %eq3A_218 = vector.broadcast %broadcast_in_dim3A_217 : vector<256x1xf32> to vector<256x2048xf32>
    %eq3A_219 = arith.cmpf oeq, %select_n3A_214, %eq3A_218 : vector<256x2048xf32>
    %jit3A_220 = arith.constant 2048 : i32
    %broadcast_in_dim3A_221 = vector.broadcast %jit3A_220 : i32 to vector<256x2048xi32>
    %select_n3A_222 = arith.select %eq3A_219, %iota3A_29, %broadcast_in_dim3A_221 : vector<256x2048xi1>, vector<256x2048xi32>
    %reduce_min3A_223 = arith.constant dense<2147483647> : vector<256xi32>
    %reduce_min3A_224 = vector.multi_reduction <minsi>, %select_n3A_222, %reduce_min3A_223 [1] : vector<256x2048xi32> to vector<256xi32>
    %eq3A_225 = arith.constant 7 : i32
    %eq3A_226 = vector.broadcast %eq3A_225 : i32 to vector<256x16xi32>
    %eq3A_227 = arith.cmpi eq, %iota3A_31, %eq3A_226 : vector<256x16xi32>
    %broadcast_in_dim3A_228 = vector.shape_cast %reduce_min3A_224 : vector<256xi32> to vector<256x1xi32>
    %jit3A_229 = arith.constant 0 : i32
    %broadcast_in_dim3A_230 = vector.shape_cast %broadcast_in_dim3A_228 : vector<256x1xi32> to vector<256x1xi32>
    %broadcast_in_dim3A_231 = vector.broadcast %broadcast_in_dim3A_230 : vector<256x1xi32> to vector<256x16xi32>
    %broadcast_in_dim3A_232 = vector.broadcast %jit3A_229 : i32 to vector<256x16xi32>
    %select_n3A_233 = arith.select %eq3A_227, %broadcast_in_dim3A_231, %broadcast_in_dim3A_232 : vector<256x16xi1>, vector<256x16xi32>
    %add3A_234 = arith.addi %add3A_208, %select_n3A_233 : vector<256x16xi32>
    %broadcast_in_dim3A_235 = vector.shape_cast %reduce_min3A_224 : vector<256xi32> to vector<256x1xi32>
    %eq3A_236 = vector.broadcast %broadcast_in_dim3A_235 : vector<256x1xi32> to vector<256x2048xi32>
    %eq3A_237 = arith.cmpi eq, %iota3A_29, %eq3A_236 : vector<256x2048xi32>
    %jit3A_238 = arith.constant 0x7F800000 : f32
    %broadcast_in_dim3A_239 = vector.broadcast %jit3A_238 : f32 to vector<256x2048xf32>
    %select_n3A_240 = arith.select %eq3A_237, %broadcast_in_dim3A_239, %select_n3A_214 : vector<256x2048xi1>, vector<256x2048xf32>
    %reduce_min3A_241 = arith.constant dense<0x7F800000> : vector<256xf32>
    %reduce_min3A_242 = vector.multi_reduction <minimumf>, %select_n3A_240, %reduce_min3A_241 [1] : vector<256x2048xf32> to vector<256xf32>
    %broadcast_in_dim3A_243 = vector.shape_cast %reduce_min3A_242 : vector<256xf32> to vector<256x1xf32>
    %eq3A_244 = vector.broadcast %broadcast_in_dim3A_243 : vector<256x1xf32> to vector<256x2048xf32>
    %eq3A_245 = arith.cmpf oeq, %select_n3A_240, %eq3A_244 : vector<256x2048xf32>
    %jit3A_246 = arith.constant 2048 : i32
    %broadcast_in_dim3A_247 = vector.broadcast %jit3A_246 : i32 to vector<256x2048xi32>
    %select_n3A_248 = arith.select %eq3A_245, %iota3A_29, %broadcast_in_dim3A_247 : vector<256x2048xi1>, vector<256x2048xi32>
    %reduce_min3A_249 = arith.constant dense<2147483647> : vector<256xi32>
    %reduce_min3A_250 = vector.multi_reduction <minsi>, %select_n3A_248, %reduce_min3A_249 [1] : vector<256x2048xi32> to vector<256xi32>
    %eq3A_251 = arith.constant 8 : i32
    %eq3A_252 = vector.broadcast %eq3A_251 : i32 to vector<256x16xi32>
    %eq3A_253 = arith.cmpi eq, %iota3A_31, %eq3A_252 : vector<256x16xi32>
    %broadcast_in_dim3A_254 = vector.shape_cast %reduce_min3A_250 : vector<256xi32> to vector<256x1xi32>
    %jit3A_255 = arith.constant 0 : i32
    %broadcast_in_dim3A_256 = vector.shape_cast %broadcast_in_dim3A_254 : vector<256x1xi32> to vector<256x1xi32>
    %broadcast_in_dim3A_257 = vector.broadcast %broadcast_in_dim3A_256 : vector<256x1xi32> to vector<256x16xi32>
    %broadcast_in_dim3A_258 = vector.broadcast %jit3A_255 : i32 to vector<256x16xi32>
    %select_n3A_259 = arith.select %eq3A_253, %broadcast_in_dim3A_257, %broadcast_in_dim3A_258 : vector<256x16xi1>, vector<256x16xi32>
    %add3A_260 = arith.addi %add3A_234, %select_n3A_259 : vector<256x16xi32>
    %broadcast_in_dim3A_261 = vector.shape_cast %reduce_min3A_250 : vector<256xi32> to vector<256x1xi32>
    %eq3A_262 = vector.broadcast %broadcast_in_dim3A_261 : vector<256x1xi32> to vector<256x2048xi32>
    %eq3A_263 = arith.cmpi eq, %iota3A_29, %eq3A_262 : vector<256x2048xi32>
    %jit3A_264 = arith.constant 0x7F800000 : f32
    %broadcast_in_dim3A_265 = vector.broadcast %jit3A_264 : f32 to vector<256x2048xf32>
    %select_n3A_266 = arith.select %eq3A_263, %broadcast_in_dim3A_265, %select_n3A_240 : vector<256x2048xi1>, vector<256x2048xf32>
    %reduce_min3A_267 = arith.constant dense<0x7F800000> : vector<256xf32>
    %reduce_min3A_268 = vector.multi_reduction <minimumf>, %select_n3A_266, %reduce_min3A_267 [1] : vector<256x2048xf32> to vector<256xf32>
    %broadcast_in_dim3A_269 = vector.shape_cast %reduce_min3A_268 : vector<256xf32> to vector<256x1xf32>
    %eq3A_270 = vector.broadcast %broadcast_in_dim3A_269 : vector<256x1xf32> to vector<256x2048xf32>
    %eq3A_271 = arith.cmpf oeq, %select_n3A_266, %eq3A_270 : vector<256x2048xf32>
    %jit3A_272 = arith.constant 2048 : i32
    %broadcast_in_dim3A_273 = vector.broadcast %jit3A_272 : i32 to vector<256x2048xi32>
    %select_n3A_274 = arith.select %eq3A_271, %iota3A_29, %broadcast_in_dim3A_273 : vector<256x2048xi1>, vector<256x2048xi32>
    %reduce_min3A_275 = arith.constant dense<2147483647> : vector<256xi32>
    %reduce_min3A_276 = vector.multi_reduction <minsi>, %select_n3A_274, %reduce_min3A_275 [1] : vector<256x2048xi32> to vector<256xi32>
    %eq3A_277 = arith.constant 9 : i32
    %eq3A_278 = vector.broadcast %eq3A_277 : i32 to vector<256x16xi32>
    %eq3A_279 = arith.cmpi eq, %iota3A_31, %eq3A_278 : vector<256x16xi32>
    %broadcast_in_dim3A_280 = vector.shape_cast %reduce_min3A_276 : vector<256xi32> to vector<256x1xi32>
    %jit3A_281 = arith.constant 0 : i32
    %broadcast_in_dim3A_282 = vector.shape_cast %broadcast_in_dim3A_280 : vector<256x1xi32> to vector<256x1xi32>
    %broadcast_in_dim3A_283 = vector.broadcast %broadcast_in_dim3A_282 : vector<256x1xi32> to vector<256x16xi32>
    %broadcast_in_dim3A_284 = vector.broadcast %jit3A_281 : i32 to vector<256x16xi32>
    %select_n3A_285 = arith.select %eq3A_279, %broadcast_in_dim3A_283, %broadcast_in_dim3A_284 : vector<256x16xi1>, vector<256x16xi32>
    %add3A_286 = arith.addi %add3A_260, %select_n3A_285 : vector<256x16xi32>
    %broadcast_in_dim3A_287 = vector.shape_cast %reduce_min3A_276 : vector<256xi32> to vector<256x1xi32>
    %eq3A_288 = vector.broadcast %broadcast_in_dim3A_287 : vector<256x1xi32> to vector<256x2048xi32>
    %eq3A_289 = arith.cmpi eq, %iota3A_29, %eq3A_288 : vector<256x2048xi32>
    %jit3A_290 = arith.constant 0x7F800000 : f32
    %broadcast_in_dim3A_291 = vector.broadcast %jit3A_290 : f32 to vector<256x2048xf32>
    %select_n3A_292 = arith.select %eq3A_289, %broadcast_in_dim3A_291, %select_n3A_266 : vector<256x2048xi1>, vector<256x2048xf32>
    %reduce_min3A_293 = arith.constant dense<0x7F800000> : vector<256xf32>
    %reduce_min3A_294 = vector.multi_reduction <minimumf>, %select_n3A_292, %reduce_min3A_293 [1] : vector<256x2048xf32> to vector<256xf32>
    %broadcast_in_dim3A_295 = vector.shape_cast %reduce_min3A_294 : vector<256xf32> to vector<256x1xf32>
    %eq3A_296 = vector.broadcast %broadcast_in_dim3A_295 : vector<256x1xf32> to vector<256x2048xf32>
    %eq3A_297 = arith.cmpf oeq, %select_n3A_292, %eq3A_296 : vector<256x2048xf32>
    %jit3A_298 = arith.constant 2048 : i32
    %broadcast_in_dim3A_299 = vector.broadcast %jit3A_298 : i32 to vector<256x2048xi32>
    %select_n3A_300 = arith.select %eq3A_297, %iota3A_29, %broadcast_in_dim3A_299 : vector<256x2048xi1>, vector<256x2048xi32>
    %reduce_min3A_301 = arith.constant dense<2147483647> : vector<256xi32>
    %reduce_min3A_302 = vector.multi_reduction <minsi>, %select_n3A_300, %reduce_min3A_301 [1] : vector<256x2048xi32> to vector<256xi32>
    %eq3A_303 = arith.constant 10 : i32
    %eq3A_304 = vector.broadcast %eq3A_303 : i32 to vector<256x16xi32>
    %eq3A_305 = arith.cmpi eq, %iota3A_31, %eq3A_304 : vector<256x16xi32>
    %broadcast_in_dim3A_306 = vector.shape_cast %reduce_min3A_302 : vector<256xi32> to vector<256x1xi32>
    %jit3A_307 = arith.constant 0 : i32
    %broadcast_in_dim3A_308 = vector.shape_cast %broadcast_in_dim3A_306 : vector<256x1xi32> to vector<256x1xi32>
    %broadcast_in_dim3A_309 = vector.broadcast %broadcast_in_dim3A_308 : vector<256x1xi32> to vector<256x16xi32>
    %broadcast_in_dim3A_310 = vector.broadcast %jit3A_307 : i32 to vector<256x16xi32>
    %select_n3A_311 = arith.select %eq3A_305, %broadcast_in_dim3A_309, %broadcast_in_dim3A_310 : vector<256x16xi1>, vector<256x16xi32>
    %add3A_312 = arith.addi %add3A_286, %select_n3A_311 : vector<256x16xi32>
    %broadcast_in_dim3A_313 = vector.shape_cast %reduce_min3A_302 : vector<256xi32> to vector<256x1xi32>
    %eq3A_314 = vector.broadcast %broadcast_in_dim3A_313 : vector<256x1xi32> to vector<256x2048xi32>
    %eq3A_315 = arith.cmpi eq, %iota3A_29, %eq3A_314 : vector<256x2048xi32>
    %jit3A_316 = arith.constant 0x7F800000 : f32
    %broadcast_in_dim3A_317 = vector.broadcast %jit3A_316 : f32 to vector<256x2048xf32>
    %select_n3A_318 = arith.select %eq3A_315, %broadcast_in_dim3A_317, %select_n3A_292 : vector<256x2048xi1>, vector<256x2048xf32>
    %reduce_min3A_319 = arith.constant dense<0x7F800000> : vector<256xf32>
    %reduce_min3A_320 = vector.multi_reduction <minimumf>, %select_n3A_318, %reduce_min3A_319 [1] : vector<256x2048xf32> to vector<256xf32>
    %broadcast_in_dim3A_321 = vector.shape_cast %reduce_min3A_320 : vector<256xf32> to vector<256x1xf32>
    %eq3A_322 = vector.broadcast %broadcast_in_dim3A_321 : vector<256x1xf32> to vector<256x2048xf32>
    %eq3A_323 = arith.cmpf oeq, %select_n3A_318, %eq3A_322 : vector<256x2048xf32>
    %jit3A_324 = arith.constant 2048 : i32
    %broadcast_in_dim3A_325 = vector.broadcast %jit3A_324 : i32 to vector<256x2048xi32>
    %select_n3A_326 = arith.select %eq3A_323, %iota3A_29, %broadcast_in_dim3A_325 : vector<256x2048xi1>, vector<256x2048xi32>
    %reduce_min3A_327 = arith.constant dense<2147483647> : vector<256xi32>
    %reduce_min3A_328 = vector.multi_reduction <minsi>, %select_n3A_326, %reduce_min3A_327 [1] : vector<256x2048xi32> to vector<256xi32>
    %eq3A_329 = arith.constant 11 : i32
    %eq3A_330 = vector.broadcast %eq3A_329 : i32 to vector<256x16xi32>
    %eq3A_331 = arith.cmpi eq, %iota3A_31, %eq3A_330 : vector<256x16xi32>
    %broadcast_in_dim3A_332 = vector.shape_cast %reduce_min3A_328 : vector<256xi32> to vector<256x1xi32>
    %jit3A_333 = arith.constant 0 : i32
    %broadcast_in_dim3A_334 = vector.shape_cast %broadcast_in_dim3A_332 : vector<256x1xi32> to vector<256x1xi32>
    %broadcast_in_dim3A_335 = vector.broadcast %broadcast_in_dim3A_334 : vector<256x1xi32> to vector<256x16xi32>
    %broadcast_in_dim3A_336 = vector.broadcast %jit3A_333 : i32 to vector<256x16xi32>
    %select_n3A_337 = arith.select %eq3A_331, %broadcast_in_dim3A_335, %broadcast_in_dim3A_336 : vector<256x16xi1>, vector<256x16xi32>
    %add3A_338 = arith.addi %add3A_312, %select_n3A_337 : vector<256x16xi32>
    %broadcast_in_dim3A_339 = vector.shape_cast %reduce_min3A_328 : vector<256xi32> to vector<256x1xi32>
    %eq3A_340 = vector.broadcast %broadcast_in_dim3A_339 : vector<256x1xi32> to vector<256x2048xi32>
    %eq3A_341 = arith.cmpi eq, %iota3A_29, %eq3A_340 : vector<256x2048xi32>
    %jit3A_342 = arith.constant 0x7F800000 : f32
    %broadcast_in_dim3A_343 = vector.broadcast %jit3A_342 : f32 to vector<256x2048xf32>
    %select_n3A_344 = arith.select %eq3A_341, %broadcast_in_dim3A_343, %select_n3A_318 : vector<256x2048xi1>, vector<256x2048xf32>
    %reduce_min3A_345 = arith.constant dense<0x7F800000> : vector<256xf32>
    %reduce_min3A_346 = vector.multi_reduction <minimumf>, %select_n3A_344, %reduce_min3A_345 [1] : vector<256x2048xf32> to vector<256xf32>
    %broadcast_in_dim3A_347 = vector.shape_cast %reduce_min3A_346 : vector<256xf32> to vector<256x1xf32>
    %eq3A_348 = vector.broadcast %broadcast_in_dim3A_347 : vector<256x1xf32> to vector<256x2048xf32>
    %eq3A_349 = arith.cmpf oeq, %select_n3A_344, %eq3A_348 : vector<256x2048xf32>
    %jit3A_350 = arith.constant 2048 : i32
    %broadcast_in_dim3A_351 = vector.broadcast %jit3A_350 : i32 to vector<256x2048xi32>
    %select_n3A_352 = arith.select %eq3A_349, %iota3A_29, %broadcast_in_dim3A_351 : vector<256x2048xi1>, vector<256x2048xi32>
    %reduce_min3A_353 = arith.constant dense<2147483647> : vector<256xi32>
    %reduce_min3A_354 = vector.multi_reduction <minsi>, %select_n3A_352, %reduce_min3A_353 [1] : vector<256x2048xi32> to vector<256xi32>
    %eq3A_355 = arith.constant 12 : i32
    %eq3A_356 = vector.broadcast %eq3A_355 : i32 to vector<256x16xi32>
    %eq3A_357 = arith.cmpi eq, %iota3A_31, %eq3A_356 : vector<256x16xi32>
    %broadcast_in_dim3A_358 = vector.shape_cast %reduce_min3A_354 : vector<256xi32> to vector<256x1xi32>
    %jit3A_359 = arith.constant 0 : i32
    %broadcast_in_dim3A_360 = vector.shape_cast %broadcast_in_dim3A_358 : vector<256x1xi32> to vector<256x1xi32>
    %broadcast_in_dim3A_361 = vector.broadcast %broadcast_in_dim3A_360 : vector<256x1xi32> to vector<256x16xi32>
    %broadcast_in_dim3A_362 = vector.broadcast %jit3A_359 : i32 to vector<256x16xi32>
    %select_n3A_363 = arith.select %eq3A_357, %broadcast_in_dim3A_361, %broadcast_in_dim3A_362 : vector<256x16xi1>, vector<256x16xi32>
    %add3A_364 = arith.addi %add3A_338, %select_n3A_363 : vector<256x16xi32>
    %broadcast_in_dim3A_365 = vector.shape_cast %reduce_min3A_354 : vector<256xi32> to vector<256x1xi32>
    %eq3A_366 = vector.broadcast %broadcast_in_dim3A_365 : vector<256x1xi32> to vector<256x2048xi32>
    %eq3A_367 = arith.cmpi eq, %iota3A_29, %eq3A_366 : vector<256x2048xi32>
    %jit3A_368 = arith.constant 0x7F800000 : f32
    %broadcast_in_dim3A_369 = vector.broadcast %jit3A_368 : f32 to vector<256x2048xf32>
    %select_n3A_370 = arith.select %eq3A_367, %broadcast_in_dim3A_369, %select_n3A_344 : vector<256x2048xi1>, vector<256x2048xf32>
    %reduce_min3A_371 = arith.constant dense<0x7F800000> : vector<256xf32>
    %reduce_min3A_372 = vector.multi_reduction <minimumf>, %select_n3A_370, %reduce_min3A_371 [1] : vector<256x2048xf32> to vector<256xf32>
    %broadcast_in_dim3A_373 = vector.shape_cast %reduce_min3A_372 : vector<256xf32> to vector<256x1xf32>
    %eq3A_374 = vector.broadcast %broadcast_in_dim3A_373 : vector<256x1xf32> to vector<256x2048xf32>
    %eq3A_375 = arith.cmpf oeq, %select_n3A_370, %eq3A_374 : vector<256x2048xf32>
    %jit3A_376 = arith.constant 2048 : i32
    %broadcast_in_dim3A_377 = vector.broadcast %jit3A_376 : i32 to vector<256x2048xi32>
    %select_n3A_378 = arith.select %eq3A_375, %iota3A_29, %broadcast_in_dim3A_377 : vector<256x2048xi1>, vector<256x2048xi32>
    %reduce_min3A_379 = arith.constant dense<2147483647> : vector<256xi32>
    %reduce_min3A_380 = vector.multi_reduction <minsi>, %select_n3A_378, %reduce_min3A_379 [1] : vector<256x2048xi32> to vector<256xi32>
    %eq3A_381 = arith.constant 13 : i32
    %eq3A_382 = vector.broadcast %eq3A_381 : i32 to vector<256x16xi32>
    %eq3A_383 = arith.cmpi eq, %iota3A_31, %eq3A_382 : vector<256x16xi32>
    %broadcast_in_dim3A_384 = vector.shape_cast %reduce_min3A_380 : vector<256xi32> to vector<256x1xi32>
    %jit3A_385 = arith.constant 0 : i32
    %broadcast_in_dim3A_386 = vector.shape_cast %broadcast_in_dim3A_384 : vector<256x1xi32> to vector<256x1xi32>
    %broadcast_in_dim3A_387 = vector.broadcast %broadcast_in_dim3A_386 : vector<256x1xi32> to vector<256x16xi32>
    %broadcast_in_dim3A_388 = vector.broadcast %jit3A_385 : i32 to vector<256x16xi32>
    %select_n3A_389 = arith.select %eq3A_383, %broadcast_in_dim3A_387, %broadcast_in_dim3A_388 : vector<256x16xi1>, vector<256x16xi32>
    %add3A_390 = arith.addi %add3A_364, %select_n3A_389 : vector<256x16xi32>
    %broadcast_in_dim3A_391 = vector.shape_cast %reduce_min3A_380 : vector<256xi32> to vector<256x1xi32>
    %eq3A_392 = vector.broadcast %broadcast_in_dim3A_391 : vector<256x1xi32> to vector<256x2048xi32>
    %eq3A_393 = arith.cmpi eq, %iota3A_29, %eq3A_392 : vector<256x2048xi32>
    %jit3A_394 = arith.constant 0x7F800000 : f32
    %broadcast_in_dim3A_395 = vector.broadcast %jit3A_394 : f32 to vector<256x2048xf32>
    %select_n3A_396 = arith.select %eq3A_393, %broadcast_in_dim3A_395, %select_n3A_370 : vector<256x2048xi1>, vector<256x2048xf32>
    %reduce_min3A_397 = arith.constant dense<0x7F800000> : vector<256xf32>
    %reduce_min3A_398 = vector.multi_reduction <minimumf>, %select_n3A_396, %reduce_min3A_397 [1] : vector<256x2048xf32> to vector<256xf32>
    %broadcast_in_dim3A_399 = vector.shape_cast %reduce_min3A_398 : vector<256xf32> to vector<256x1xf32>
    %eq3A_400 = vector.broadcast %broadcast_in_dim3A_399 : vector<256x1xf32> to vector<256x2048xf32>
    %eq3A_401 = arith.cmpf oeq, %select_n3A_396, %eq3A_400 : vector<256x2048xf32>
    %jit3A_402 = arith.constant 2048 : i32
    %broadcast_in_dim3A_403 = vector.broadcast %jit3A_402 : i32 to vector<256x2048xi32>
    %select_n3A_404 = arith.select %eq3A_401, %iota3A_29, %broadcast_in_dim3A_403 : vector<256x2048xi1>, vector<256x2048xi32>
    %reduce_min3A_405 = arith.constant dense<2147483647> : vector<256xi32>
    %reduce_min3A_406 = vector.multi_reduction <minsi>, %select_n3A_404, %reduce_min3A_405 [1] : vector<256x2048xi32> to vector<256xi32>
    %eq3A_407 = arith.constant 14 : i32
    %eq3A_408 = vector.broadcast %eq3A_407 : i32 to vector<256x16xi32>
    %eq3A_409 = arith.cmpi eq, %iota3A_31, %eq3A_408 : vector<256x16xi32>
    %broadcast_in_dim3A_410 = vector.shape_cast %reduce_min3A_406 : vector<256xi32> to vector<256x1xi32>
    %jit3A_411 = arith.constant 0 : i32
    %broadcast_in_dim3A_412 = vector.shape_cast %broadcast_in_dim3A_410 : vector<256x1xi32> to vector<256x1xi32>
    %broadcast_in_dim3A_413 = vector.broadcast %broadcast_in_dim3A_412 : vector<256x1xi32> to vector<256x16xi32>
    %broadcast_in_dim3A_414 = vector.broadcast %jit3A_411 : i32 to vector<256x16xi32>
    %select_n3A_415 = arith.select %eq3A_409, %broadcast_in_dim3A_413, %broadcast_in_dim3A_414 : vector<256x16xi1>, vector<256x16xi32>
    %add3A_416 = arith.addi %add3A_390, %select_n3A_415 : vector<256x16xi32>
    %broadcast_in_dim3A_417 = vector.shape_cast %reduce_min3A_406 : vector<256xi32> to vector<256x1xi32>
    %eq3A_418 = vector.broadcast %broadcast_in_dim3A_417 : vector<256x1xi32> to vector<256x2048xi32>
    %eq3A_419 = arith.cmpi eq, %iota3A_29, %eq3A_418 : vector<256x2048xi32>
    %jit3A_420 = arith.constant 0x7F800000 : f32
    %broadcast_in_dim3A_421 = vector.broadcast %jit3A_420 : f32 to vector<256x2048xf32>
    %select_n3A_422 = arith.select %eq3A_419, %broadcast_in_dim3A_421, %select_n3A_396 : vector<256x2048xi1>, vector<256x2048xf32>
    %reduce_min3A_423 = arith.constant dense<0x7F800000> : vector<256xf32>
    %reduce_min3A_424 = vector.multi_reduction <minimumf>, %select_n3A_422, %reduce_min3A_423 [1] : vector<256x2048xf32> to vector<256xf32>
    %broadcast_in_dim3A_425 = vector.shape_cast %reduce_min3A_424 : vector<256xf32> to vector<256x1xf32>
    %eq3A_426 = vector.broadcast %broadcast_in_dim3A_425 : vector<256x1xf32> to vector<256x2048xf32>
    %eq3A_427 = arith.cmpf oeq, %select_n3A_422, %eq3A_426 : vector<256x2048xf32>
    %jit3A_428 = arith.constant 2048 : i32
    %broadcast_in_dim3A_429 = vector.broadcast %jit3A_428 : i32 to vector<256x2048xi32>
    %select_n3A_430 = arith.select %eq3A_427, %iota3A_29, %broadcast_in_dim3A_429 : vector<256x2048xi1>, vector<256x2048xi32>
    %reduce_min3A_431 = arith.constant dense<2147483647> : vector<256xi32>
    %reduce_min3A_432 = vector.multi_reduction <minsi>, %select_n3A_430, %reduce_min3A_431 [1] : vector<256x2048xi32> to vector<256xi32>
    %eq3A_433 = arith.constant 15 : i32
    %eq3A_434 = vector.broadcast %eq3A_433 : i32 to vector<256x16xi32>
    %eq3A_435 = arith.cmpi eq, %iota3A_31, %eq3A_434 : vector<256x16xi32>
    %broadcast_in_dim3A_436 = vector.shape_cast %reduce_min3A_432 : vector<256xi32> to vector<256x1xi32>
    %jit3A_437 = arith.constant 0 : i32
    %broadcast_in_dim3A_438 = vector.shape_cast %broadcast_in_dim3A_436 : vector<256x1xi32> to vector<256x1xi32>
    %broadcast_in_dim3A_439 = vector.broadcast %broadcast_in_dim3A_438 : vector<256x1xi32> to vector<256x16xi32>
    %broadcast_in_dim3A_440 = vector.broadcast %jit3A_437 : i32 to vector<256x16xi32>
    %select_n3A_441 = arith.select %eq3A_435, %broadcast_in_dim3A_439, %broadcast_in_dim3A_440 : vector<256x16xi1>, vector<256x16xi32>
    %add3A_442 = arith.addi %add3A_416, %select_n3A_441 : vector<256x16xi32>
    %mul3A_443 = arith.constant 2048 : i32
    %mul3A_444 = arith.muli %arg0, %mul3A_443 : i32
    %add3A_445 = vector.broadcast %mul3A_444 : i32 to vector<256x16xi32>
    %add3A_446 = arith.addi %add3A_442, %add3A_445 : vector<256x16xi32>
    %swap3A = arith.constant 0 : index
    %swap3A_447 = arith.constant 0 : index
    %swap3A_448 = arith.constant 0 : index
    %swap3A_449 = vector.load %arg5[%swap3A, %swap3A_447, %swap3A_448] : memref<1x256x16xi32, #tpu.memory_space<vmem>>, vector<1x256x16xi32>
    %swap3A_450 = vector.shape_cast %swap3A_449 : vector<1x256x16xi32> to vector<256x16xi32>
    %swap3A_451 = vector.shape_cast %add3A_446 : vector<256x16xi32> to vector<1x256x16xi32>
    tpu.vector_store %arg5[%swap3A, %swap3A_447, %swap3A_448], %swap3A_451 {strides = array<i32>} : memref<1x256x16xi32, #tpu.memory_space<vmem>>, vector<1x256x16xi32>,
    return
  }
  func.func @transform_0(%arg0: i32, %arg1: i32) -> (i32, i32, i32) {
    %c0_i32 = arith.constant 0 : i32
    %c0_i32_0 = arith.constant 0 : i32
    return %arg0, %arg1, %c0_i32 : i32, i32, i32
  }
  func.func @transform_1(%arg0: i32, %arg1: i32) -> (i32, i32, i32) {
    %c0_i32 = arith.constant 0 : i32
    %c0_i32_0 = arith.constant 0 : i32
    %c0_i32_1 = arith.constant 0 : i32
    return %arg0, %c0_i32, %c0_i32_0 : i32, i32, i32
  }
  func.func @transform_2(%arg0: i32, %arg1: i32) -> (i32, i32, i32) {
    %c0_i32 = arith.constant 0 : i32
    %c0_i32_0 = arith.constant 0 : i32
    %c0_i32_1 = arith.constant 0 : i32
    return %arg0, %c0_i32, %c0_i32_0 : i32, i32, i32
  }
  func.func @transform_3(%arg0: i32, %arg1: i32) -> (i32, i32, i32) {
    %c0_i32 = arith.constant 0 : i32
    %c0_i32_0 = arith.constant 0 : i32
    return %arg0, %arg1, %c0_i32 : i32, i32, i32
  }
}

module attributes {stable_mosaic.version = 14 : i64} {
  func.func @_edge_body(%arg0: i32, %arg1: i32, %arg2: memref<1x256x32xf32, #tpu.memory_space<vmem>>, %arg3: memref<1x256x16x32xf32, #tpu.memory_space<vmem>>, %arg4: memref<64x64xf32, #tpu.memory_space<vmem>>, %arg5: memref<1x64xf32, #tpu.memory_space<vmem>>, %arg6: memref<64x64xf32, #tpu.memory_space<vmem>>, %arg7: memref<1x64xf32, #tpu.memory_space<vmem>>, %arg8: memref<64x128xf32, #tpu.memory_space<vmem>>, %arg9: memref<1x128xf32, #tpu.memory_space<vmem>>, %arg10: memref<1x256x128xf32, #tpu.memory_space<vmem>>) attributes {dimension_semantics = [#tpu.dimension_semantics<arbitrary>, #tpu.dimension_semantics<arbitrary>], iteration_bounds = array<i64: 4, 8>, scalar_prefetch = 0 : i64, scratch_operands = 0 : i64, tpu.core_type = #tpu.core_type<tc>, window_params = [{transform_indices = @transform_0, window_bounds = array<i64: 1, 256, 32>}, {transform_indices = @transform_1, window_bounds = array<i64: 1, 256, 16, 32>}, {pipeline_mode = #tpu.pipeline_mode<synchronous>, transform_indices = @transform_2, window_bounds = array<i64: 64, 64>}, {pipeline_mode = #tpu.pipeline_mode<synchronous>, transform_indices = @transform_3, window_bounds = array<i64: 1, 64>}, {pipeline_mode = #tpu.pipeline_mode<synchronous>, transform_indices = @transform_4, window_bounds = array<i64: 64, 64>}, {pipeline_mode = #tpu.pipeline_mode<synchronous>, transform_indices = @transform_5, window_bounds = array<i64: 1, 64>}, {pipeline_mode = #tpu.pipeline_mode<synchronous>, transform_indices = @transform_6, window_bounds = array<i64: 64, 128>}, {pipeline_mode = #tpu.pipeline_mode<synchronous>, transform_indices = @transform_7, window_bounds = array<i64: 1, 128>}, {transform_indices = @transform_8, window_bounds = array<i64: 1, 256, 128>}]} {
    %get3A = arith.constant 0 : index
    %get3A_0 = arith.constant 0 : index
    %get3A_1 = arith.constant 0 : index
    %get3A_2 = vector.load %arg2[%get3A, %get3A_0, %get3A_1] : memref<1x256x32xf32, #tpu.memory_space<vmem>>, vector<1x256x32xf32>
    %get3A_3 = vector.shape_cast %get3A_2 : vector<1x256x32xf32> to vector<256x32xf32>
    %get3A_4 = arith.constant 0 : index
    %get3A_5 = arith.constant 0 : index
    %get3A_6 = arith.constant 0 : index
    %get3A_7 = arith.constant 0 : index
    %get3A_8 = vector.load %arg3[%get3A_4, %get3A_5, %get3A_6, %get3A_7] : memref<1x256x16x32xf32, #tpu.memory_space<vmem>>, vector<1x256x16x32xf32>
    %get3A_9 = vector.shape_cast %get3A_8 : vector<1x256x16x32xf32> to vector<256x16x32xf32>
    %broadcast_in_dim3A = vector.shape_cast %get3A_3 : vector<256x32xf32> to vector<256x1x32xf32>
    %broadcast_in_dim3A_10 = vector.shape_cast %broadcast_in_dim3A : vector<256x1x32xf32> to vector<256x1x32xf32>
    %broadcast_in_dim3A_11 = vector.broadcast %broadcast_in_dim3A_10 : vector<256x1x32xf32> to vector<256x16x32xf32>
    %sub3A = arith.subf %get3A_9, %broadcast_in_dim3A_11 : vector<256x16x32xf32>
    %concatenate3A = tpu.concatenate %broadcast_in_dim3A_11, %sub3A in 2 : vector<256x16x32xf32>, vector<256x16x32xf32> -> vector<256x16x64xf32>
    %reshape3A = vector.shape_cast %concatenate3A : vector<256x16x64xf32> to vector<4096x64xf32>
    %get3A_12 = arith.constant 0 : index
    %get3A_13 = arith.constant 0 : index
    %get3A_14 = vector.load %arg4[%get3A_12, %get3A_13] : memref<64x64xf32, #tpu.memory_space<vmem>>, vector<64x64xf32>
    %dot_general3A = arith.constant dense<0.000000e+00> : vector<4096x64xf32>
    %dot_general3A_15 = tpu.matmul %reshape3A, %get3A_14, %dot_general3A {dimension_numbers = #tpu.dot_dimension_numbers<[1], [0], [0], [1], [0, 0, 1, 1], [], []>, transpose_lhs_hint = false} : vector<4096x64xf32>, vector<64x64xf32>, vector<4096x64xf32> -> vector<4096x64xf32>
    %get3A_16 = arith.constant 0 : index
    %get3A_17 = arith.constant 0 : index
    %get3A_18 = vector.load %arg5[%get3A_16, %get3A_17] : memref<1x64xf32, #tpu.memory_space<vmem>>, vector<1x64xf32>
    %add3A = vector.broadcast %get3A_18 : vector<1x64xf32> to vector<4096x64xf32>
    %add3A_19 = arith.addf %dot_general3A_15, %add3A : vector<4096x64xf32>
    %max3A = arith.constant 0.000000e+00 : f32
    %max3A_20 = vector.broadcast %max3A : f32 to vector<4096x64xf32>
    %max3A_21 = arith.maximumf %add3A_19, %max3A_20 : vector<4096x64xf32>
    %get3A_22 = arith.constant 0 : index
    %get3A_23 = arith.constant 0 : index
    %get3A_24 = vector.load %arg6[%get3A_22, %get3A_23] : memref<64x64xf32, #tpu.memory_space<vmem>>, vector<64x64xf32>
    %dot_general3A_25 = arith.constant dense<0.000000e+00> : vector<4096x64xf32>
    %dot_general3A_26 = tpu.matmul %max3A_21, %get3A_24, %dot_general3A_25 {dimension_numbers = #tpu.dot_dimension_numbers<[1], [0], [0], [1], [0, 0, 1, 1], [], []>, transpose_lhs_hint = false} : vector<4096x64xf32>, vector<64x64xf32>, vector<4096x64xf32> -> vector<4096x64xf32>
    %get3A_27 = arith.constant 0 : index
    %get3A_28 = arith.constant 0 : index
    %get3A_29 = vector.load %arg7[%get3A_27, %get3A_28] : memref<1x64xf32, #tpu.memory_space<vmem>>, vector<1x64xf32>
    %add3A_30 = vector.broadcast %get3A_29 : vector<1x64xf32> to vector<4096x64xf32>
    %add3A_31 = arith.addf %dot_general3A_26, %add3A_30 : vector<4096x64xf32>
    %max3A_32 = arith.constant 0.000000e+00 : f32
    %max3A_33 = vector.broadcast %max3A_32 : f32 to vector<4096x64xf32>
    %max3A_34 = arith.maximumf %add3A_31, %max3A_33 : vector<4096x64xf32>
    %get3A_35 = arith.constant 0 : index
    %get3A_36 = arith.constant 0 : index
    %get3A_37 = vector.load %arg8[%get3A_35, %get3A_36] : memref<64x128xf32, #tpu.memory_space<vmem>>, vector<64x128xf32>
    %dot_general3A_38 = arith.constant dense<0.000000e+00> : vector<4096x128xf32>
    %dot_general3A_39 = tpu.matmul %max3A_34, %get3A_37, %dot_general3A_38 {dimension_numbers = #tpu.dot_dimension_numbers<[1], [0], [0], [1], [0, 0, 1, 1], [], []>, transpose_lhs_hint = false} : vector<4096x64xf32>, vector<64x128xf32>, vector<4096x128xf32> -> vector<4096x128xf32>
    %get3A_40 = arith.constant 0 : index
    %get3A_41 = arith.constant 0 : index
    %get3A_42 = vector.load %arg9[%get3A_40, %get3A_41] : memref<1x128xf32, #tpu.memory_space<vmem>>, vector<1x128xf32>
    %add3A_43 = vector.broadcast %get3A_42 : vector<1x128xf32> to vector<4096x128xf32>
    %add3A_44 = arith.addf %dot_general3A_39, %add3A_43 : vector<4096x128xf32>
    %max3A_45 = arith.constant 0.000000e+00 : f32
    %max3A_46 = vector.broadcast %max3A_45 : f32 to vector<4096x128xf32>
    %max3A_47 = arith.maximumf %add3A_44, %max3A_46 : vector<4096x128xf32>
    %reshape3A_48 = vector.shape_cast %max3A_47 : vector<4096x128xf32> to vector<256x16x128xf32>
    %reduce_max3A = arith.constant dense<0xFF800000> : vector<256x128xf32>
    %reduce_max3A_49 = vector.multi_reduction <maximumf>, %reshape3A_48, %reduce_max3A [1] : vector<256x16x128xf32> to vector<256x128xf32>
    %swap3A = arith.constant 0 : index
    %swap3A_50 = arith.constant 0 : index
    %swap3A_51 = arith.constant 0 : index
    %swap3A_52 = vector.load %arg10[%swap3A, %swap3A_50, %swap3A_51] : memref<1x256x128xf32, #tpu.memory_space<vmem>>, vector<1x256x128xf32>
    %swap3A_53 = vector.shape_cast %swap3A_52 : vector<1x256x128xf32> to vector<256x128xf32>
    %swap3A_54 = vector.shape_cast %reduce_max3A_49 : vector<256x128xf32> to vector<1x256x128xf32>
    tpu.vector_store %arg10[%swap3A, %swap3A_50, %swap3A_51], %swap3A_54 {strides = array<i32>} : memref<1x256x128xf32, #tpu.memory_space<vmem>>, vector<1x256x128xf32>,
    return
  }
  func.func @transform_0(%arg0: i32, %arg1: i32) -> (i32, i32, i32) {
    %c0_i32 = arith.constant 0 : i32
    %c0_i32_0 = arith.constant 0 : i32
    return %arg0, %arg1, %c0_i32 : i32, i32, i32
  }
  func.func @transform_1(%arg0: i32, %arg1: i32) -> (i32, i32, i32, i32) {
    %c0_i32 = arith.constant 0 : i32
    %c0_i32_0 = arith.constant 0 : i32
    %c0_i32_1 = arith.constant 0 : i32
    return %arg0, %arg1, %c0_i32, %c0_i32_0 : i32, i32, i32, i32
  }
  func.func @transform_2(%arg0: i32, %arg1: i32) -> (i32, i32) {
    %c0_i32 = arith.constant 0 : i32
    %c0_i32_0 = arith.constant 0 : i32
    %c0_i32_1 = arith.constant 0 : i32
    return %c0_i32, %c0_i32_0 : i32, i32
  }
  func.func @transform_3(%arg0: i32, %arg1: i32) -> (i32, i32) {
    %c0_i32 = arith.constant 0 : i32
    %c0_i32_0 = arith.constant 0 : i32
    %c0_i32_1 = arith.constant 0 : i32
    return %c0_i32, %c0_i32_0 : i32, i32
  }
  func.func @transform_4(%arg0: i32, %arg1: i32) -> (i32, i32) {
    %c0_i32 = arith.constant 0 : i32
    %c0_i32_0 = arith.constant 0 : i32
    %c0_i32_1 = arith.constant 0 : i32
    return %c0_i32, %c0_i32_0 : i32, i32
  }
  func.func @transform_5(%arg0: i32, %arg1: i32) -> (i32, i32) {
    %c0_i32 = arith.constant 0 : i32
    %c0_i32_0 = arith.constant 0 : i32
    %c0_i32_1 = arith.constant 0 : i32
    return %c0_i32, %c0_i32_0 : i32, i32
  }
  func.func @transform_6(%arg0: i32, %arg1: i32) -> (i32, i32) {
    %c0_i32 = arith.constant 0 : i32
    %c0_i32_0 = arith.constant 0 : i32
    %c0_i32_1 = arith.constant 0 : i32
    return %c0_i32, %c0_i32_0 : i32, i32
  }
  func.func @transform_7(%arg0: i32, %arg1: i32) -> (i32, i32) {
    %c0_i32 = arith.constant 0 : i32
    %c0_i32_0 = arith.constant 0 : i32
    %c0_i32_1 = arith.constant 0 : i32
    return %c0_i32, %c0_i32_0 : i32, i32
  }
  func.func @transform_8(%arg0: i32, %arg1: i32) -> (i32, i32, i32) {
    %c0_i32 = arith.constant 0 : i32
    %c0_i32_0 = arith.constant 0 : i32
    return %arg0, %arg1, %c0_i32 : i32, i32, i32
  }
}

module attributes {stable_mosaic.version = 14 : i64} {
  func.func @_knn_body(%arg0: i32, %arg1: i32, %arg2: memref<1x256x128xf32, #tpu.memory_space<vmem>>, %arg3: memref<1x2048x128xf32, #tpu.memory_space<vmem>>, %arg4: memref<1x128x2048xf32, #tpu.memory_space<vmem>>, %arg5: memref<1x256x16xi32, #tpu.memory_space<vmem>>) attributes {dimension_semantics = [#tpu.dimension_semantics<arbitrary>, #tpu.dimension_semantics<arbitrary>], iteration_bounds = array<i64: 4, 8>, scalar_prefetch = 0 : i64, scratch_operands = 0 : i64, tpu.core_type = #tpu.core_type<tc>, window_params = [{transform_indices = @transform_0, window_bounds = array<i64: 1, 256, 128>}, {transform_indices = @transform_1, window_bounds = array<i64: 1, 2048, 128>}, {transform_indices = @transform_2, window_bounds = array<i64: 1, 128, 2048>}, {transform_indices = @transform_3, window_bounds = array<i64: 1, 256, 16>}]} {
    %get3A = arith.constant 0 : index
    %get3A_0 = arith.constant 0 : index
    %get3A_1 = arith.constant 0 : index
    %get3A_2 = vector.load %arg2[%get3A, %get3A_0, %get3A_1] : memref<1x256x128xf32, #tpu.memory_space<vmem>>, vector<1x256x128xf32>
    %get3A_3 = vector.shape_cast %get3A_2 : vector<1x256x128xf32> to vector<256x128xf32>
    %get3A_4 = arith.constant 0 : index
    %get3A_5 = arith.constant 0 : index
    %get3A_6 = arith.constant 0 : index
    %get3A_7 = vector.load %arg3[%get3A_4, %get3A_5, %get3A_6] : memref<1x2048x128xf32, #tpu.memory_space<vmem>>, vector<1x2048x128xf32>
    %get3A_8 = vector.shape_cast %get3A_7 : vector<1x2048x128xf32> to vector<2048x128xf32>
    %get3A_9 = arith.constant 0 : index
    %get3A_10 = arith.constant 0 : index
    %get3A_11 = arith.constant 0 : index
    %get3A_12 = vector.load %arg4[%get3A_9, %get3A_10, %get3A_11] : memref<1x128x2048xf32, #tpu.memory_space<vmem>>, vector<1x128x2048xf32>
    %get3A_13 = vector.shape_cast %get3A_12 : vector<1x128x2048xf32> to vector<128x2048xf32>
    %dot_general3A = arith.constant dense<0.000000e+00> : vector<256x2048xf32>
    %dot_general3A_14 = tpu.matmul %get3A_3, %get3A_13, %dot_general3A {dimension_numbers = #tpu.dot_dimension_numbers<[1], [0], [0], [1], [0, 0, 1, 1], [], []>, transpose_lhs_hint = false} : vector<256x128xf32>, vector<128x2048xf32>, vector<256x2048xf32> -> vector<256x2048xf32>
    %mul3A = arith.mulf %get3A_3, %get3A_3 : vector<256x128xf32>
    %reduce_sum3A = arith.constant dense<0.000000e+00> : vector<256xf32>
    %reduce_sum3A_15 = vector.multi_reduction <add>, %mul3A, %reduce_sum3A [1] : vector<256x128xf32> to vector<256xf32>
    %mul3A_16 = arith.mulf %get3A_8, %get3A_8 : vector<2048x128xf32>
    %reduce_sum3A_17 = arith.constant dense<0.000000e+00> : vector<2048xf32>
    %reduce_sum3A_18 = vector.multi_reduction <add>, %mul3A_16, %reduce_sum3A_17 [1] : vector<2048x128xf32> to vector<2048xf32>
    %broadcast_in_dim3A = vector.shape_cast %reduce_sum3A_15 : vector<256xf32> to vector<256x1xf32>
    %broadcast_in_dim3A_19 = vector.shape_cast %reduce_sum3A_18 : vector<2048xf32> to vector<1x2048xf32>
    %add3A = vector.broadcast %broadcast_in_dim3A : vector<256x1xf32> to vector<256x2048xf32>
    %add3A_20 = vector.broadcast %broadcast_in_dim3A_19 : vector<1x2048xf32> to vector<256x2048xf32>
    %add3A_21 = arith.addf %add3A, %add3A_20 : vector<256x2048xf32>
    %mul3A_22 = arith.constant 2.000000e+00 : f32
    %mul3A_23 = vector.broadcast %mul3A_22 : f32 to vector<256x2048xf32>
    %mul3A_24 = arith.mulf %mul3A_23, %dot_general3A_14 : vector<256x2048xf32>
    %sub3A = arith.subf %add3A_21, %mul3A_24 : vector<256x2048xf32>
    %mul3A_25 = arith.constant 256 : i32
    %mul3A_26 = arith.muli %arg1, %mul3A_25 : i32
    %iota3A = tpu.iota {dimensions = array<i32: 0>} : vector<256x2048xi32>
    %add3A_27 = vector.broadcast %mul3A_26 : i32 to vector<256x2048xi32>
    %add3A_28 = arith.addi %add3A_27, %iota3A : vector<256x2048xi32>
    %iota3A_29 = tpu.iota {dimensions = array<i32: 1>} : vector<256x2048xi32>
    %eq3A = arith.cmpi eq, %add3A_28, %iota3A_29 : vector<256x2048xi32>
    %jit3A = arith.constant 0x7F800000 : f32
    %broadcast_in_dim3A_30 = vector.broadcast %jit3A : f32 to vector<256x2048xf32>
    %select_n3A = arith.select %eq3A, %broadcast_in_dim3A_30, %sub3A : vector<256x2048xi1>, vector<256x2048xf32>
    %iota3A_31 = tpu.iota {dimensions = array<i32: 1>} : vector<256x16xi32>
    %broadcast_in_dim3A_32 = arith.constant 0 : i32
    %broadcast_in_dim3A_33 = vector.broadcast %broadcast_in_dim3A_32 : i32 to vector<256x16xi32>
    %reduce_min3A = arith.constant dense<0x7F800000> : vector<256xf32>
    %reduce_min3A_34 = vector.multi_reduction <minimumf>, %select_n3A, %reduce_min3A [1] : vector<256x2048xf32> to vector<256xf32>
    %broadcast_in_dim3A_35 = vector.shape_cast %reduce_min3A_34 : vector<256xf32> to vector<256x1xf32>
    %eq3A_36 = vector.broadcast %broadcast_in_dim3A_35 : vector<256x1xf32> to vector<256x2048xf32>
    %eq3A_37 = arith.cmpf oeq, %select_n3A, %eq3A_36 : vector<256x2048xf32>
    %jit3A_38 = arith.constant 2048 : i32
    %broadcast_in_dim3A_39 = vector.broadcast %jit3A_38 : i32 to vector<256x2048xi32>
    %select_n3A_40 = arith.select %eq3A_37, %iota3A_29, %broadcast_in_dim3A_39 : vector<256x2048xi1>, vector<256x2048xi32>
    %reduce_min3A_41 = arith.constant dense<2147483647> : vector<256xi32>
    %reduce_min3A_42 = vector.multi_reduction <minsi>, %select_n3A_40, %reduce_min3A_41 [1] : vector<256x2048xi32> to vector<256xi32>
    %eq3A_43 = arith.constant 0 : i32
    %eq3A_44 = vector.broadcast %eq3A_43 : i32 to vector<256x16xi32>
    %eq3A_45 = arith.cmpi eq, %iota3A_31, %eq3A_44 : vector<256x16xi32>
    %broadcast_in_dim3A_46 = vector.shape_cast %reduce_min3A_42 : vector<256xi32> to vector<256x1xi32>
    %jit3A_47 = arith.constant 0 : i32
    %broadcast_in_dim3A_48 = vector.shape_cast %broadcast_in_dim3A_46 : vector<256x1xi32> to vector<256x1xi32>
    %broadcast_in_dim3A_49 = vector.broadcast %broadcast_in_dim3A_48 : vector<256x1xi32> to vector<256x16xi32>
    %broadcast_in_dim3A_50 = vector.broadcast %jit3A_47 : i32 to vector<256x16xi32>
    %select_n3A_51 = arith.select %eq3A_45, %broadcast_in_dim3A_49, %broadcast_in_dim3A_50 : vector<256x16xi1>, vector<256x16xi32>
    %add3A_52 = arith.addi %broadcast_in_dim3A_33, %select_n3A_51 : vector<256x16xi32>
    %broadcast_in_dim3A_53 = vector.shape_cast %reduce_min3A_42 : vector<256xi32> to vector<256x1xi32>
    %eq3A_54 = vector.broadcast %broadcast_in_dim3A_53 : vector<256x1xi32> to vector<256x2048xi32>
    %eq3A_55 = arith.cmpi eq, %iota3A_29, %eq3A_54 : vector<256x2048xi32>
    %jit3A_56 = arith.constant 0x7F800000 : f32
    %broadcast_in_dim3A_57 = vector.broadcast %jit3A_56 : f32 to vector<256x2048xf32>
    %select_n3A_58 = arith.select %eq3A_55, %broadcast_in_dim3A_57, %select_n3A : vector<256x2048xi1>, vector<256x2048xf32>
    %reduce_min3A_59 = arith.constant dense<0x7F800000> : vector<256xf32>
    %reduce_min3A_60 = vector.multi_reduction <minimumf>, %select_n3A_58, %reduce_min3A_59 [1] : vector<256x2048xf32> to vector<256xf32>
    %broadcast_in_dim3A_61 = vector.shape_cast %reduce_min3A_60 : vector<256xf32> to vector<256x1xf32>
    %eq3A_62 = vector.broadcast %broadcast_in_dim3A_61 : vector<256x1xf32> to vector<256x2048xf32>
    %eq3A_63 = arith.cmpf oeq, %select_n3A_58, %eq3A_62 : vector<256x2048xf32>
    %jit3A_64 = arith.constant 2048 : i32
    %broadcast_in_dim3A_65 = vector.broadcast %jit3A_64 : i32 to vector<256x2048xi32>
    %select_n3A_66 = arith.select %eq3A_63, %iota3A_29, %broadcast_in_dim3A_65 : vector<256x2048xi1>, vector<256x2048xi32>
    %reduce_min3A_67 = arith.constant dense<2147483647> : vector<256xi32>
    %reduce_min3A_68 = vector.multi_reduction <minsi>, %select_n3A_66, %reduce_min3A_67 [1] : vector<256x2048xi32> to vector<256xi32>
    %eq3A_69 = arith.constant 1 : i32
    %eq3A_70 = vector.broadcast %eq3A_69 : i32 to vector<256x16xi32>
    %eq3A_71 = arith.cmpi eq, %iota3A_31, %eq3A_70 : vector<256x16xi32>
    %broadcast_in_dim3A_72 = vector.shape_cast %reduce_min3A_68 : vector<256xi32> to vector<256x1xi32>
    %jit3A_73 = arith.constant 0 : i32
    %broadcast_in_dim3A_74 = vector.shape_cast %broadcast_in_dim3A_72 : vector<256x1xi32> to vector<256x1xi32>
    %broadcast_in_dim3A_75 = vector.broadcast %broadcast_in_dim3A_74 : vector<256x1xi32> to vector<256x16xi32>
    %broadcast_in_dim3A_76 = vector.broadcast %jit3A_73 : i32 to vector<256x16xi32>
    %select_n3A_77 = arith.select %eq3A_71, %broadcast_in_dim3A_75, %broadcast_in_dim3A_76 : vector<256x16xi1>, vector<256x16xi32>
    %add3A_78 = arith.addi %add3A_52, %select_n3A_77 : vector<256x16xi32>
    %broadcast_in_dim3A_79 = vector.shape_cast %reduce_min3A_68 : vector<256xi32> to vector<256x1xi32>
    %eq3A_80 = vector.broadcast %broadcast_in_dim3A_79 : vector<256x1xi32> to vector<256x2048xi32>
    %eq3A_81 = arith.cmpi eq, %iota3A_29, %eq3A_80 : vector<256x2048xi32>
    %jit3A_82 = arith.constant 0x7F800000 : f32
    %broadcast_in_dim3A_83 = vector.broadcast %jit3A_82 : f32 to vector<256x2048xf32>
    %select_n3A_84 = arith.select %eq3A_81, %broadcast_in_dim3A_83, %select_n3A_58 : vector<256x2048xi1>, vector<256x2048xf32>
    %reduce_min3A_85 = arith.constant dense<0x7F800000> : vector<256xf32>
    %reduce_min3A_86 = vector.multi_reduction <minimumf>, %select_n3A_84, %reduce_min3A_85 [1] : vector<256x2048xf32> to vector<256xf32>
    %broadcast_in_dim3A_87 = vector.shape_cast %reduce_min3A_86 : vector<256xf32> to vector<256x1xf32>
    %eq3A_88 = vector.broadcast %broadcast_in_dim3A_87 : vector<256x1xf32> to vector<256x2048xf32>
    %eq3A_89 = arith.cmpf oeq, %select_n3A_84, %eq3A_88 : vector<256x2048xf32>
    %jit3A_90 = arith.constant 2048 : i32
    %broadcast_in_dim3A_91 = vector.broadcast %jit3A_90 : i32 to vector<256x2048xi32>
    %select_n3A_92 = arith.select %eq3A_89, %iota3A_29, %broadcast_in_dim3A_91 : vector<256x2048xi1>, vector<256x2048xi32>
    %reduce_min3A_93 = arith.constant dense<2147483647> : vector<256xi32>
    %reduce_min3A_94 = vector.multi_reduction <minsi>, %select_n3A_92, %reduce_min3A_93 [1] : vector<256x2048xi32> to vector<256xi32>
    %eq3A_95 = arith.constant 2 : i32
    %eq3A_96 = vector.broadcast %eq3A_95 : i32 to vector<256x16xi32>
    %eq3A_97 = arith.cmpi eq, %iota3A_31, %eq3A_96 : vector<256x16xi32>
    %broadcast_in_dim3A_98 = vector.shape_cast %reduce_min3A_94 : vector<256xi32> to vector<256x1xi32>
    %jit3A_99 = arith.constant 0 : i32
    %broadcast_in_dim3A_100 = vector.shape_cast %broadcast_in_dim3A_98 : vector<256x1xi32> to vector<256x1xi32>
    %broadcast_in_dim3A_101 = vector.broadcast %broadcast_in_dim3A_100 : vector<256x1xi32> to vector<256x16xi32>
    %broadcast_in_dim3A_102 = vector.broadcast %jit3A_99 : i32 to vector<256x16xi32>
    %select_n3A_103 = arith.select %eq3A_97, %broadcast_in_dim3A_101, %broadcast_in_dim3A_102 : vector<256x16xi1>, vector<256x16xi32>
    %add3A_104 = arith.addi %add3A_78, %select_n3A_103 : vector<256x16xi32>
    %broadcast_in_dim3A_105 = vector.shape_cast %reduce_min3A_94 : vector<256xi32> to vector<256x1xi32>
    %eq3A_106 = vector.broadcast %broadcast_in_dim3A_105 : vector<256x1xi32> to vector<256x2048xi32>
    %eq3A_107 = arith.cmpi eq, %iota3A_29, %eq3A_106 : vector<256x2048xi32>
    %jit3A_108 = arith.constant 0x7F800000 : f32
    %broadcast_in_dim3A_109 = vector.broadcast %jit3A_108 : f32 to vector<256x2048xf32>
    %select_n3A_110 = arith.select %eq3A_107, %broadcast_in_dim3A_109, %select_n3A_84 : vector<256x2048xi1>, vector<256x2048xf32>
    %reduce_min3A_111 = arith.constant dense<0x7F800000> : vector<256xf32>
    %reduce_min3A_112 = vector.multi_reduction <minimumf>, %select_n3A_110, %reduce_min3A_111 [1] : vector<256x2048xf32> to vector<256xf32>
    %broadcast_in_dim3A_113 = vector.shape_cast %reduce_min3A_112 : vector<256xf32> to vector<256x1xf32>
    %eq3A_114 = vector.broadcast %broadcast_in_dim3A_113 : vector<256x1xf32> to vector<256x2048xf32>
    %eq3A_115 = arith.cmpf oeq, %select_n3A_110, %eq3A_114 : vector<256x2048xf32>
    %jit3A_116 = arith.constant 2048 : i32
    %broadcast_in_dim3A_117 = vector.broadcast %jit3A_116 : i32 to vector<256x2048xi32>
    %select_n3A_118 = arith.select %eq3A_115, %iota3A_29, %broadcast_in_dim3A_117 : vector<256x2048xi1>, vector<256x2048xi32>
    %reduce_min3A_119 = arith.constant dense<2147483647> : vector<256xi32>
    %reduce_min3A_120 = vector.multi_reduction <minsi>, %select_n3A_118, %reduce_min3A_119 [1] : vector<256x2048xi32> to vector<256xi32>
    %eq3A_121 = arith.constant 3 : i32
    %eq3A_122 = vector.broadcast %eq3A_121 : i32 to vector<256x16xi32>
    %eq3A_123 = arith.cmpi eq, %iota3A_31, %eq3A_122 : vector<256x16xi32>
    %broadcast_in_dim3A_124 = vector.shape_cast %reduce_min3A_120 : vector<256xi32> to vector<256x1xi32>
    %jit3A_125 = arith.constant 0 : i32
    %broadcast_in_dim3A_126 = vector.shape_cast %broadcast_in_dim3A_124 : vector<256x1xi32> to vector<256x1xi32>
    %broadcast_in_dim3A_127 = vector.broadcast %broadcast_in_dim3A_126 : vector<256x1xi32> to vector<256x16xi32>
    %broadcast_in_dim3A_128 = vector.broadcast %jit3A_125 : i32 to vector<256x16xi32>
    %select_n3A_129 = arith.select %eq3A_123, %broadcast_in_dim3A_127, %broadcast_in_dim3A_128 : vector<256x16xi1>, vector<256x16xi32>
    %add3A_130 = arith.addi %add3A_104, %select_n3A_129 : vector<256x16xi32>
    %broadcast_in_dim3A_131 = vector.shape_cast %reduce_min3A_120 : vector<256xi32> to vector<256x1xi32>
    %eq3A_132 = vector.broadcast %broadcast_in_dim3A_131 : vector<256x1xi32> to vector<256x2048xi32>
    %eq3A_133 = arith.cmpi eq, %iota3A_29, %eq3A_132 : vector<256x2048xi32>
    %jit3A_134 = arith.constant 0x7F800000 : f32
    %broadcast_in_dim3A_135 = vector.broadcast %jit3A_134 : f32 to vector<256x2048xf32>
    %select_n3A_136 = arith.select %eq3A_133, %broadcast_in_dim3A_135, %select_n3A_110 : vector<256x2048xi1>, vector<256x2048xf32>
    %reduce_min3A_137 = arith.constant dense<0x7F800000> : vector<256xf32>
    %reduce_min3A_138 = vector.multi_reduction <minimumf>, %select_n3A_136, %reduce_min3A_137 [1] : vector<256x2048xf32> to vector<256xf32>
    %broadcast_in_dim3A_139 = vector.shape_cast %reduce_min3A_138 : vector<256xf32> to vector<256x1xf32>
    %eq3A_140 = vector.broadcast %broadcast_in_dim3A_139 : vector<256x1xf32> to vector<256x2048xf32>
    %eq3A_141 = arith.cmpf oeq, %select_n3A_136, %eq3A_140 : vector<256x2048xf32>
    %jit3A_142 = arith.constant 2048 : i32
    %broadcast_in_dim3A_143 = vector.broadcast %jit3A_142 : i32 to vector<256x2048xi32>
    %select_n3A_144 = arith.select %eq3A_141, %iota3A_29, %broadcast_in_dim3A_143 : vector<256x2048xi1>, vector<256x2048xi32>
    %reduce_min3A_145 = arith.constant dense<2147483647> : vector<256xi32>
    %reduce_min3A_146 = vector.multi_reduction <minsi>, %select_n3A_144, %reduce_min3A_145 [1] : vector<256x2048xi32> to vector<256xi32>
    %eq3A_147 = arith.constant 4 : i32
    %eq3A_148 = vector.broadcast %eq3A_147 : i32 to vector<256x16xi32>
    %eq3A_149 = arith.cmpi eq, %iota3A_31, %eq3A_148 : vector<256x16xi32>
    %broadcast_in_dim3A_150 = vector.shape_cast %reduce_min3A_146 : vector<256xi32> to vector<256x1xi32>
    %jit3A_151 = arith.constant 0 : i32
    %broadcast_in_dim3A_152 = vector.shape_cast %broadcast_in_dim3A_150 : vector<256x1xi32> to vector<256x1xi32>
    %broadcast_in_dim3A_153 = vector.broadcast %broadcast_in_dim3A_152 : vector<256x1xi32> to vector<256x16xi32>
    %broadcast_in_dim3A_154 = vector.broadcast %jit3A_151 : i32 to vector<256x16xi32>
    %select_n3A_155 = arith.select %eq3A_149, %broadcast_in_dim3A_153, %broadcast_in_dim3A_154 : vector<256x16xi1>, vector<256x16xi32>
    %add3A_156 = arith.addi %add3A_130, %select_n3A_155 : vector<256x16xi32>
    %broadcast_in_dim3A_157 = vector.shape_cast %reduce_min3A_146 : vector<256xi32> to vector<256x1xi32>
    %eq3A_158 = vector.broadcast %broadcast_in_dim3A_157 : vector<256x1xi32> to vector<256x2048xi32>
    %eq3A_159 = arith.cmpi eq, %iota3A_29, %eq3A_158 : vector<256x2048xi32>
    %jit3A_160 = arith.constant 0x7F800000 : f32
    %broadcast_in_dim3A_161 = vector.broadcast %jit3A_160 : f32 to vector<256x2048xf32>
    %select_n3A_162 = arith.select %eq3A_159, %broadcast_in_dim3A_161, %select_n3A_136 : vector<256x2048xi1>, vector<256x2048xf32>
    %reduce_min3A_163 = arith.constant dense<0x7F800000> : vector<256xf32>
    %reduce_min3A_164 = vector.multi_reduction <minimumf>, %select_n3A_162, %reduce_min3A_163 [1] : vector<256x2048xf32> to vector<256xf32>
    %broadcast_in_dim3A_165 = vector.shape_cast %reduce_min3A_164 : vector<256xf32> to vector<256x1xf32>
    %eq3A_166 = vector.broadcast %broadcast_in_dim3A_165 : vector<256x1xf32> to vector<256x2048xf32>
    %eq3A_167 = arith.cmpf oeq, %select_n3A_162, %eq3A_166 : vector<256x2048xf32>
    %jit3A_168 = arith.constant 2048 : i32
    %broadcast_in_dim3A_169 = vector.broadcast %jit3A_168 : i32 to vector<256x2048xi32>
    %select_n3A_170 = arith.select %eq3A_167, %iota3A_29, %broadcast_in_dim3A_169 : vector<256x2048xi1>, vector<256x2048xi32>
    %reduce_min3A_171 = arith.constant dense<2147483647> : vector<256xi32>
    %reduce_min3A_172 = vector.multi_reduction <minsi>, %select_n3A_170, %reduce_min3A_171 [1] : vector<256x2048xi32> to vector<256xi32>
    %eq3A_173 = arith.constant 5 : i32
    %eq3A_174 = vector.broadcast %eq3A_173 : i32 to vector<256x16xi32>
    %eq3A_175 = arith.cmpi eq, %iota3A_31, %eq3A_174 : vector<256x16xi32>
    %broadcast_in_dim3A_176 = vector.shape_cast %reduce_min3A_172 : vector<256xi32> to vector<256x1xi32>
    %jit3A_177 = arith.constant 0 : i32
    %broadcast_in_dim3A_178 = vector.shape_cast %broadcast_in_dim3A_176 : vector<256x1xi32> to vector<256x1xi32>
    %broadcast_in_dim3A_179 = vector.broadcast %broadcast_in_dim3A_178 : vector<256x1xi32> to vector<256x16xi32>
    %broadcast_in_dim3A_180 = vector.broadcast %jit3A_177 : i32 to vector<256x16xi32>
    %select_n3A_181 = arith.select %eq3A_175, %broadcast_in_dim3A_179, %broadcast_in_dim3A_180 : vector<256x16xi1>, vector<256x16xi32>
    %add3A_182 = arith.addi %add3A_156, %select_n3A_181 : vector<256x16xi32>
    %broadcast_in_dim3A_183 = vector.shape_cast %reduce_min3A_172 : vector<256xi32> to vector<256x1xi32>
    %eq3A_184 = vector.broadcast %broadcast_in_dim3A_183 : vector<256x1xi32> to vector<256x2048xi32>
    %eq3A_185 = arith.cmpi eq, %iota3A_29, %eq3A_184 : vector<256x2048xi32>
    %jit3A_186 = arith.constant 0x7F800000 : f32
    %broadcast_in_dim3A_187 = vector.broadcast %jit3A_186 : f32 to vector<256x2048xf32>
    %select_n3A_188 = arith.select %eq3A_185, %broadcast_in_dim3A_187, %select_n3A_162 : vector<256x2048xi1>, vector<256x2048xf32>
    %reduce_min3A_189 = arith.constant dense<0x7F800000> : vector<256xf32>
    %reduce_min3A_190 = vector.multi_reduction <minimumf>, %select_n3A_188, %reduce_min3A_189 [1] : vector<256x2048xf32> to vector<256xf32>
    %broadcast_in_dim3A_191 = vector.shape_cast %reduce_min3A_190 : vector<256xf32> to vector<256x1xf32>
    %eq3A_192 = vector.broadcast %broadcast_in_dim3A_191 : vector<256x1xf32> to vector<256x2048xf32>
    %eq3A_193 = arith.cmpf oeq, %select_n3A_188, %eq3A_192 : vector<256x2048xf32>
    %jit3A_194 = arith.constant 2048 : i32
    %broadcast_in_dim3A_195 = vector.broadcast %jit3A_194 : i32 to vector<256x2048xi32>
    %select_n3A_196 = arith.select %eq3A_193, %iota3A_29, %broadcast_in_dim3A_195 : vector<256x2048xi1>, vector<256x2048xi32>
    %reduce_min3A_197 = arith.constant dense<2147483647> : vector<256xi32>
    %reduce_min3A_198 = vector.multi_reduction <minsi>, %select_n3A_196, %reduce_min3A_197 [1] : vector<256x2048xi32> to vector<256xi32>
    %eq3A_199 = arith.constant 6 : i32
    %eq3A_200 = vector.broadcast %eq3A_199 : i32 to vector<256x16xi32>
    %eq3A_201 = arith.cmpi eq, %iota3A_31, %eq3A_200 : vector<256x16xi32>
    %broadcast_in_dim3A_202 = vector.shape_cast %reduce_min3A_198 : vector<256xi32> to vector<256x1xi32>
    %jit3A_203 = arith.constant 0 : i32
    %broadcast_in_dim3A_204 = vector.shape_cast %broadcast_in_dim3A_202 : vector<256x1xi32> to vector<256x1xi32>
    %broadcast_in_dim3A_205 = vector.broadcast %broadcast_in_dim3A_204 : vector<256x1xi32> to vector<256x16xi32>
    %broadcast_in_dim3A_206 = vector.broadcast %jit3A_203 : i32 to vector<256x16xi32>
    %select_n3A_207 = arith.select %eq3A_201, %broadcast_in_dim3A_205, %broadcast_in_dim3A_206 : vector<256x16xi1>, vector<256x16xi32>
    %add3A_208 = arith.addi %add3A_182, %select_n3A_207 : vector<256x16xi32>
    %broadcast_in_dim3A_209 = vector.shape_cast %reduce_min3A_198 : vector<256xi32> to vector<256x1xi32>
    %eq3A_210 = vector.broadcast %broadcast_in_dim3A_209 : vector<256x1xi32> to vector<256x2048xi32>
    %eq3A_211 = arith.cmpi eq, %iota3A_29, %eq3A_210 : vector<256x2048xi32>
    %jit3A_212 = arith.constant 0x7F800000 : f32
    %broadcast_in_dim3A_213 = vector.broadcast %jit3A_212 : f32 to vector<256x2048xf32>
    %select_n3A_214 = arith.select %eq3A_211, %broadcast_in_dim3A_213, %select_n3A_188 : vector<256x2048xi1>, vector<256x2048xf32>
    %reduce_min3A_215 = arith.constant dense<0x7F800000> : vector<256xf32>
    %reduce_min3A_216 = vector.multi_reduction <minimumf>, %select_n3A_214, %reduce_min3A_215 [1] : vector<256x2048xf32> to vector<256xf32>
    %broadcast_in_dim3A_217 = vector.shape_cast %reduce_min3A_216 : vector<256xf32> to vector<256x1xf32>
    %eq3A_218 = vector.broadcast %broadcast_in_dim3A_217 : vector<256x1xf32> to vector<256x2048xf32>
    %eq3A_219 = arith.cmpf oeq, %select_n3A_214, %eq3A_218 : vector<256x2048xf32>
    %jit3A_220 = arith.constant 2048 : i32
    %broadcast_in_dim3A_221 = vector.broadcast %jit3A_220 : i32 to vector<256x2048xi32>
    %select_n3A_222 = arith.select %eq3A_219, %iota3A_29, %broadcast_in_dim3A_221 : vector<256x2048xi1>, vector<256x2048xi32>
    %reduce_min3A_223 = arith.constant dense<2147483647> : vector<256xi32>
    %reduce_min3A_224 = vector.multi_reduction <minsi>, %select_n3A_222, %reduce_min3A_223 [1] : vector<256x2048xi32> to vector<256xi32>
    %eq3A_225 = arith.constant 7 : i32
    %eq3A_226 = vector.broadcast %eq3A_225 : i32 to vector<256x16xi32>
    %eq3A_227 = arith.cmpi eq, %iota3A_31, %eq3A_226 : vector<256x16xi32>
    %broadcast_in_dim3A_228 = vector.shape_cast %reduce_min3A_224 : vector<256xi32> to vector<256x1xi32>
    %jit3A_229 = arith.constant 0 : i32
    %broadcast_in_dim3A_230 = vector.shape_cast %broadcast_in_dim3A_228 : vector<256x1xi32> to vector<256x1xi32>
    %broadcast_in_dim3A_231 = vector.broadcast %broadcast_in_dim3A_230 : vector<256x1xi32> to vector<256x16xi32>
    %broadcast_in_dim3A_232 = vector.broadcast %jit3A_229 : i32 to vector<256x16xi32>
    %select_n3A_233 = arith.select %eq3A_227, %broadcast_in_dim3A_231, %broadcast_in_dim3A_232 : vector<256x16xi1>, vector<256x16xi32>
    %add3A_234 = arith.addi %add3A_208, %select_n3A_233 : vector<256x16xi32>
    %broadcast_in_dim3A_235 = vector.shape_cast %reduce_min3A_224 : vector<256xi32> to vector<256x1xi32>
    %eq3A_236 = vector.broadcast %broadcast_in_dim3A_235 : vector<256x1xi32> to vector<256x2048xi32>
    %eq3A_237 = arith.cmpi eq, %iota3A_29, %eq3A_236 : vector<256x2048xi32>
    %jit3A_238 = arith.constant 0x7F800000 : f32
    %broadcast_in_dim3A_239 = vector.broadcast %jit3A_238 : f32 to vector<256x2048xf32>
    %select_n3A_240 = arith.select %eq3A_237, %broadcast_in_dim3A_239, %select_n3A_214 : vector<256x2048xi1>, vector<256x2048xf32>
    %reduce_min3A_241 = arith.constant dense<0x7F800000> : vector<256xf32>
    %reduce_min3A_242 = vector.multi_reduction <minimumf>, %select_n3A_240, %reduce_min3A_241 [1] : vector<256x2048xf32> to vector<256xf32>
    %broadcast_in_dim3A_243 = vector.shape_cast %reduce_min3A_242 : vector<256xf32> to vector<256x1xf32>
    %eq3A_244 = vector.broadcast %broadcast_in_dim3A_243 : vector<256x1xf32> to vector<256x2048xf32>
    %eq3A_245 = arith.cmpf oeq, %select_n3A_240, %eq3A_244 : vector<256x2048xf32>
    %jit3A_246 = arith.constant 2048 : i32
    %broadcast_in_dim3A_247 = vector.broadcast %jit3A_246 : i32 to vector<256x2048xi32>
    %select_n3A_248 = arith.select %eq3A_245, %iota3A_29, %broadcast_in_dim3A_247 : vector<256x2048xi1>, vector<256x2048xi32>
    %reduce_min3A_249 = arith.constant dense<2147483647> : vector<256xi32>
    %reduce_min3A_250 = vector.multi_reduction <minsi>, %select_n3A_248, %reduce_min3A_249 [1] : vector<256x2048xi32> to vector<256xi32>
    %eq3A_251 = arith.constant 8 : i32
    %eq3A_252 = vector.broadcast %eq3A_251 : i32 to vector<256x16xi32>
    %eq3A_253 = arith.cmpi eq, %iota3A_31, %eq3A_252 : vector<256x16xi32>
    %broadcast_in_dim3A_254 = vector.shape_cast %reduce_min3A_250 : vector<256xi32> to vector<256x1xi32>
    %jit3A_255 = arith.constant 0 : i32
    %broadcast_in_dim3A_256 = vector.shape_cast %broadcast_in_dim3A_254 : vector<256x1xi32> to vector<256x1xi32>
    %broadcast_in_dim3A_257 = vector.broadcast %broadcast_in_dim3A_256 : vector<256x1xi32> to vector<256x16xi32>
    %broadcast_in_dim3A_258 = vector.broadcast %jit3A_255 : i32 to vector<256x16xi32>
    %select_n3A_259 = arith.select %eq3A_253, %broadcast_in_dim3A_257, %broadcast_in_dim3A_258 : vector<256x16xi1>, vector<256x16xi32>
    %add3A_260 = arith.addi %add3A_234, %select_n3A_259 : vector<256x16xi32>
    %broadcast_in_dim3A_261 = vector.shape_cast %reduce_min3A_250 : vector<256xi32> to vector<256x1xi32>
    %eq3A_262 = vector.broadcast %broadcast_in_dim3A_261 : vector<256x1xi32> to vector<256x2048xi32>
    %eq3A_263 = arith.cmpi eq, %iota3A_29, %eq3A_262 : vector<256x2048xi32>
    %jit3A_264 = arith.constant 0x7F800000 : f32
    %broadcast_in_dim3A_265 = vector.broadcast %jit3A_264 : f32 to vector<256x2048xf32>
    %select_n3A_266 = arith.select %eq3A_263, %broadcast_in_dim3A_265, %select_n3A_240 : vector<256x2048xi1>, vector<256x2048xf32>
    %reduce_min3A_267 = arith.constant dense<0x7F800000> : vector<256xf32>
    %reduce_min3A_268 = vector.multi_reduction <minimumf>, %select_n3A_266, %reduce_min3A_267 [1] : vector<256x2048xf32> to vector<256xf32>
    %broadcast_in_dim3A_269 = vector.shape_cast %reduce_min3A_268 : vector<256xf32> to vector<256x1xf32>
    %eq3A_270 = vector.broadcast %broadcast_in_dim3A_269 : vector<256x1xf32> to vector<256x2048xf32>
    %eq3A_271 = arith.cmpf oeq, %select_n3A_266, %eq3A_270 : vector<256x2048xf32>
    %jit3A_272 = arith.constant 2048 : i32
    %broadcast_in_dim3A_273 = vector.broadcast %jit3A_272 : i32 to vector<256x2048xi32>
    %select_n3A_274 = arith.select %eq3A_271, %iota3A_29, %broadcast_in_dim3A_273 : vector<256x2048xi1>, vector<256x2048xi32>
    %reduce_min3A_275 = arith.constant dense<2147483647> : vector<256xi32>
    %reduce_min3A_276 = vector.multi_reduction <minsi>, %select_n3A_274, %reduce_min3A_275 [1] : vector<256x2048xi32> to vector<256xi32>
    %eq3A_277 = arith.constant 9 : i32
    %eq3A_278 = vector.broadcast %eq3A_277 : i32 to vector<256x16xi32>
    %eq3A_279 = arith.cmpi eq, %iota3A_31, %eq3A_278 : vector<256x16xi32>
    %broadcast_in_dim3A_280 = vector.shape_cast %reduce_min3A_276 : vector<256xi32> to vector<256x1xi32>
    %jit3A_281 = arith.constant 0 : i32
    %broadcast_in_dim3A_282 = vector.shape_cast %broadcast_in_dim3A_280 : vector<256x1xi32> to vector<256x1xi32>
    %broadcast_in_dim3A_283 = vector.broadcast %broadcast_in_dim3A_282 : vector<256x1xi32> to vector<256x16xi32>
    %broadcast_in_dim3A_284 = vector.broadcast %jit3A_281 : i32 to vector<256x16xi32>
    %select_n3A_285 = arith.select %eq3A_279, %broadcast_in_dim3A_283, %broadcast_in_dim3A_284 : vector<256x16xi1>, vector<256x16xi32>
    %add3A_286 = arith.addi %add3A_260, %select_n3A_285 : vector<256x16xi32>
    %broadcast_in_dim3A_287 = vector.shape_cast %reduce_min3A_276 : vector<256xi32> to vector<256x1xi32>
    %eq3A_288 = vector.broadcast %broadcast_in_dim3A_287 : vector<256x1xi32> to vector<256x2048xi32>
    %eq3A_289 = arith.cmpi eq, %iota3A_29, %eq3A_288 : vector<256x2048xi32>
    %jit3A_290 = arith.constant 0x7F800000 : f32
    %broadcast_in_dim3A_291 = vector.broadcast %jit3A_290 : f32 to vector<256x2048xf32>
    %select_n3A_292 = arith.select %eq3A_289, %broadcast_in_dim3A_291, %select_n3A_266 : vector<256x2048xi1>, vector<256x2048xf32>
    %reduce_min3A_293 = arith.constant dense<0x7F800000> : vector<256xf32>
    %reduce_min3A_294 = vector.multi_reduction <minimumf>, %select_n3A_292, %reduce_min3A_293 [1] : vector<256x2048xf32> to vector<256xf32>
    %broadcast_in_dim3A_295 = vector.shape_cast %reduce_min3A_294 : vector<256xf32> to vector<256x1xf32>
    %eq3A_296 = vector.broadcast %broadcast_in_dim3A_295 : vector<256x1xf32> to vector<256x2048xf32>
    %eq3A_297 = arith.cmpf oeq, %select_n3A_292, %eq3A_296 : vector<256x2048xf32>
    %jit3A_298 = arith.constant 2048 : i32
    %broadcast_in_dim3A_299 = vector.broadcast %jit3A_298 : i32 to vector<256x2048xi32>
    %select_n3A_300 = arith.select %eq3A_297, %iota3A_29, %broadcast_in_dim3A_299 : vector<256x2048xi1>, vector<256x2048xi32>
    %reduce_min3A_301 = arith.constant dense<2147483647> : vector<256xi32>
    %reduce_min3A_302 = vector.multi_reduction <minsi>, %select_n3A_300, %reduce_min3A_301 [1] : vector<256x2048xi32> to vector<256xi32>
    %eq3A_303 = arith.constant 10 : i32
    %eq3A_304 = vector.broadcast %eq3A_303 : i32 to vector<256x16xi32>
    %eq3A_305 = arith.cmpi eq, %iota3A_31, %eq3A_304 : vector<256x16xi32>
    %broadcast_in_dim3A_306 = vector.shape_cast %reduce_min3A_302 : vector<256xi32> to vector<256x1xi32>
    %jit3A_307 = arith.constant 0 : i32
    %broadcast_in_dim3A_308 = vector.shape_cast %broadcast_in_dim3A_306 : vector<256x1xi32> to vector<256x1xi32>
    %broadcast_in_dim3A_309 = vector.broadcast %broadcast_in_dim3A_308 : vector<256x1xi32> to vector<256x16xi32>
    %broadcast_in_dim3A_310 = vector.broadcast %jit3A_307 : i32 to vector<256x16xi32>
    %select_n3A_311 = arith.select %eq3A_305, %broadcast_in_dim3A_309, %broadcast_in_dim3A_310 : vector<256x16xi1>, vector<256x16xi32>
    %add3A_312 = arith.addi %add3A_286, %select_n3A_311 : vector<256x16xi32>
    %broadcast_in_dim3A_313 = vector.shape_cast %reduce_min3A_302 : vector<256xi32> to vector<256x1xi32>
    %eq3A_314 = vector.broadcast %broadcast_in_dim3A_313 : vector<256x1xi32> to vector<256x2048xi32>
    %eq3A_315 = arith.cmpi eq, %iota3A_29, %eq3A_314 : vector<256x2048xi32>
    %jit3A_316 = arith.constant 0x7F800000 : f32
    %broadcast_in_dim3A_317 = vector.broadcast %jit3A_316 : f32 to vector<256x2048xf32>
    %select_n3A_318 = arith.select %eq3A_315, %broadcast_in_dim3A_317, %select_n3A_292 : vector<256x2048xi1>, vector<256x2048xf32>
    %reduce_min3A_319 = arith.constant dense<0x7F800000> : vector<256xf32>
    %reduce_min3A_320 = vector.multi_reduction <minimumf>, %select_n3A_318, %reduce_min3A_319 [1] : vector<256x2048xf32> to vector<256xf32>
    %broadcast_in_dim3A_321 = vector.shape_cast %reduce_min3A_320 : vector<256xf32> to vector<256x1xf32>
    %eq3A_322 = vector.broadcast %broadcast_in_dim3A_321 : vector<256x1xf32> to vector<256x2048xf32>
    %eq3A_323 = arith.cmpf oeq, %select_n3A_318, %eq3A_322 : vector<256x2048xf32>
    %jit3A_324 = arith.constant 2048 : i32
    %broadcast_in_dim3A_325 = vector.broadcast %jit3A_324 : i32 to vector<256x2048xi32>
    %select_n3A_326 = arith.select %eq3A_323, %iota3A_29, %broadcast_in_dim3A_325 : vector<256x2048xi1>, vector<256x2048xi32>
    %reduce_min3A_327 = arith.constant dense<2147483647> : vector<256xi32>
    %reduce_min3A_328 = vector.multi_reduction <minsi>, %select_n3A_326, %reduce_min3A_327 [1] : vector<256x2048xi32> to vector<256xi32>
    %eq3A_329 = arith.constant 11 : i32
    %eq3A_330 = vector.broadcast %eq3A_329 : i32 to vector<256x16xi32>
    %eq3A_331 = arith.cmpi eq, %iota3A_31, %eq3A_330 : vector<256x16xi32>
    %broadcast_in_dim3A_332 = vector.shape_cast %reduce_min3A_328 : vector<256xi32> to vector<256x1xi32>
    %jit3A_333 = arith.constant 0 : i32
    %broadcast_in_dim3A_334 = vector.shape_cast %broadcast_in_dim3A_332 : vector<256x1xi32> to vector<256x1xi32>
    %broadcast_in_dim3A_335 = vector.broadcast %broadcast_in_dim3A_334 : vector<256x1xi32> to vector<256x16xi32>
    %broadcast_in_dim3A_336 = vector.broadcast %jit3A_333 : i32 to vector<256x16xi32>
    %select_n3A_337 = arith.select %eq3A_331, %broadcast_in_dim3A_335, %broadcast_in_dim3A_336 : vector<256x16xi1>, vector<256x16xi32>
    %add3A_338 = arith.addi %add3A_312, %select_n3A_337 : vector<256x16xi32>
    %broadcast_in_dim3A_339 = vector.shape_cast %reduce_min3A_328 : vector<256xi32> to vector<256x1xi32>
    %eq3A_340 = vector.broadcast %broadcast_in_dim3A_339 : vector<256x1xi32> to vector<256x2048xi32>
    %eq3A_341 = arith.cmpi eq, %iota3A_29, %eq3A_340 : vector<256x2048xi32>
    %jit3A_342 = arith.constant 0x7F800000 : f32
    %broadcast_in_dim3A_343 = vector.broadcast %jit3A_342 : f32 to vector<256x2048xf32>
    %select_n3A_344 = arith.select %eq3A_341, %broadcast_in_dim3A_343, %select_n3A_318 : vector<256x2048xi1>, vector<256x2048xf32>
    %reduce_min3A_345 = arith.constant dense<0x7F800000> : vector<256xf32>
    %reduce_min3A_346 = vector.multi_reduction <minimumf>, %select_n3A_344, %reduce_min3A_345 [1] : vector<256x2048xf32> to vector<256xf32>
    %broadcast_in_dim3A_347 = vector.shape_cast %reduce_min3A_346 : vector<256xf32> to vector<256x1xf32>
    %eq3A_348 = vector.broadcast %broadcast_in_dim3A_347 : vector<256x1xf32> to vector<256x2048xf32>
    %eq3A_349 = arith.cmpf oeq, %select_n3A_344, %eq3A_348 : vector<256x2048xf32>
    %jit3A_350 = arith.constant 2048 : i32
    %broadcast_in_dim3A_351 = vector.broadcast %jit3A_350 : i32 to vector<256x2048xi32>
    %select_n3A_352 = arith.select %eq3A_349, %iota3A_29, %broadcast_in_dim3A_351 : vector<256x2048xi1>, vector<256x2048xi32>
    %reduce_min3A_353 = arith.constant dense<2147483647> : vector<256xi32>
    %reduce_min3A_354 = vector.multi_reduction <minsi>, %select_n3A_352, %reduce_min3A_353 [1] : vector<256x2048xi32> to vector<256xi32>
    %eq3A_355 = arith.constant 12 : i32
    %eq3A_356 = vector.broadcast %eq3A_355 : i32 to vector<256x16xi32>
    %eq3A_357 = arith.cmpi eq, %iota3A_31, %eq3A_356 : vector<256x16xi32>
    %broadcast_in_dim3A_358 = vector.shape_cast %reduce_min3A_354 : vector<256xi32> to vector<256x1xi32>
    %jit3A_359 = arith.constant 0 : i32
    %broadcast_in_dim3A_360 = vector.shape_cast %broadcast_in_dim3A_358 : vector<256x1xi32> to vector<256x1xi32>
    %broadcast_in_dim3A_361 = vector.broadcast %broadcast_in_dim3A_360 : vector<256x1xi32> to vector<256x16xi32>
    %broadcast_in_dim3A_362 = vector.broadcast %jit3A_359 : i32 to vector<256x16xi32>
    %select_n3A_363 = arith.select %eq3A_357, %broadcast_in_dim3A_361, %broadcast_in_dim3A_362 : vector<256x16xi1>, vector<256x16xi32>
    %add3A_364 = arith.addi %add3A_338, %select_n3A_363 : vector<256x16xi32>
    %broadcast_in_dim3A_365 = vector.shape_cast %reduce_min3A_354 : vector<256xi32> to vector<256x1xi32>
    %eq3A_366 = vector.broadcast %broadcast_in_dim3A_365 : vector<256x1xi32> to vector<256x2048xi32>
    %eq3A_367 = arith.cmpi eq, %iota3A_29, %eq3A_366 : vector<256x2048xi32>
    %jit3A_368 = arith.constant 0x7F800000 : f32
    %broadcast_in_dim3A_369 = vector.broadcast %jit3A_368 : f32 to vector<256x2048xf32>
    %select_n3A_370 = arith.select %eq3A_367, %broadcast_in_dim3A_369, %select_n3A_344 : vector<256x2048xi1>, vector<256x2048xf32>
    %reduce_min3A_371 = arith.constant dense<0x7F800000> : vector<256xf32>
    %reduce_min3A_372 = vector.multi_reduction <minimumf>, %select_n3A_370, %reduce_min3A_371 [1] : vector<256x2048xf32> to vector<256xf32>
    %broadcast_in_dim3A_373 = vector.shape_cast %reduce_min3A_372 : vector<256xf32> to vector<256x1xf32>
    %eq3A_374 = vector.broadcast %broadcast_in_dim3A_373 : vector<256x1xf32> to vector<256x2048xf32>
    %eq3A_375 = arith.cmpf oeq, %select_n3A_370, %eq3A_374 : vector<256x2048xf32>
    %jit3A_376 = arith.constant 2048 : i32
    %broadcast_in_dim3A_377 = vector.broadcast %jit3A_376 : i32 to vector<256x2048xi32>
    %select_n3A_378 = arith.select %eq3A_375, %iota3A_29, %broadcast_in_dim3A_377 : vector<256x2048xi1>, vector<256x2048xi32>
    %reduce_min3A_379 = arith.constant dense<2147483647> : vector<256xi32>
    %reduce_min3A_380 = vector.multi_reduction <minsi>, %select_n3A_378, %reduce_min3A_379 [1] : vector<256x2048xi32> to vector<256xi32>
    %eq3A_381 = arith.constant 13 : i32
    %eq3A_382 = vector.broadcast %eq3A_381 : i32 to vector<256x16xi32>
    %eq3A_383 = arith.cmpi eq, %iota3A_31, %eq3A_382 : vector<256x16xi32>
    %broadcast_in_dim3A_384 = vector.shape_cast %reduce_min3A_380 : vector<256xi32> to vector<256x1xi32>
    %jit3A_385 = arith.constant 0 : i32
    %broadcast_in_dim3A_386 = vector.shape_cast %broadcast_in_dim3A_384 : vector<256x1xi32> to vector<256x1xi32>
    %broadcast_in_dim3A_387 = vector.broadcast %broadcast_in_dim3A_386 : vector<256x1xi32> to vector<256x16xi32>
    %broadcast_in_dim3A_388 = vector.broadcast %jit3A_385 : i32 to vector<256x16xi32>
    %select_n3A_389 = arith.select %eq3A_383, %broadcast_in_dim3A_387, %broadcast_in_dim3A_388 : vector<256x16xi1>, vector<256x16xi32>
    %add3A_390 = arith.addi %add3A_364, %select_n3A_389 : vector<256x16xi32>
    %broadcast_in_dim3A_391 = vector.shape_cast %reduce_min3A_380 : vector<256xi32> to vector<256x1xi32>
    %eq3A_392 = vector.broadcast %broadcast_in_dim3A_391 : vector<256x1xi32> to vector<256x2048xi32>
    %eq3A_393 = arith.cmpi eq, %iota3A_29, %eq3A_392 : vector<256x2048xi32>
    %jit3A_394 = arith.constant 0x7F800000 : f32
    %broadcast_in_dim3A_395 = vector.broadcast %jit3A_394 : f32 to vector<256x2048xf32>
    %select_n3A_396 = arith.select %eq3A_393, %broadcast_in_dim3A_395, %select_n3A_370 : vector<256x2048xi1>, vector<256x2048xf32>
    %reduce_min3A_397 = arith.constant dense<0x7F800000> : vector<256xf32>
    %reduce_min3A_398 = vector.multi_reduction <minimumf>, %select_n3A_396, %reduce_min3A_397 [1] : vector<256x2048xf32> to vector<256xf32>
    %broadcast_in_dim3A_399 = vector.shape_cast %reduce_min3A_398 : vector<256xf32> to vector<256x1xf32>
    %eq3A_400 = vector.broadcast %broadcast_in_dim3A_399 : vector<256x1xf32> to vector<256x2048xf32>
    %eq3A_401 = arith.cmpf oeq, %select_n3A_396, %eq3A_400 : vector<256x2048xf32>
    %jit3A_402 = arith.constant 2048 : i32
    %broadcast_in_dim3A_403 = vector.broadcast %jit3A_402 : i32 to vector<256x2048xi32>
    %select_n3A_404 = arith.select %eq3A_401, %iota3A_29, %broadcast_in_dim3A_403 : vector<256x2048xi1>, vector<256x2048xi32>
    %reduce_min3A_405 = arith.constant dense<2147483647> : vector<256xi32>
    %reduce_min3A_406 = vector.multi_reduction <minsi>, %select_n3A_404, %reduce_min3A_405 [1] : vector<256x2048xi32> to vector<256xi32>
    %eq3A_407 = arith.constant 14 : i32
    %eq3A_408 = vector.broadcast %eq3A_407 : i32 to vector<256x16xi32>
    %eq3A_409 = arith.cmpi eq, %iota3A_31, %eq3A_408 : vector<256x16xi32>
    %broadcast_in_dim3A_410 = vector.shape_cast %reduce_min3A_406 : vector<256xi32> to vector<256x1xi32>
    %jit3A_411 = arith.constant 0 : i32
    %broadcast_in_dim3A_412 = vector.shape_cast %broadcast_in_dim3A_410 : vector<256x1xi32> to vector<256x1xi32>
    %broadcast_in_dim3A_413 = vector.broadcast %broadcast_in_dim3A_412 : vector<256x1xi32> to vector<256x16xi32>
    %broadcast_in_dim3A_414 = vector.broadcast %jit3A_411 : i32 to vector<256x16xi32>
    %select_n3A_415 = arith.select %eq3A_409, %broadcast_in_dim3A_413, %broadcast_in_dim3A_414 : vector<256x16xi1>, vector<256x16xi32>
    %add3A_416 = arith.addi %add3A_390, %select_n3A_415 : vector<256x16xi32>
    %broadcast_in_dim3A_417 = vector.shape_cast %reduce_min3A_406 : vector<256xi32> to vector<256x1xi32>
    %eq3A_418 = vector.broadcast %broadcast_in_dim3A_417 : vector<256x1xi32> to vector<256x2048xi32>
    %eq3A_419 = arith.cmpi eq, %iota3A_29, %eq3A_418 : vector<256x2048xi32>
    %jit3A_420 = arith.constant 0x7F800000 : f32
    %broadcast_in_dim3A_421 = vector.broadcast %jit3A_420 : f32 to vector<256x2048xf32>
    %select_n3A_422 = arith.select %eq3A_419, %broadcast_in_dim3A_421, %select_n3A_396 : vector<256x2048xi1>, vector<256x2048xf32>
    %reduce_min3A_423 = arith.constant dense<0x7F800000> : vector<256xf32>
    %reduce_min3A_424 = vector.multi_reduction <minimumf>, %select_n3A_422, %reduce_min3A_423 [1] : vector<256x2048xf32> to vector<256xf32>
    %broadcast_in_dim3A_425 = vector.shape_cast %reduce_min3A_424 : vector<256xf32> to vector<256x1xf32>
    %eq3A_426 = vector.broadcast %broadcast_in_dim3A_425 : vector<256x1xf32> to vector<256x2048xf32>
    %eq3A_427 = arith.cmpf oeq, %select_n3A_422, %eq3A_426 : vector<256x2048xf32>
    %jit3A_428 = arith.constant 2048 : i32
    %broadcast_in_dim3A_429 = vector.broadcast %jit3A_428 : i32 to vector<256x2048xi32>
    %select_n3A_430 = arith.select %eq3A_427, %iota3A_29, %broadcast_in_dim3A_429 : vector<256x2048xi1>, vector<256x2048xi32>
    %reduce_min3A_431 = arith.constant dense<2147483647> : vector<256xi32>
    %reduce_min3A_432 = vector.multi_reduction <minsi>, %select_n3A_430, %reduce_min3A_431 [1] : vector<256x2048xi32> to vector<256xi32>
    %eq3A_433 = arith.constant 15 : i32
    %eq3A_434 = vector.broadcast %eq3A_433 : i32 to vector<256x16xi32>
    %eq3A_435 = arith.cmpi eq, %iota3A_31, %eq3A_434 : vector<256x16xi32>
    %broadcast_in_dim3A_436 = vector.shape_cast %reduce_min3A_432 : vector<256xi32> to vector<256x1xi32>
    %jit3A_437 = arith.constant 0 : i32
    %broadcast_in_dim3A_438 = vector.shape_cast %broadcast_in_dim3A_436 : vector<256x1xi32> to vector<256x1xi32>
    %broadcast_in_dim3A_439 = vector.broadcast %broadcast_in_dim3A_438 : vector<256x1xi32> to vector<256x16xi32>
    %broadcast_in_dim3A_440 = vector.broadcast %jit3A_437 : i32 to vector<256x16xi32>
    %select_n3A_441 = arith.select %eq3A_435, %broadcast_in_dim3A_439, %broadcast_in_dim3A_440 : vector<256x16xi1>, vector<256x16xi32>
    %add3A_442 = arith.addi %add3A_416, %select_n3A_441 : vector<256x16xi32>
    %mul3A_443 = arith.constant 2048 : i32
    %mul3A_444 = arith.muli %arg0, %mul3A_443 : i32
    %add3A_445 = vector.broadcast %mul3A_444 : i32 to vector<256x16xi32>
    %add3A_446 = arith.addi %add3A_442, %add3A_445 : vector<256x16xi32>
    %swap3A = arith.constant 0 : index
    %swap3A_447 = arith.constant 0 : index
    %swap3A_448 = arith.constant 0 : index
    %swap3A_449 = vector.load %arg5[%swap3A, %swap3A_447, %swap3A_448] : memref<1x256x16xi32, #tpu.memory_space<vmem>>, vector<1x256x16xi32>
    %swap3A_450 = vector.shape_cast %swap3A_449 : vector<1x256x16xi32> to vector<256x16xi32>
    %swap3A_451 = vector.shape_cast %add3A_446 : vector<256x16xi32> to vector<1x256x16xi32>
    tpu.vector_store %arg5[%swap3A, %swap3A_447, %swap3A_448], %swap3A_451 {strides = array<i32>} : memref<1x256x16xi32, #tpu.memory_space<vmem>>, vector<1x256x16xi32>,
    return
  }
  func.func @transform_0(%arg0: i32, %arg1: i32) -> (i32, i32, i32) {
    %c0_i32 = arith.constant 0 : i32
    %c0_i32_0 = arith.constant 0 : i32
    return %arg0, %arg1, %c0_i32 : i32, i32, i32
  }
  func.func @transform_1(%arg0: i32, %arg1: i32) -> (i32, i32, i32) {
    %c0_i32 = arith.constant 0 : i32
    %c0_i32_0 = arith.constant 0 : i32
    %c0_i32_1 = arith.constant 0 : i32
    return %arg0, %c0_i32, %c0_i32_0 : i32, i32, i32
  }
  func.func @transform_2(%arg0: i32, %arg1: i32) -> (i32, i32, i32) {
    %c0_i32 = arith.constant 0 : i32
    %c0_i32_0 = arith.constant 0 : i32
    %c0_i32_1 = arith.constant 0 : i32
    return %arg0, %c0_i32, %c0_i32_0 : i32, i32, i32
  }
  func.func @transform_3(%arg0: i32, %arg1: i32) -> (i32, i32, i32) {
    %c0_i32 = arith.constant 0 : i32
    %c0_i32_0 = arith.constant 0 : i32
    return %arg0, %arg1, %c0_i32 : i32, i32, i32
  }
}

module attributes {stable_mosaic.version = 14 : i64} {
  func.func @_edge_body(%arg0: i32, %arg1: i32, %arg2: memref<1x256x128xf32, #tpu.memory_space<vmem>>, %arg3: memref<1x256x16x128xf32, #tpu.memory_space<vmem>>, %arg4: memref<256x256xf32, #tpu.memory_space<vmem>>, %arg5: memref<1x256xf32, #tpu.memory_space<vmem>>, %arg6: memref<256x256xf32, #tpu.memory_space<vmem>>, %arg7: memref<1x256xf32, #tpu.memory_space<vmem>>, %arg8: memref<256x512xf32, #tpu.memory_space<vmem>>, %arg9: memref<1x512xf32, #tpu.memory_space<vmem>>, %arg10: memref<1x256x512xf32, #tpu.memory_space<vmem>>) attributes {dimension_semantics = [#tpu.dimension_semantics<arbitrary>, #tpu.dimension_semantics<arbitrary>], iteration_bounds = array<i64: 4, 8>, scalar_prefetch = 0 : i64, scratch_operands = 0 : i64, tpu.core_type = #tpu.core_type<tc>, window_params = [{transform_indices = @transform_0, window_bounds = array<i64: 1, 256, 128>}, {transform_indices = @transform_1, window_bounds = array<i64: 1, 256, 16, 128>}, {pipeline_mode = #tpu.pipeline_mode<synchronous>, transform_indices = @transform_2, window_bounds = array<i64: 256, 256>}, {pipeline_mode = #tpu.pipeline_mode<synchronous>, transform_indices = @transform_3, window_bounds = array<i64: 1, 256>}, {pipeline_mode = #tpu.pipeline_mode<synchronous>, transform_indices = @transform_4, window_bounds = array<i64: 256, 256>}, {pipeline_mode = #tpu.pipeline_mode<synchronous>, transform_indices = @transform_5, window_bounds = array<i64: 1, 256>}, {pipeline_mode = #tpu.pipeline_mode<synchronous>, transform_indices = @transform_6, window_bounds = array<i64: 256, 512>}, {pipeline_mode = #tpu.pipeline_mode<synchronous>, transform_indices = @transform_7, window_bounds = array<i64: 1, 512>}, {transform_indices = @transform_8, window_bounds = array<i64: 1, 256, 512>}]} {
    %get3A = arith.constant 0 : index
    %get3A_0 = arith.constant 0 : index
    %get3A_1 = arith.constant 0 : index
    %get3A_2 = vector.load %arg2[%get3A, %get3A_0, %get3A_1] : memref<1x256x128xf32, #tpu.memory_space<vmem>>, vector<1x256x128xf32>
    %get3A_3 = vector.shape_cast %get3A_2 : vector<1x256x128xf32> to vector<256x128xf32>
    %get3A_4 = arith.constant 0 : index
    %get3A_5 = arith.constant 0 : index
    %get3A_6 = arith.constant 0 : index
    %get3A_7 = arith.constant 0 : index
    %get3A_8 = vector.load %arg3[%get3A_4, %get3A_5, %get3A_6, %get3A_7] : memref<1x256x16x128xf32, #tpu.memory_space<vmem>>, vector<1x256x16x128xf32>
    %get3A_9 = vector.shape_cast %get3A_8 : vector<1x256x16x128xf32> to vector<256x16x128xf32>
    %broadcast_in_dim3A = vector.shape_cast %get3A_3 : vector<256x128xf32> to vector<256x1x128xf32>
    %broadcast_in_dim3A_10 = vector.shape_cast %broadcast_in_dim3A : vector<256x1x128xf32> to vector<256x1x128xf32>
    %broadcast_in_dim3A_11 = vector.broadcast %broadcast_in_dim3A_10 : vector<256x1x128xf32> to vector<256x16x128xf32>
    %sub3A = arith.subf %get3A_9, %broadcast_in_dim3A_11 : vector<256x16x128xf32>
    %concatenate3A = tpu.concatenate %broadcast_in_dim3A_11, %sub3A in 2 : vector<256x16x128xf32>, vector<256x16x128xf32> -> vector<256x16x256xf32>
    %reshape3A = vector.shape_cast %concatenate3A : vector<256x16x256xf32> to vector<4096x256xf32>
    %get3A_12 = arith.constant 0 : index
    %get3A_13 = arith.constant 0 : index
    %get3A_14 = vector.load %arg4[%get3A_12, %get3A_13] : memref<256x256xf32, #tpu.memory_space<vmem>>, vector<256x256xf32>
    %dot_general3A = arith.constant dense<0.000000e+00> : vector<4096x256xf32>
    %dot_general3A_15 = tpu.matmul %reshape3A, %get3A_14, %dot_general3A {dimension_numbers = #tpu.dot_dimension_numbers<[1], [0], [0], [1], [0, 0, 1, 1], [], []>, transpose_lhs_hint = false} : vector<4096x256xf32>, vector<256x256xf32>, vector<4096x256xf32> -> vector<4096x256xf32>
    %get3A_16 = arith.constant 0 : index
    %get3A_17 = arith.constant 0 : index
    %get3A_18 = vector.load %arg5[%get3A_16, %get3A_17] : memref<1x256xf32, #tpu.memory_space<vmem>>, vector<1x256xf32>
    %add3A = vector.broadcast %get3A_18 : vector<1x256xf32> to vector<4096x256xf32>
    %add3A_19 = arith.addf %dot_general3A_15, %add3A : vector<4096x256xf32>
    %max3A = arith.constant 0.000000e+00 : f32
    %max3A_20 = vector.broadcast %max3A : f32 to vector<4096x256xf32>
    %max3A_21 = arith.maximumf %add3A_19, %max3A_20 : vector<4096x256xf32>
    %get3A_22 = arith.constant 0 : index
    %get3A_23 = arith.constant 0 : index
    %get3A_24 = vector.load %arg6[%get3A_22, %get3A_23] : memref<256x256xf32, #tpu.memory_space<vmem>>, vector<256x256xf32>
    %dot_general3A_25 = arith.constant dense<0.000000e+00> : vector<4096x256xf32>
    %dot_general3A_26 = tpu.matmul %max3A_21, %get3A_24, %dot_general3A_25 {dimension_numbers = #tpu.dot_dimension_numbers<[1], [0], [0], [1], [0, 0, 1, 1], [], []>, transpose_lhs_hint = false} : vector<4096x256xf32>, vector<256x256xf32>, vector<4096x256xf32> -> vector<4096x256xf32>
    %get3A_27 = arith.constant 0 : index
    %get3A_28 = arith.constant 0 : index
    %get3A_29 = vector.load %arg7[%get3A_27, %get3A_28] : memref<1x256xf32, #tpu.memory_space<vmem>>, vector<1x256xf32>
    %add3A_30 = vector.broadcast %get3A_29 : vector<1x256xf32> to vector<4096x256xf32>
    %add3A_31 = arith.addf %dot_general3A_26, %add3A_30 : vector<4096x256xf32>
    %max3A_32 = arith.constant 0.000000e+00 : f32
    %max3A_33 = vector.broadcast %max3A_32 : f32 to vector<4096x256xf32>
    %max3A_34 = arith.maximumf %add3A_31, %max3A_33 : vector<4096x256xf32>
    %get3A_35 = arith.constant 0 : index
    %get3A_36 = arith.constant 0 : index
    %get3A_37 = vector.load %arg8[%get3A_35, %get3A_36] : memref<256x512xf32, #tpu.memory_space<vmem>>, vector<256x512xf32>
    %dot_general3A_38 = arith.constant dense<0.000000e+00> : vector<4096x512xf32>
    %dot_general3A_39 = tpu.matmul %max3A_34, %get3A_37, %dot_general3A_38 {dimension_numbers = #tpu.dot_dimension_numbers<[1], [0], [0], [1], [0, 0, 1, 1], [], []>, transpose_lhs_hint = false} : vector<4096x256xf32>, vector<256x512xf32>, vector<4096x512xf32> -> vector<4096x512xf32>
    %get3A_40 = arith.constant 0 : index
    %get3A_41 = arith.constant 0 : index
    %get3A_42 = vector.load %arg9[%get3A_40, %get3A_41] : memref<1x512xf32, #tpu.memory_space<vmem>>, vector<1x512xf32>
    %add3A_43 = vector.broadcast %get3A_42 : vector<1x512xf32> to vector<4096x512xf32>
    %add3A_44 = arith.addf %dot_general3A_39, %add3A_43 : vector<4096x512xf32>
    %max3A_45 = arith.constant 0.000000e+00 : f32
    %max3A_46 = vector.broadcast %max3A_45 : f32 to vector<4096x512xf32>
    %max3A_47 = arith.maximumf %add3A_44, %max3A_46 : vector<4096x512xf32>
    %reshape3A_48 = vector.shape_cast %max3A_47 : vector<4096x512xf32> to vector<256x16x512xf32>
    %reduce_max3A = arith.constant dense<0xFF800000> : vector<256x512xf32>
    %reduce_max3A_49 = vector.multi_reduction <maximumf>, %reshape3A_48, %reduce_max3A [1] : vector<256x16x512xf32> to vector<256x512xf32>
    %swap3A = arith.constant 0 : index
    %swap3A_50 = arith.constant 0 : index
    %swap3A_51 = arith.constant 0 : index
    %swap3A_52 = vector.load %arg10[%swap3A, %swap3A_50, %swap3A_51] : memref<1x256x512xf32, #tpu.memory_space<vmem>>, vector<1x256x512xf32>
    %swap3A_53 = vector.shape_cast %swap3A_52 : vector<1x256x512xf32> to vector<256x512xf32>
    %swap3A_54 = vector.shape_cast %reduce_max3A_49 : vector<256x512xf32> to vector<1x256x512xf32>
    tpu.vector_store %arg10[%swap3A, %swap3A_50, %swap3A_51], %swap3A_54 {strides = array<i32>} : memref<1x256x512xf32, #tpu.memory_space<vmem>>, vector<1x256x512xf32>,
    return
  }
  func.func @transform_0(%arg0: i32, %arg1: i32) -> (i32, i32, i32) {
    %c0_i32 = arith.constant 0 : i32
    %c0_i32_0 = arith.constant 0 : i32
    return %arg0, %arg1, %c0_i32 : i32, i32, i32
  }
  func.func @transform_1(%arg0: i32, %arg1: i32) -> (i32, i32, i32, i32) {
    %c0_i32 = arith.constant 0 : i32
    %c0_i32_0 = arith.constant 0 : i32
    %c0_i32_1 = arith.constant 0 : i32
    return %arg0, %arg1, %c0_i32, %c0_i32_0 : i32, i32, i32, i32
  }
  func.func @transform_2(%arg0: i32, %arg1: i32) -> (i32, i32) {
    %c0_i32 = arith.constant 0 : i32
    %c0_i32_0 = arith.constant 0 : i32
    %c0_i32_1 = arith.constant 0 : i32
    return %c0_i32, %c0_i32_0 : i32, i32
  }
  func.func @transform_3(%arg0: i32, %arg1: i32) -> (i32, i32) {
    %c0_i32 = arith.constant 0 : i32
    %c0_i32_0 = arith.constant 0 : i32
    %c0_i32_1 = arith.constant 0 : i32
    return %c0_i32, %c0_i32_0 : i32, i32
  }
  func.func @transform_4(%arg0: i32, %arg1: i32) -> (i32, i32) {
    %c0_i32 = arith.constant 0 : i32
    %c0_i32_0 = arith.constant 0 : i32
    %c0_i32_1 = arith.constant 0 : i32
    return %c0_i32, %c0_i32_0 : i32, i32
  }
  func.func @transform_5(%arg0: i32, %arg1: i32) -> (i32, i32) {
    %c0_i32 = arith.constant 0 : i32
    %c0_i32_0 = arith.constant 0 : i32
    %c0_i32_1 = arith.constant 0 : i32
    return %c0_i32, %c0_i32_0 : i32, i32
  }
  func.func @transform_6(%arg0: i32, %arg1: i32) -> (i32, i32) {
    %c0_i32 = arith.constant 0 : i32
    %c0_i32_0 = arith.constant 0 : i32
    %c0_i32_1 = arith.constant 0 : i32
    return %c0_i32, %c0_i32_0 : i32, i32
  }
  func.func @transform_7(%arg0: i32, %arg1: i32) -> (i32, i32) {
    %c0_i32 = arith.constant 0 : i32
    %c0_i32_0 = arith.constant 0 : i32
    %c0_i32_1 = arith.constant 0 : i32
    return %c0_i32, %c0_i32_0 : i32, i32
  }
  func.func @transform_8(%arg0: i32, %arg1: i32) -> (i32, i32, i32) {
    %c0_i32 = arith.constant 0 : i32
    %c0_i32_0 = arith.constant 0 : i32
    return %arg0, %arg1, %c0_i32 : i32, i32, i32
  }
}

module attributes {stable_mosaic.version = 14 : i64} {
  func.func @_shared_body(%arg0: i32, %arg1: i32, %arg2: memref<1x512x32xf32, #tpu.memory_space<vmem>>, %arg3: memref<1x512x128xf32, #tpu.memory_space<vmem>>, %arg4: memref<1x512x512xf32, #tpu.memory_space<vmem>>, %arg5: memref<672x256xf32, #tpu.memory_space<vmem>>, %arg6: memref<1x256xf32, #tpu.memory_space<vmem>>, %arg7: memref<256x128xf32, #tpu.memory_space<vmem>>, %arg8: memref<1x128xf32, #tpu.memory_space<vmem>>, %arg9: memref<128x1xf32, #tpu.memory_space<vmem>>, %arg10: memref<1x1xf32, #tpu.memory_space<vmem>>, %arg11: memref<1x512x1xf32, #tpu.memory_space<vmem>>, %arg12: memref<1x1x128xf32, #tpu.memory_space<vmem>>) attributes {dimension_semantics = [#tpu.dimension_semantics<arbitrary>, #tpu.dimension_semantics<arbitrary>], iteration_bounds = array<i64: 4, 4>, scalar_prefetch = 0 : i64, scratch_operands = 0 : i64, tpu.core_type = #tpu.core_type<tc>, window_params = [{transform_indices = @transform_0, window_bounds = array<i64: 1, 512, 32>}, {transform_indices = @transform_1, window_bounds = array<i64: 1, 512, 128>}, {transform_indices = @transform_2, window_bounds = array<i64: 1, 512, 512>}, {pipeline_mode = #tpu.pipeline_mode<synchronous>, transform_indices = @transform_3, window_bounds = array<i64: 672, 256>}, {pipeline_mode = #tpu.pipeline_mode<synchronous>, transform_indices = @transform_4, window_bounds = array<i64: 1, 256>}, {pipeline_mode = #tpu.pipeline_mode<synchronous>, transform_indices = @transform_5, window_bounds = array<i64: 256, 128>}, {pipeline_mode = #tpu.pipeline_mode<synchronous>, transform_indices = @transform_6, window_bounds = array<i64: 1, 128>}, {pipeline_mode = #tpu.pipeline_mode<synchronous>, transform_indices = @transform_7, window_bounds = array<i64: 128, 1>}, {pipeline_mode = #tpu.pipeline_mode<synchronous>, transform_indices = @transform_8, window_bounds = array<i64: 1, 1>}, {transform_indices = @transform_9, window_bounds = array<i64: 1, 512, 1>}, {transform_indices = @transform_10, window_bounds = array<i64: 1, 1, 128>}]} {
    %get3A = arith.constant 0 : index
    %get3A_0 = arith.constant 0 : index
    %get3A_1 = arith.constant 0 : index
    %get3A_2 = vector.load %arg2[%get3A, %get3A_0, %get3A_1] : memref<1x512x32xf32, #tpu.memory_space<vmem>>, vector<1x512x32xf32>
    %get3A_3 = vector.shape_cast %get3A_2 : vector<1x512x32xf32> to vector<512x32xf32>
    %get3A_4 = arith.constant 0 : index
    %get3A_5 = arith.constant 0 : index
    %get3A_6 = arith.constant 0 : index
    %get3A_7 = vector.load %arg3[%get3A_4, %get3A_5, %get3A_6] : memref<1x512x128xf32, #tpu.memory_space<vmem>>, vector<1x512x128xf32>
    %get3A_8 = vector.shape_cast %get3A_7 : vector<1x512x128xf32> to vector<512x128xf32>
    %get3A_9 = arith.constant 0 : index
    %get3A_10 = arith.constant 0 : index
    %get3A_11 = arith.constant 0 : index
    %get3A_12 = vector.load %arg4[%get3A_9, %get3A_10, %get3A_11] : memref<1x512x512xf32, #tpu.memory_space<vmem>>, vector<1x512x512xf32>
    %get3A_13 = vector.shape_cast %get3A_12 : vector<1x512x512xf32> to vector<512x512xf32>
    %concatenate3A = tpu.concatenate %get3A_3, %get3A_8, %get3A_13 in 1 : vector<512x32xf32>, vector<512x128xf32>, vector<512x512xf32> -> vector<512x672xf32>
    %get3A_14 = arith.constant 0 : index
    %get3A_15 = arith.constant 0 : index
    %get3A_16 = vector.load %arg5[%get3A_14, %get3A_15] : memref<672x256xf32, #tpu.memory_space<vmem>>, vector<672x256xf32>
    %dot_general3A = arith.constant dense<0.000000e+00> : vector<512x256xf32>
    %dot_general3A_17 = tpu.matmul %concatenate3A, %get3A_16, %dot_general3A {dimension_numbers = #tpu.dot_dimension_numbers<[1], [0], [0], [1], [0, 0, 1, 1], [], []>, transpose_lhs_hint = false} : vector<512x672xf32>, vector<672x256xf32>, vector<512x256xf32> -> vector<512x256xf32>
    %get3A_18 = arith.constant 0 : index
    %get3A_19 = arith.constant 0 : index
    %get3A_20 = vector.load %arg6[%get3A_18, %get3A_19] : memref<1x256xf32, #tpu.memory_space<vmem>>, vector<1x256xf32>
    %add3A = vector.broadcast %get3A_20 : vector<1x256xf32> to vector<512x256xf32>
    %add3A_21 = arith.addf %dot_general3A_17, %add3A : vector<512x256xf32>
    %max3A = arith.constant 0.000000e+00 : f32
    %max3A_22 = vector.broadcast %max3A : f32 to vector<512x256xf32>
    %max3A_23 = arith.maximumf %add3A_21, %max3A_22 : vector<512x256xf32>
    %get3A_24 = arith.constant 0 : index
    %get3A_25 = arith.constant 0 : index
    %get3A_26 = vector.load %arg7[%get3A_24, %get3A_25] : memref<256x128xf32, #tpu.memory_space<vmem>>, vector<256x128xf32>
    %dot_general3A_27 = arith.constant dense<0.000000e+00> : vector<512x128xf32>
    %dot_general3A_28 = tpu.matmul %max3A_23, %get3A_26, %dot_general3A_27 {dimension_numbers = #tpu.dot_dimension_numbers<[1], [0], [0], [1], [0, 0, 1, 1], [], []>, transpose_lhs_hint = false} : vector<512x256xf32>, vector<256x128xf32>, vector<512x128xf32> -> vector<512x128xf32>
    %get3A_29 = arith.constant 0 : index
    %get3A_30 = arith.constant 0 : index
    %get3A_31 = vector.load %arg8[%get3A_29, %get3A_30] : memref<1x128xf32, #tpu.memory_space<vmem>>, vector<1x128xf32>
    %add3A_32 = vector.broadcast %get3A_31 : vector<1x128xf32> to vector<512x128xf32>
    %add3A_33 = arith.addf %dot_general3A_28, %add3A_32 : vector<512x128xf32>
    %max3A_34 = arith.constant 0.000000e+00 : f32
    %max3A_35 = vector.broadcast %max3A_34 : f32 to vector<512x128xf32>
    %max3A_36 = arith.maximumf %add3A_33, %max3A_35 : vector<512x128xf32>
    %get3A_37 = arith.constant 0 : index
    %get3A_38 = arith.constant 0 : index
    %get3A_39 = vector.load %arg9[%get3A_37, %get3A_38] : memref<128x1xf32, #tpu.memory_space<vmem>>, vector<128x1xf32>
    %dot_general3A_40 = arith.constant dense<0.000000e+00> : vector<512x1xf32>
    %dot_general3A_41 = tpu.matmul %max3A_36, %get3A_39, %dot_general3A_40 {dimension_numbers = #tpu.dot_dimension_numbers<[1], [0], [0], [1], [0, 0, 1, 1], [], []>, transpose_lhs_hint = false} : vector<512x128xf32>, vector<128x1xf32>, vector<512x1xf32> -> vector<512x1xf32>
    %get3A_42 = arith.constant 0 : index
    %get3A_43 = arith.constant 0 : index
    %get3A_44 = vector.load %arg10[%get3A_42, %get3A_43] : memref<1x1xf32, #tpu.memory_space<vmem>>, vector<1x1xf32>
    %add3A_45 = vector.broadcast %get3A_44 : vector<1x1xf32> to vector<512x1xf32>
    %add3A_46 = arith.addf %dot_general3A_41, %add3A_45 : vector<512x1xf32>
    %logistic3A = arith.negf %add3A_46 : vector<512x1xf32>
    %logistic3A_47 = math.exp %logistic3A : vector<512x1xf32>
    %logistic3A_48 = arith.constant 1.000000e+00 : f32
    %logistic3A_49 = vector.broadcast %logistic3A_48 : f32 to vector<512x1xf32>
    %logistic3A_50 = arith.addf %logistic3A_49, %logistic3A_47 : vector<512x1xf32>
    %logistic3A_51 = arith.divf %logistic3A_49, %logistic3A_50 : vector<512x1xf32>
    %swap3A = arith.constant 0 : index
    %swap3A_52 = arith.constant 0 : index
    %swap3A_53 = arith.constant 0 : index
    %swap3A_54 = vector.load %arg11[%swap3A, %swap3A_52, %swap3A_53] : memref<1x512x1xf32, #tpu.memory_space<vmem>>, vector<1x512x1xf32>
    %swap3A_55 = vector.shape_cast %swap3A_54 : vector<1x512x1xf32> to vector<512x1xf32>
    %swap3A_56 = vector.shape_cast %logistic3A_51 : vector<512x1xf32> to vector<1x512x1xf32>
    tpu.vector_store %arg11[%swap3A, %swap3A_52, %swap3A_53], %swap3A_56 {strides = array<i32>} : memref<1x512x1xf32, #tpu.memory_space<vmem>>, vector<1x512x1xf32>,
    %reduce_max3A = arith.constant dense<0xFF800000> : vector<128xf32>
    %reduce_max3A_57 = vector.multi_reduction <maximumf>, %max3A_36, %reduce_max3A [0] : vector<512x128xf32> to vector<128xf32>
    %eq3A = arith.constant 0 : i32
    %eq3A_58 = arith.cmpi eq, %arg1, %eq3A : i32
    %convert_element_type3A = arith.extui %eq3A_58 : i1 to i32
    %cond3A = arith.constant 0 : i32
    %cond3A_59 = arith.cmpi ne, %convert_element_type3A, %cond3A : i32
    scf.if %cond3A_59 {
      %swap3A_64 = arith.constant 0 : index
      %swap3A_65 = arith.constant 0 : index
      %swap3A_66 = arith.constant 0 : index
      %swap3A_67 = vector.load %arg12[%swap3A_64, %swap3A_65, %swap3A_66] : memref<1x1x128xf32, #tpu.memory_space<vmem>>, vector<1x1x128xf32>
      %swap3A_68 = vector.shape_cast %swap3A_67 : vector<1x1x128xf32> to vector<128xf32>
      %swap3A_69 = vector.shape_cast %reduce_max3A_57 : vector<128xf32> to vector<1x1x128xf32>
      tpu.vector_store %arg12[%swap3A_64, %swap3A_65, %swap3A_66], %swap3A_69 {strides = array<i32>} : memref<1x1x128xf32, #tpu.memory_space<vmem>>, vector<1x1x128xf32>,
    } else {
    }
    %ne3A = arith.constant 0 : i32
    %ne3A_60 = arith.cmpi ne, %arg1, %ne3A : i32
    %convert_element_type3A_61 = arith.extui %ne3A_60 : i1 to i32
    %cond3A_62 = arith.constant 0 : i32
    %cond3A_63 = arith.cmpi ne, %convert_element_type3A_61, %cond3A_62 : i32
    scf.if %cond3A_63 {
      %get3A_64 = arith.constant 0 : index
      %get3A_65 = arith.constant 0 : index
      %get3A_66 = arith.constant 0 : index
      %get3A_67 = vector.load %arg12[%get3A_64, %get3A_65, %get3A_66] : memref<1x1x128xf32, #tpu.memory_space<vmem>>, vector<1x1x128xf32>
      %get3A_68 = vector.shape_cast %get3A_67 : vector<1x1x128xf32> to vector<128xf32>
      %max3A_69 = arith.maximumf %get3A_68, %reduce_max3A_57 : vector<128xf32>
      %swap3A_70 = arith.constant 0 : index
      %swap3A_71 = arith.constant 0 : index
      %swap3A_72 = arith.constant 0 : index
      %swap3A_73 = vector.load %arg12[%swap3A_70, %swap3A_71, %swap3A_72] : memref<1x1x128xf32, #tpu.memory_space<vmem>>, vector<1x1x128xf32>
      %swap3A_74 = vector.shape_cast %swap3A_73 : vector<1x1x128xf32> to vector<128xf32>
      %swap3A_75 = vector.shape_cast %max3A_69 : vector<128xf32> to vector<1x1x128xf32>
      tpu.vector_store %arg12[%swap3A_70, %swap3A_71, %swap3A_72], %swap3A_75 {strides = array<i32>} : memref<1x1x128xf32, #tpu.memory_space<vmem>>, vector<1x1x128xf32>,
    } else {
    }
    return
  }
  func.func @transform_0(%arg0: i32, %arg1: i32) -> (i32, i32, i32) {
    %c0_i32 = arith.constant 0 : i32
    %c0_i32_0 = arith.constant 0 : i32
    return %arg0, %arg1, %c0_i32 : i32, i32, i32
  }
  func.func @transform_1(%arg0: i32, %arg1: i32) -> (i32, i32, i32) {
    %c0_i32 = arith.constant 0 : i32
    %c0_i32_0 = arith.constant 0 : i32
    return %arg0, %arg1, %c0_i32 : i32, i32, i32
  }
  func.func @transform_2(%arg0: i32, %arg1: i32) -> (i32, i32, i32) {
    %c0_i32 = arith.constant 0 : i32
    %c0_i32_0 = arith.constant 0 : i32
    return %arg0, %arg1, %c0_i32 : i32, i32, i32
  }
  func.func @transform_3(%arg0: i32, %arg1: i32) -> (i32, i32) {
    %c0_i32 = arith.constant 0 : i32
    %c0_i32_0 = arith.constant 0 : i32
    %c0_i32_1 = arith.constant 0 : i32
    return %c0_i32, %c0_i32_0 : i32, i32
  }
  func.func @transform_4(%arg0: i32, %arg1: i32) -> (i32, i32) {
    %c0_i32 = arith.constant 0 : i32
    %c0_i32_0 = arith.constant 0 : i32
    %c0_i32_1 = arith.constant 0 : i32
    return %c0_i32, %c0_i32_0 : i32, i32
  }
  func.func @transform_5(%arg0: i32, %arg1: i32) -> (i32, i32) {
    %c0_i32 = arith.constant 0 : i32
    %c0_i32_0 = arith.constant 0 : i32
    %c0_i32_1 = arith.constant 0 : i32
    return %c0_i32, %c0_i32_0 : i32, i32
  }
  func.func @transform_6(%arg0: i32, %arg1: i32) -> (i32, i32) {
    %c0_i32 = arith.constant 0 : i32
    %c0_i32_0 = arith.constant 0 : i32
    %c0_i32_1 = arith.constant 0 : i32
    return %c0_i32, %c0_i32_0 : i32, i32
  }
  func.func @transform_7(%arg0: i32, %arg1: i32) -> (i32, i32) {
    %c0_i32 = arith.constant 0 : i32
    %c0_i32_0 = arith.constant 0 : i32
    %c0_i32_1 = arith.constant 0 : i32
    return %c0_i32, %c0_i32_0 : i32, i32
  }
  func.func @transform_8(%arg0: i32, %arg1: i32) -> (i32, i32) {
    %c0_i32 = arith.constant 0 : i32
    %c0_i32_0 = arith.constant 0 : i32
    %c0_i32_1 = arith.constant 0 : i32
    return %c0_i32, %c0_i32_0 : i32, i32
  }
  func.func @transform_9(%arg0: i32, %arg1: i32) -> (i32, i32, i32) {
    %c0_i32 = arith.constant 0 : i32
    %c0_i32_0 = arith.constant 0 : i32
    return %arg0, %arg1, %c0_i32 : i32, i32, i32
  }
  func.func @transform_10(%arg0: i32, %arg1: i32) -> (i32, i32, i32) {
    %c0_i32 = arith.constant 0 : i32
    %c0_i32_0 = arith.constant 0 : i32
    %c0_i32_1 = arith.constant 0 : i32
    return %arg0, %c0_i32, %c0_i32_0 : i32, i32, i32
  }
}

module attributes {stable_mosaic.version = 14 : i64} {
  func.func @_grasp_body(%arg0: memref<2000x32xf32, #tpu.memory_space<vmem>>, %arg1: memref<2000x128xf32, #tpu.memory_space<vmem>>, %arg2: memref<2000x512xf32, #tpu.memory_space<vmem>>, %arg3: memref<2000x128xf32, #tpu.memory_space<vmem>>, %arg4: memref<2000x3xf32, #tpu.memory_space<vmem>>, %arg5: memref<803x64xf32, #tpu.memory_space<vmem>>, %arg6: memref<1x64xf32, #tpu.memory_space<vmem>>, %arg7: memref<64x16xf32, #tpu.memory_space<vmem>>, %arg8: memref<1x16xf32, #tpu.memory_space<vmem>>, %arg9: memref<2000x16xf32, #tpu.memory_space<vmem>>) attributes {dimension_semantics = [], scalar_prefetch = 0 : i64, scratch_operands = 0 : i64, tpu.core_type = #tpu.core_type<tc>} {
    %get3A = arith.constant 0 : index
    %get3A_0 = arith.constant 0 : index
    %get3A_1 = vector.load %arg0[%get3A, %get3A_0] : memref<2000x32xf32, #tpu.memory_space<vmem>>, vector<2000x32xf32>
    %get3A_2 = arith.constant 0 : index
    %get3A_3 = arith.constant 0 : index
    %get3A_4 = vector.load %arg1[%get3A_2, %get3A_3] : memref<2000x128xf32, #tpu.memory_space<vmem>>, vector<2000x128xf32>
    %get3A_5 = arith.constant 0 : index
    %get3A_6 = arith.constant 0 : index
    %get3A_7 = vector.load %arg2[%get3A_5, %get3A_6] : memref<2000x512xf32, #tpu.memory_space<vmem>>, vector<2000x512xf32>
    %get3A_8 = arith.constant 0 : index
    %get3A_9 = arith.constant 0 : index
    %get3A_10 = vector.load %arg3[%get3A_8, %get3A_9] : memref<2000x128xf32, #tpu.memory_space<vmem>>, vector<2000x128xf32>
    %get3A_11 = arith.constant 0 : index
    %get3A_12 = arith.constant 0 : index
    %get3A_13 = vector.load %arg4[%get3A_11, %get3A_12] : memref<2000x3xf32, #tpu.memory_space<vmem>>, vector<2000x3xf32>
    %concatenate3A = tpu.concatenate %get3A_1, %get3A_4, %get3A_7, %get3A_10, %get3A_13 in 1 : vector<2000x32xf32>, vector<2000x128xf32>, vector<2000x512xf32>, vector<2000x128xf32>, vector<2000x3xf32> -> vector<2000x803xf32>
    %get3A_14 = arith.constant 0 : index
    %get3A_15 = arith.constant 0 : index
    %get3A_16 = vector.load %arg5[%get3A_14, %get3A_15] : memref<803x64xf32, #tpu.memory_space<vmem>>, vector<803x64xf32>
    %dot_general3A = arith.constant dense<0.000000e+00> : vector<2000x64xf32>
    %dot_general3A_17 = tpu.matmul %concatenate3A, %get3A_16, %dot_general3A {dimension_numbers = #tpu.dot_dimension_numbers<[1], [0], [0], [1], [0, 0, 1, 1], [], []>, transpose_lhs_hint = false} : vector<2000x803xf32>, vector<803x64xf32>, vector<2000x64xf32> -> vector<2000x64xf32>
    %get3A_18 = arith.constant 0 : index
    %get3A_19 = arith.constant 0 : index
    %get3A_20 = vector.load %arg6[%get3A_18, %get3A_19] : memref<1x64xf32, #tpu.memory_space<vmem>>, vector<1x64xf32>
    %add3A = vector.broadcast %get3A_20 : vector<1x64xf32> to vector<2000x64xf32>
    %add3A_21 = arith.addf %dot_general3A_17, %add3A : vector<2000x64xf32>
    %max3A = arith.constant 0.000000e+00 : f32
    %max3A_22 = vector.broadcast %max3A : f32 to vector<2000x64xf32>
    %max3A_23 = arith.maximumf %add3A_21, %max3A_22 : vector<2000x64xf32>
    %get3A_24 = arith.constant 0 : index
    %get3A_25 = arith.constant 0 : index
    %get3A_26 = vector.load %arg7[%get3A_24, %get3A_25] : memref<64x16xf32, #tpu.memory_space<vmem>>, vector<64x16xf32>
    %dot_general3A_27 = arith.constant dense<0.000000e+00> : vector<2000x16xf32>
    %dot_general3A_28 = tpu.matmul %max3A_23, %get3A_26, %dot_general3A_27 {dimension_numbers = #tpu.dot_dimension_numbers<[1], [0], [0], [1], [0, 0, 1, 1], [], []>, transpose_lhs_hint = false} : vector<2000x64xf32>, vector<64x16xf32>, vector<2000x16xf32> -> vector<2000x16xf32>
    %get3A_29 = arith.constant 0 : index
    %get3A_30 = arith.constant 0 : index
    %get3A_31 = vector.load %arg8[%get3A_29, %get3A_30] : memref<1x16xf32, #tpu.memory_space<vmem>>, vector<1x16xf32>
    %add3A_32 = vector.broadcast %get3A_31 : vector<1x16xf32> to vector<2000x16xf32>
    %add3A_33 = arith.addf %dot_general3A_28, %add3A_32 : vector<2000x16xf32>
    %swap3A = arith.constant 0 : index
    %swap3A_34 = arith.constant 0 : index
    %swap3A_35 = vector.load %arg9[%swap3A, %swap3A_34] : memref<2000x16xf32, #tpu.memory_space<vmem>>, vector<2000x16xf32>
    tpu.vector_store %arg9[%swap3A, %swap3A_34], %add3A_33 {strides = array<i32>} : memref<2000x16xf32, #tpu.memory_space<vmem>>, vector<2000x16xf32>,
    return
  }
}

</mosaic_0001>

<sc_bundles>
// kernel: kernel.16.cloned.1.call-start
scs
__scs_entry_jumppad:
0x0: {  	(pc) =	sbr.rel $0x88, $3  }
0x1: {  	(tag) =	ssettag $0x0;
	lr =	simm.s32 $0x1  }
0x2: {  	[smem:$0x3F83] =	sst lr;
	_ =	strace $0xD0000000  }
0x3: {  	_ = 	snop  }
0x4: {  	_ = 	snop  }
0x5: {  	_ = 	snop  }
0x6: {  	_ = 	snop  }
0x7: {  	_ = 	snop  }
__scs_overlays_trampoline_lowered:
0x8: {  	[smem:$0x3F92] =	sst s0  }
0x9: {  	[smem:$0x3F93] =	sst s1  }
0xa: {  	[smem:$0x3F94] =	sst s2  }
0xb: {  	[smem:$0x3F95] =	sst s3  }
0xc: {  	[smem:$0x3F96] =	sst s4  }
0xd: {  	[smem:$0x3F97] =	sst s5  }
0xe: {  	[smem:$0x3F98] =	sst s6  }
0xf: {  	[smem:$0x3F99] =	sst s7  }
0x10: {  	[smem:$0x3F9A] =	sst s8  }
0x11: {  	[smem:$0x3F9B] =	sst s9;
	s0 =	simm.s32 @!p0 $0x0  }
0x12: {  	s1 =	sld [smem:$0x3F81];
	s0 =	simm.s32 @p0 $0x1  }
0x13: {  	[smem:$0x3F9C] =	sst s0;
	s0 =	simm.s32 @!p1 $0x0  }
0x14: {  	s2 =	sld [smem:$0x3F80];
	s0 =	simm.s32 @p1 $0x1  }
0x15: {  	[smem:$0x3F9D] =	sst s0;
	s0 =	simm.s32 @!p2 $0x0  }
0x16: {  	s3 =	sld [smem:$0x3FDB];
	s0 =	simm.s32 @p2 $0x1  }
0x17: {  	s4 =	simm.s32 $0x1BF5;
	[smem:$0x3F9F] =	sst s0  }
0x18: {  	s0 =	sld [smem:$0x3F82];
	_ =	swait.ge [sflag:s4], $0x0  }
0x19: {  	s7 =	sld [smem:$0x3F83]  }
0x1a: {  	s8 =	sadd.s32 $0xFFFFE003, lr  }
0x1b: {  	s9 =	sadd.s32 $0xFFFFFEF7, lr;
	s5 =	simm.s32 $0xFFFFFFFF;
	p2 =	slt.u32 s8, $0xFFFFF086  }
0x1c: {  	p1 =	slt.u32 s9, $0xF7A;
	s5 =	simm.s32 @!p2 $0x0  }
0x1d: {  	s5 =	simm.s32 @p1 $0x1;
	p0 =	seq.s32 s7, s2  }
0x1e: {  	s7 =	smul.u32 @!p0 $0xF7A, s2;
	p2 =	seq.s32 @!p0 s5, $0x0  }
0x1f: {  	s9 =	smul.u32 $0xF7A, s1;
	s8 =	simm.s32 @!p0 $0x1BF5;
	p2 =	por !p2, p0  }
0x20: {  	[sflag:s8] =	ssyncset.s32 @!p0 $0xFFFFF086;
	s6 =	sadd.s32 @!p0 s3, s7;
	s7 =	simm.s32 @!p0 $0x108  }
0x21: {  	s3 =	sadd.s32 s3, s9;
	s6 =	sadd.s32 @!p0 $0x88, s6;
	s7 =	simm.s32 @p2 $0x1082  }
0x22: {  	[simem:s7], [sflag:s8] =	dma.local @!p0 [hbm:s6], $0xF7A  }
0x23: {  	s9 =	sor.u32 $0xD0000000, s2;
	s6 =	simm.s32 $0x108;
	_ =	swait.ge @!p0 [sflag:s8], $0x0  }
0x24: {  	s3 =	sadd.s32 $0x88, s3;
	s6 =	simm.s32 @!p1 $0x1082;
	[sflag:s4] =	ssyncset.s32 $0xFFFFF086  }
0x25: {  	[simem:s6], [sflag:s4] =	dma.local [hbm:s3], $0xF7A  }
0x26: {  	[smem:$0x3F83] =	sst s1;
	(tag) =	ssettag s2;
	_ =	strace s9  }
0x27: {  	s1 =	sld [smem:$0x3F93]  }
0x28: {  	s2 =	sld [smem:$0x3F94]  }
0x29: {  	s4 =	sld [smem:$0x3F96]  }
0x2a: {  	p0 =	seq.s32 s5, $0x0;
	s5 =	sld [smem:$0x3F97]  }
0x2b: {  	s6 =	sld [smem:$0x3F98]  }
0x2c: {  	s7 =	sld [smem:$0x3F99]  }
0x2d: {  	s3 =	simm.s32 $0x108;
	s8 =	sld [smem:$0x3F9A]  }
0x2e: {  	s3 =	simm.s32 @!p0 $0x1082;
	s9 =	sld [smem:$0x3F9B]  }
0x2f: {  	lr =	sadd.s32 s0, s3;
	s0 =	sld [smem:$0x3F92]  }
0x30: {  	s3 =	sld [smem:$0x3F95]  }
0x31: {  	[smem:$0x3F9E] =	sst s10  }
0x32: {  	s10 =	sld [smem:$0x3F9C];
	_ =	sdelay $0x3  }
0x33: {  	p0 =	seq.s32 s10, $0x1;
	s10 =	sld [smem:$0x3F9E];
	_ =	sdelay $0x3  }
0x34: {  	[smem:$0x3F9E] =	sst s10  }
0x35: {  	s10 =	sld [smem:$0x3F9D];
	_ =	sdelay $0x3  }
0x36: {  	p1 =	seq.s32 s10, $0x1;
	s10 =	sld [smem:$0x3F9E];
	_ =	sdelay $0x3  }
0x37: {  	[smem:$0x3F9E] =	sst s10  }
0x38: {  	s10 =	sld [smem:$0x3F9F]  }
0x39: {  	_ = 	snop;
	(pc) =	sbr.ind lr, $3  }
0x3a: {  	_ = 	snop  }
0x3b: {  	_ = 	snop  }
0x3c: {  	p2 =	seq.s32 s10, $0x1;
	s10 =	sld [smem:$0x3F9E]  }
0x3d: {  	_ =	shalt  }
0x3e: {  	_ =	shalt  }
0x3f: {  	_ =	shalt  }
0x40: {  	_ =	shalt  }
0x41: {  	_ =	shalt  }
0x42: {  	_ =	shalt  }
0x43: {  	_ =	shalt  }
0x44: {  	_ =	shalt  }
0x45: {  	_ =	shalt  }
0x46: {  	_ =	shalt  }
0x47: {  	_ =	shalt  }
0x48: {  	_ =	shalt  }
0x49: {  	_ =	shalt  }
0x4a: {  	_ =	shalt  }
0x4b: {  	_ =	shalt  }
0x4c: {  	_ =	shalt  }
0x4d: {  	_ =	shalt  }
0x4e: {  	_ =	shalt  }
0x4f: {  	_ =	shalt  }
0x50: {  	_ =	shalt  }
0x51: {  	_ =	shalt  }
0x52: {  	_ =	shalt  }
0x53: {  	_ =	shalt  }
0x54: {  	_ =	shalt  }
0x55: {  	_ =	shalt  }
0x56: {  	_ =	shalt  }
0x57: {  	_ =	shalt  }
0x58: {  	_ =	shalt  }
0x59: {  	_ =	shalt  }
0x5a: {  	_ =	shalt  }
0x5b: {  	_ =	shalt  }
0x5c: {  	_ =	shalt  }
0x5d: {  	_ =	shalt  }
0x5e: {  	_ =	shalt  }
0x5f: {  	_ =	shalt  }
0x60: {  	_ =	shalt  }
0x61: {  	_ =	shalt  }
0x62: {  	_ =	shalt  }
0x63: {  	_ =	shalt  }
0x64: {  	_ =	shalt  }
0x65: {  	_ =	shalt  }
0x66: {  	_ =	shalt  }
0x67: {  	_ =	shalt  }
0x68: {  	_ =	shalt  }
0x69: {  	_ =	shalt  }
0x6a: {  	_ =	shalt  }
0x6b: {  	_ =	shalt  }
0x6c: {  	_ =	shalt  }
0x6d: {  	_ =	shalt  }
0x6e: {  	_ =	shalt  }
0x6f: {  	_ =	shalt  }
0x70: {  	_ =	shalt  }
0x71: {  	_ =	shalt  }
0x72: {  	_ =	shalt  }
0x73: {  	_ =	shalt  }
0x74: {  	_ =	shalt  }
0x75: {  	_ =	shalt  }
0x76: {  	_ =	shalt  }
0x77: {  	_ =	shalt  }
0x78: {  	_ =	shalt  }
0x79: {  	_ =	shalt  }
0x7a: {  	_ =	shalt  }
0x7b: {  	_ =	shalt  }
0x7c: {  	_ =	shalt  }
0x7d: {  	_ =	shalt  }
0x7e: {  	_ =	shalt  }
0x7f: {  	_ =	shalt  }
0x80: {  	_ =	shalt  }
0x81: {  	_ =	shalt  }
0x82: {  	_ =	shalt  }
0x83: {  	_ =	shalt  }
0x84: {  	_ =	shalt  }
0x85: {  	_ =	shalt  }
0x86: {  	_ =	shalt  }
0x87: {  	_ =	shalt  }
.Lfunc_end0:
.L_simem_size_0:
called_computation_lowered:
.L_overlay_start_0:
0x88: {  	s2 =	sld [smem:$0x3FD9]  }
0x89: {  	s3 =	sld [smem:$0x3FFE];
	_ =	sdelay $0x1  }
0x8a: {  	s1 =	srdreg.scid  }
0x8b: {  	s0 =	sand.u32 $0x1, s1  }
0x8c: {  	s16 =	sshll.u32 s0, $0xA;
	s2 =	sadd.s32 s3, s2  }
0x8d: {  	s2 =	sadd.s32 s2, s16  }
0x8e: {  	[smem:$0x3FAA] =	sst s2  }
0x8f: {  	_ = 	snop  }
0x90: {  	(tm) =	ssettm $0x1  }
0x91: {  	s17 =	sld [smem:$0x3FFB];
	_ =	sdelay $0x3  }
0x92: {  	_ =	strace s17  }
0x93: {  	s2 =	sld [smem:$0x3FFC];
	_ =	sdelay $0x3  }
0x94: {  	_ =	strace s2  }
0x95: {  	s2 =	sld [smem:$0x3FFD];
	_ =	sdelay $0x3  }
0x96: {  	_ =	strace s2  }
0x97: {  	_ =	strace $0x8FFFFFFF  }
0x98: {  	s18 =	sld [smem:$0x3FDB];
	_ =	sdelay $0x1  }
0x99: {  	s19 =	simm.s32 $_scs_section_size  }
0x9a: {  	s4 =	simm.s32 $_size__tile_overlayer_lowered;
	s5 =	simm.s32 $_tile_overlayer_lowered  }
0x9b: {  	s22 =	simm.s32 $0x1BFF;
	s21 =	sshll.u32 s5, $0x1;
	s2 =	sadd.s32 s19, s18  }
0x9c: {  	s6 =	simm.s32 $0x0;
	s20 =	sshll.u32 s4, $0x1;
	s4 =	sadd.s32 s21, s2  }
0x9d: {  	[timem:s6], [sflag:s22] =	dma.local [hbm:s4], s20  }
0x9e: {  	_ =	swait.ge [sflag:s22], s20  }
0x9f: {  	s3 =	ssub.s32 $0x0, s20;
	[sflag:s22] =	ssyncset.done $0x0  }
0xa0: {  	[sflag:s22] =	ssyncadd.s32 s3;
	_ =	sdelay $0x1  }
0xa1: {  	s23 =	simm.s32 $0x1B8B  }
0xa2: {  	_ =	swait.ge [sflag:s23], $0x1  }
0xa3: {  	[sflag:s23] =	ssyncset.done $0x0  }
0xa4: {  	s25 =	simm.s32 $0x1B8E;
	s24 =	sld [smem:$0x3FFE];
	[sflag:s23] =	ssyncadd.s32 $0xFFFFFFFF  }
0xa5: {  	s26 =	simm.s32 $execute0_lowered;
	[smem:$0x3FD2] =	sst s25  }
0xa6: {  	s4 =	sshll.u32 s26, $0x1;
	_ =	strace $0x80000046;
	[dreg:$0x1] =	wrdreg $0xFFFFFFFF  }
0xa7: {  	s28 =	simm.s32 $_size_execute0_lowered;
	s2 =	sadd.s32 s2, s4;
	[dreg:$0x0] =	wrdreg $0x0  }
0xa8: {  	s4 =	sshll.u32 s28, $0x1;
	[dreg:$0x2] =	wrdreg s2  }
0xa9: {  	[dreg:$0x3] =	wrdreg s4  }
0xaa: {  	[dreg:$0x4] =	wrdreg $0xC0  }
0xab: {  	_ =	task [dreg:s6], $0x5FFFF  }
0xac: {  	[dreg:$0x1] =	wrdreg $0xFFFFFFFF  }
0xad: {  	[dreg:$0x0] =	wrdreg $0x60  }
0xae: {  	[dreg:$0x2] =	wrdreg s24  }
0xaf: {  	[dreg:$0x3] =	wrdreg $0x9  }
0xb0: {  	_ =	task.clear_ibuf [dreg:s6], $0x4FFFF;
	_ =	strace $0x90000046  }
0xb1: {  	s29 =	simm.s32 $0x9;
	_ =	strace $0x80000048  }
0xb2: {  	_ =	swait.ge [sflag:s29], $0x1  }
0xb3: {  	[sflag:s29] =	ssyncadd.s32 $0xFFFFFFFF  }
0xb4: {  	_ =	strace $0x90000048  }
0xb5: {  	_ =	sfence  }
0xb6: {  	s30 =	sld [smem:$0x0];
	_ =	sdelay $0x2  }
0xb7: {  	s31 =	sshll.u32 s1, $0xD;
	s1 =	sshrl.u32 s1, $0x2  }
0xb8: {  	s3 =	sand.u32 $0x4000, s31;
	s1 =	sadd.s32 s1, s30  }
0xb9: {  	s0 =	sor.u32 s3, s0;
	s1 =	sshll.u32 s1, $0x11  }
0xba: {  	s0 =	sor.u32 s1, s0  }
0xbb: {  	s0 =	sadd.s32 $0x8F2B, s0  }
0xbc: {  	[sflag:s0] =	ssyncadd.remote.s32 $0x1  }
0xbd: {  	_ =	sfence.sel $0xFFFF  }
0xbe: {  	[dreg:$0x0] =	wrdreg $0xFFFFFFFF;
	(pc) =	sbr.abs _section_cstart, $3  }
0xbf: {  	[dreg:$0x1] =	wrdreg $0xFFFFFFFF  }
0xc0: {  	_ =	task.clear_ibuf [dreg:s6], $0x2FFFF;
	_ =	strace $0x9FFFFFFF  }
0xc1: {  	(tm) =	ssettm $0x7FFFFFFF  }
tec
execute0_lowered:
.L_overlay_start_1:
0x0: {  	(tag) =	ssettag $0x1  }
0x1: {  	s1 =	srdreg.scid  }
0x2: {  	s0 =	stileid.u32;
	s10 =	sand.u32 $0x1, s1  }
0x3: {  	s8 =	rddreg [dreg:$0x0];
	s3 =	sshll.u32 s0, $0xD;
	s4 =	sshll.u32 s10, $0xC  }
0x4: {  	s2 =	simm.s32 $0x0;
	s1 =	rddreg [dreg:$0x1];
	s9 =	sor.u32 s4, s3  }
0x5: {  	[smem:$0x7FF] =	sst s2;
	s11 =	sadd.s32 $0x1400, s8;
	s3 =	sshrl.u32 s9, $0x3  }
0x6: {  	_ =	strace $0x80000047;
	s4 =	sadd.s32 s11, s3;
	s3 =	simm.s32 $0x2  }
0x7: {  	[tilespmem:s2], [sflag:$0x2] =	stream.linear.gather [hbm4b:s4+s2], $0x800, $0x38;
	[tilespmem:$0x8800] =	vst v63  }
0x8: {  	_ =	swait.ge [sflag:s3], $0x800  }
0x9: {  	s6 =	simm.s32 $0x800;
	[sflag:s3] =	ssyncset.done $0x0  }
0xa: {  	s7 =	simm.s32 $0x1;
	s5 =	sadd.s32 $0x5400, s8;
	[sflag:s3] =	ssyncadd.s32 $0xFFFFF800  }
0xb: {  	[tilespmem:s6], [sflag:$0x1] =	stream.indirect.gather [hbm4b:s5+s6], $0x10, s2, s6, $0xb8;
	[tilespmem:$0x8800] =	vst v63  }
0xc: {  	_ =	swait.ge [sflag:s7], $0x8000  }
0xd: {  	s12 =	sadd.s32 $0x9400, s8;
	s29 =	sshll.u32 s9, $0x1;
	[sflag:s7] =	ssyncset.done $0x0  }
0xe: {  	s8 =	sadd.s32 s12, s29;
	[sflag:s7] =	ssyncadd.s32 $0xFFFF8000  }
0xf: {  	[hbm4b:s8+s2] =	stream.linear.scatter [tilespmem:s6], [sflag:$0x2], $0x8000, $0x38;
	[tilespmem:$0x8800] =	vst v63  }
0x10: {  	s13 =	sor.u32 $0x800, s9;
	_ =	swait.ge [sflag:s3], $0x8000  }
0x11: {  	s9 =	sshrl.u32 s13, $0x3;
	[sflag:s3] =	ssyncset.done $0x0  }
0x12: {  	s10 =	ssub.s32 $0x2, s10;
	s9 =	sadd.s32 s11, s9;
	[sflag:s3] =	ssyncadd.s32 $0xFFFF8000  }
0x13: {  	[tilespmem:s2], [sflag:$0x2] =	stream.linear.gather [hbm4b:s9+s2], $0x800, $0x38;
	[tilespmem:$0x8800] =	vst v63  }
0x14: {  	s30 =	sshrl.u32 s10, $0x1;
	_ =	swait.ge [sflag:s3], $0x800  }
0x15: {  	s11 =	ssub.s32 s10, s30;
	[sflag:s3] =	ssyncset.done $0x0  }
0x16: {  	s11 =	smax.u32 s11, $0x1;
	[sflag:s3] =	ssyncadd.s32 $0xFFFFF800  }
0x17: {  	[tilespmem:s6], [sflag:$0x1] =	stream.indirect.gather [hbm4b:s5+s6], $0x10, s2, s6, $0xb8;
	[tilespmem:$0x8800] =	vst v63  }
0x18: {  	p0 =	sne.s32 s11, $0x1;
	_ =	swait.ge [sflag:s7], $0x8000  }
.Ltmp0:
0x19: {  	s31 =	sshll.u32 s13, $0x1;
	[sflag:s7] =	ssyncset.done $0x0;
	(pc) =	sbr.rel @!p0 .LBB2_2-.Ltmp0, $4  }
0x1a: {  	s10 =	sadd.s32 s12, s31;
	[sflag:s7] =	ssyncadd.s32 $0xFFFF8000  }
0x1b: {  	[hbm4b:s10+s2] =	stream.linear.scatter [tilespmem:s6], [sflag:$0x2], $0x8000, $0x38;
	[tilespmem:$0x8800] =	vst v63  }
0x1c: {  	_ =	swait.ge [sflag:s3], $0x8000  }
0x1d: {  	s11 =	sadd.s32 $0xFFFFFFFF, s11;
	[sflag:s3] =	ssyncset.done $0x0  }
.LBB2_1:
0x1e: {  	p0 =	sne.s32 s11, $0x1;
	s11 =	sadd.s32 $0xFFFFFFFF, s11;
	[sflag:s3] =	ssyncadd.s32 $0xFFFF8000  }
0x1f: {  	[tilespmem:s2], [sflag:$0x2] =	stream.linear.gather [hbm4b:s4+s2], $0x800, $0x38;
	[tilespmem:$0x8800] =	vst v63  }
0x20: {  	_ =	swait.ge [sflag:s3], $0x800  }
0x21: {  	[sflag:s3] =	ssyncset.done $0x0  }
0x22: {  	[sflag:s3] =	ssyncadd.s32 $0xFFFFF800  }
0x23: {  	[tilespmem:s6], [sflag:$0x1] =	stream.indirect.gather [hbm4b:s5+s6], $0x10, s2, s6, $0xb8;
	[tilespmem:$0x8800] =	vst v63  }
0x24: {  	_ =	swait.ge [sflag:s7], $0x8000  }
0x25: {  	[sflag:s7] =	ssyncset.done $0x0  }
0x26: {  	[sflag:s7] =	ssyncadd.s32 $0xFFFF8000  }
0x27: {  	[hbm4b:s8+s2] =	stream.linear.scatter [tilespmem:s6], [sflag:$0x2], $0x8000, $0x38;
	[tilespmem:$0x8800] =	vst v63  }
0x28: {  	_ =	swait.ge [sflag:s3], $0x8000  }
0x29: {  	[sflag:s3] =	ssyncset.done $0x0  }
0x2a: {  	[sflag:s3] =	ssyncadd.s32 $0xFFFF8000  }
0x2b: {  	[tilespmem:s2], [sflag:$0x2] =	stream.linear.gather [hbm4b:s9+s2], $0x800, $0x38;
	[tilespmem:$0x8800] =	vst v63  }
0x2c: {  	_ =	swait.ge [sflag:s3], $0x800  }
0x2d: {  	[sflag:s3] =	ssyncset.done $0x0  }
0x2e: {  	[sflag:s3] =	ssyncadd.s32 $0xFFFFF800  }
0x2f: {  	[tilespmem:s6], [sflag:$0x1] =	stream.indirect.gather [hbm4b:s5+s6], $0x10, s2, s6, $0xb8;
	[tilespmem:$0x8800] =	vst v63  }
0x30: {  	_ =	swait.ge [sflag:s7], $0x8000  }
.Ltmp1:
0x31: {  	[sflag:s7] =	ssyncset.done $0x0;
	(pc) =	sbr.rel @p0 .LBB2_1-.Ltmp1, $4  }
0x32: {  	[sflag:s7] =	ssyncadd.s32 $0xFFFF8000  }
0x33: {  	[hbm4b:s10+s2] =	stream.linear.scatter [tilespmem:s6], [sflag:$0x2], $0x8000, $0x38;
	[tilespmem:$0x8800] =	vst v63  }
0x34: {  	_ =	swait.ge [sflag:s3], $0x8000  }
0x35: {  	[sflag:s3] =	ssyncset.done $0x0  }
.LBB2_2:
0x36: {  	[sflag:s3] =	ssyncadd.s32 $0xFFFF8000  }
0x37: {  	_ =	sfence.sel $0x180000  }
0x38: {  	[bflag:$0x0] =	sbarrier.arrive $0xFFFF  }
0x39: {  	p0 =	sne.s32 s0, $0x0;
	_ =	strace $0x90000047  }
0x3a: {  	s0 =	sadd.s32 @!p0 $0x100000, s1;
	[bflag:$0x2] =	sbarrier.arrive $0xFFFF  }
0x3b: {  	[sflag:s0] =	ssyncadd.tile.s32 @!p0 $0x1;
	_ =	shalt  }
.Lfunc_end2:
_tile_overlayer_lowered:
.L_overlay_start_2:
0x3c: {  	(tag) =	ssettag $0x2  }
0x3d: {  	s0 =	rddreg [dreg:$0x0];
	s2 =	stileid.u32  }
0x3e: {  	s1 =	rddreg [dreg:$0x1];
	p0 =	sne.s32 s2, $0x0  }
0x3f: {  	s3 =	rddreg [dreg:$0x2];
	[bflag:$0x3] =	sbarrier.arrive $0xFFFF;
	s2 =	simm.s32 @!p0 $0x1C02  }
0x40: {  	[timem:s3], [sflag:s2] =	dma.local @!p0 [hbm:s0], s1  }
0x41: {  	s0 =	simm.s32 @!p0 $0x2  }
0x42: {  	_ =	swait.ge @!p0 [sflag:s0], s1  }
0x43: {  	s1 =	ssub.s32 @!p0 $0x0, s1;
	[sflag:s0] =	ssyncset.done @!p0 $0x0  }
0x44: {  	[sflag:s0] =	ssyncadd.s32 @!p0 s1  }
0x45: {  	[bflag:$0x3] =	sbarrier.arrive $0xFFFF  }
0x46: {  	_ =	shalt  }

// kernel: kernel.19.cloned.1.call-start
scs
__scs_entry_jumppad:
0x0: {  	(pc) =	sbr.rel $0x88, $3  }
0x1: {  	(tag) =	ssettag $0x0;
	lr =	simm.s32 $0x1  }
0x2: {  	[smem:$0x3F83] =	sst lr;
	_ =	strace $0xD0000000  }
0x3: {  	_ = 	snop  }
0x4: {  	_ = 	snop  }
0x5: {  	_ = 	snop  }
0x6: {  	_ = 	snop  }
0x7: {  	_ = 	snop  }
__scs_overlays_trampoline_lowered:
0x8: {  	[smem:$0x3F92] =	sst s0  }
0x9: {  	[smem:$0x3F93] =	sst s1  }
0xa: {  	[smem:$0x3F94] =	sst s2  }
0xb: {  	[smem:$0x3F95] =	sst s3  }
0xc: {  	[smem:$0x3F96] =	sst s4  }
0xd: {  	[smem:$0x3F97] =	sst s5  }
0xe: {  	[smem:$0x3F98] =	sst s6  }
0xf: {  	[smem:$0x3F99] =	sst s7  }
0x10: {  	[smem:$0x3F9A] =	sst s8  }
0x11: {  	[smem:$0x3F9B] =	sst s9;
	s0 =	simm.s32 @!p0 $0x0  }
0x12: {  	s1 =	sld [smem:$0x3F81];
	s0 =	simm.s32 @p0 $0x1  }
0x13: {  	[smem:$0x3F9C] =	sst s0;
	s0 =	simm.s32 @!p1 $0x0  }
0x14: {  	s2 =	sld [smem:$0x3F80];
	s0 =	simm.s32 @p1 $0x1  }
0x15: {  	[smem:$0x3F9D] =	sst s0;
	s0 =	simm.s32 @!p2 $0x0  }
0x16: {  	s3 =	sld [smem:$0x3FDB];
	s0 =	simm.s32 @p2 $0x1  }
0x17: {  	s4 =	simm.s32 $0x1BF5;
	[smem:$0x3F9F] =	sst s0  }
0x18: {  	s0 =	sld [smem:$0x3F82];
	_ =	swait.ge [sflag:s4], $0x0  }
0x19: {  	s7 =	sld [smem:$0x3F83]  }
0x1a: {  	s8 =	sadd.s32 $0xFFFFE003, lr  }
0x1b: {  	s9 =	sadd.s32 $0xFFFFFEF7, lr;
	s5 =	simm.s32 $0xFFFFFFFF;
	p2 =	slt.u32 s8, $0xFFFFF086  }
0x1c: {  	p1 =	slt.u32 s9, $0xF7A;
	s5 =	simm.s32 @!p2 $0x0  }
0x1d: {  	s5 =	simm.s32 @p1 $0x1;
	p0 =	seq.s32 s7, s2  }
0x1e: {  	s7 =	smul.u32 @!p0 $0xF7A, s2;
	p2 =	seq.s32 @!p0 s5, $0x0  }
0x1f: {  	s9 =	smul.u32 $0xF7A, s1;
	s8 =	simm.s32 @!p0 $0x1BF5;
	p2 =	por !p2, p0  }
0x20: {  	[sflag:s8] =	ssyncset.s32 @!p0 $0xFFFFF086;
	s6 =	sadd.s32 @!p0 s3, s7;
	s7 =	simm.s32 @!p0 $0x108  }
0x21: {  	s3 =	sadd.s32 s3, s9;
	s6 =	sadd.s32 @!p0 $0x88, s6;
	s7 =	simm.s32 @p2 $0x1082  }
0x22: {  	[simem:s7], [sflag:s8] =	dma.local @!p0 [hbm:s6], $0xF7A  }
0x23: {  	s9 =	sor.u32 $0xD0000000, s2;
	s6 =	simm.s32 $0x108;
	_ =	swait.ge @!p0 [sflag:s8], $0x0  }
0x24: {  	s3 =	sadd.s32 $0x88, s3;
	s6 =	simm.s32 @!p1 $0x1082;
	[sflag:s4] =	ssyncset.s32 $0xFFFFF086  }
0x25: {  	[simem:s6], [sflag:s4] =	dma.local [hbm:s3], $0xF7A  }
0x26: {  	[smem:$0x3F83] =	sst s1;
	(tag) =	ssettag s2;
	_ =	strace s9  }
0x27: {  	s1 =	sld [smem:$0x3F93]  }
0x28: {  	s2 =	sld [smem:$0x3F94]  }
0x29: {  	s4 =	sld [smem:$0x3F96]  }
0x2a: {  	p0 =	seq.s32 s5, $0x0;
	s5 =	sld [smem:$0x3F97]  }
0x2b: {  	s6 =	sld [smem:$0x3F98]  }
0x2c: {  	s7 =	sld [smem:$0x3F99]  }
0x2d: {  	s3 =	simm.s32 $0x108;
	s8 =	sld [smem:$0x3F9A]  }
0x2e: {  	s3 =	simm.s32 @!p0 $0x1082;
	s9 =	sld [smem:$0x3F9B]  }
0x2f: {  	lr =	sadd.s32 s0, s3;
	s0 =	sld [smem:$0x3F92]  }
0x30: {  	s3 =	sld [smem:$0x3F95]  }
0x31: {  	[smem:$0x3F9E] =	sst s10  }
0x32: {  	s10 =	sld [smem:$0x3F9C];
	_ =	sdelay $0x3  }
0x33: {  	p0 =	seq.s32 s10, $0x1;
	s10 =	sld [smem:$0x3F9E];
	_ =	sdelay $0x3  }
0x34: {  	[smem:$0x3F9E] =	sst s10  }
0x35: {  	s10 =	sld [smem:$0x3F9D];
	_ =	sdelay $0x3  }
0x36: {  	p1 =	seq.s32 s10, $0x1;
	s10 =	sld [smem:$0x3F9E];
	_ =	sdelay $0x3  }
0x37: {  	[smem:$0x3F9E] =	sst s10  }
0x38: {  	s10 =	sld [smem:$0x3F9F]  }
0x39: {  	_ = 	snop;
	(pc) =	sbr.ind lr, $3  }
0x3a: {  	_ = 	snop  }
0x3b: {  	_ = 	snop  }
0x3c: {  	p2 =	seq.s32 s10, $0x1;
	s10 =	sld [smem:$0x3F9E]  }
0x3d: {  	_ =	shalt  }
0x3e: {  	_ =	shalt  }
0x3f: {  	_ =	shalt  }
0x40: {  	_ =	shalt  }
0x41: {  	_ =	shalt  }
0x42: {  	_ =	shalt  }
0x43: {  	_ =	shalt  }
0x44: {  	_ =	shalt  }
0x45: {  	_ =	shalt  }
0x46: {  	_ =	shalt  }
0x47: {  	_ =	shalt  }
0x48: {  	_ =	shalt  }
0x49: {  	_ =	shalt  }
0x4a: {  	_ =	shalt  }
0x4b: {  	_ =	shalt  }
0x4c: {  	_ =	shalt  }
0x4d: {  	_ =	shalt  }
0x4e: {  	_ =	shalt  }
0x4f: {  	_ =	shalt  }
0x50: {  	_ =	shalt  }
0x51: {  	_ =	shalt  }
0x52: {  	_ =	shalt  }
0x53: {  	_ =	shalt  }
0x54: {  	_ =	shalt  }
0x55: {  	_ =	shalt  }
0x56: {  	_ =	shalt  }
0x57: {  	_ =	shalt  }
0x58: {  	_ =	shalt  }
0x59: {  	_ =	shalt  }
0x5a: {  	_ =	shalt  }
0x5b: {  	_ =	shalt  }
0x5c: {  	_ =	shalt  }
0x5d: {  	_ =	shalt  }
0x5e: {  	_ =	shalt  }
0x5f: {  	_ =	shalt  }
0x60: {  	_ =	shalt  }
0x61: {  	_ =	shalt  }
0x62: {  	_ =	shalt  }
0x63: {  	_ =	shalt  }
0x64: {  	_ =	shalt  }
0x65: {  	_ =	shalt  }
0x66: {  	_ =	shalt  }
0x67: {  	_ =	shalt  }
0x68: {  	_ =	shalt  }
0x69: {  	_ =	shalt  }
0x6a: {  	_ =	shalt  }
0x6b: {  	_ =	shalt  }
0x6c: {  	_ =	shalt  }
0x6d: {  	_ =	shalt  }
0x6e: {  	_ =	shalt  }
0x6f: {  	_ =	shalt  }
0x70: {  	_ =	shalt  }
0x71: {  	_ =	shalt  }
0x72: {  	_ =	shalt  }
0x73: {  	_ =	shalt  }
0x74: {  	_ =	shalt  }
0x75: {  	_ =	shalt  }
0x76: {  	_ =	shalt  }
0x77: {  	_ =	shalt  }
0x78: {  	_ =	shalt  }
0x79: {  	_ =	shalt  }
0x7a: {  	_ =	shalt  }
0x7b: {  	_ =	shalt  }
0x7c: {  	_ =	shalt  }
0x7d: {  	_ =	shalt  }
0x7e: {  	_ =	shalt  }
0x7f: {  	_ =	shalt  }
0x80: {  	_ =	shalt  }
0x81: {  	_ =	shalt  }
0x82: {  	_ =	shalt  }
0x83: {  	_ =	shalt  }
0x84: {  	_ =	shalt  }
0x85: {  	_ =	shalt  }
0x86: {  	_ =	shalt  }
0x87: {  	_ =	shalt  }
.Lfunc_end0:
.L_simem_size_0:
called_computation.1_lowered:
.L_overlay_start_0:
0x88: {  	s2 =	sld [smem:$0x3FD9]  }
0x89: {  	s3 =	sld [smem:$0x3FFE];
	_ =	sdelay $0x1  }
0x8a: {  	s1 =	srdreg.scid  }
0x8b: {  	s0 =	sand.u32 $0x1, s1  }
0x8c: {  	s16 =	sshll.u32 s0, $0xA;
	s2 =	sadd.s32 s3, s2  }
0x8d: {  	s2 =	sadd.s32 s2, s16  }
0x8e: {  	[smem:$0x3FAA] =	sst s2  }
0x8f: {  	_ = 	snop  }
0x90: {  	(tm) =	ssettm $0x1  }
0x91: {  	s17 =	sld [smem:$0x3FFB];
	_ =	sdelay $0x3  }
0x92: {  	_ =	strace s17  }
0x93: {  	s2 =	sld [smem:$0x3FFC];
	_ =	sdelay $0x3  }
0x94: {  	_ =	strace s2  }
0x95: {  	s2 =	sld [smem:$0x3FFD];
	_ =	sdelay $0x3  }
0x96: {  	_ =	strace s2  }
0x97: {  	_ =	strace $0x8FFFFFFF  }
0x98: {  	s18 =	sld [smem:$0x3FDB];
	_ =	sdelay $0x1  }
0x99: {  	s19 =	simm.s32 $_scs_section_size  }
0x9a: {  	s4 =	simm.s32 $_size__tile_overlayer_lowered;
	s5 =	simm.s32 $_tile_overlayer_lowered  }
0x9b: {  	s22 =	simm.s32 $0x1BFF;
	s21 =	sshll.u32 s5, $0x1;
	s2 =	sadd.s32 s19, s18  }
0x9c: {  	s6 =	simm.s32 $0x0;
	s20 =	sshll.u32 s4, $0x1;
	s4 =	sadd.s32 s21, s2  }
0x9d: {  	[timem:s6], [sflag:s22] =	dma.local [hbm:s4], s20  }
0x9e: {  	_ =	swait.ge [sflag:s22], s20  }
0x9f: {  	s3 =	ssub.s32 $0x0, s20;
	[sflag:s22] =	ssyncset.done $0x0  }
0xa0: {  	[sflag:s22] =	ssyncadd.s32 s3;
	_ =	sdelay $0x1  }
0xa1: {  	s23 =	simm.s32 $0x1B8B  }
0xa2: {  	_ =	swait.ge [sflag:s23], $0x1  }
0xa3: {  	[sflag:s23] =	ssyncset.done $0x0  }
0xa4: {  	s25 =	simm.s32 $0x1B8E;
	s24 =	sld [smem:$0x3FFE];
	[sflag:s23] =	ssyncadd.s32 $0xFFFFFFFF  }
0xa5: {  	s26 =	simm.s32 $execute0_lowered;
	[smem:$0x3FD2] =	sst s25  }
0xa6: {  	s4 =	sshll.u32 s26, $0x1;
	_ =	strace $0x80000049;
	[dreg:$0x1] =	wrdreg $0xFFFFFFFF  }
0xa7: {  	s28 =	simm.s32 $_size_execute0_lowered;
	s2 =	sadd.s32 s2, s4;
	[dreg:$0x0] =	wrdreg $0x0  }
0xa8: {  	s4 =	sshll.u32 s28, $0x1;
	[dreg:$0x2] =	wrdreg s2  }
0xa9: {  	[dreg:$0x3] =	wrdreg s4  }
0xaa: {  	[dreg:$0x4] =	wrdreg $0xC0  }
0xab: {  	_ =	task [dreg:s6], $0x5FFFF  }
0xac: {  	[dreg:$0x1] =	wrdreg $0xFFFFFFFF  }
0xad: {  	[dreg:$0x0] =	wrdreg $0x60  }
0xae: {  	[dreg:$0x2] =	wrdreg s24  }
0xaf: {  	[dreg:$0x3] =	wrdreg $0x9  }
0xb0: {  	_ =	task.clear_ibuf [dreg:s6], $0x4FFFF;
	_ =	strace $0x90000049  }
0xb1: {  	s29 =	simm.s32 $0x9;
	_ =	strace $0x8000004B  }
0xb2: {  	_ =	swait.ge [sflag:s29], $0x1  }
0xb3: {  	[sflag:s29] =	ssyncadd.s32 $0xFFFFFFFF  }
0xb4: {  	_ =	strace $0x9000004B  }
0xb5: {  	_ =	sfence  }
0xb6: {  	s30 =	sld [smem:$0x0];
	_ =	sdelay $0x2  }
0xb7: {  	s31 =	sshll.u32 s1, $0xD;
	s1 =	sshrl.u32 s1, $0x2  }
0xb8: {  	s3 =	sand.u32 $0x4000, s31;
	s1 =	sadd.s32 s1, s30  }
0xb9: {  	s0 =	sor.u32 s3, s0;
	s1 =	sshll.u32 s1, $0x11  }
0xba: {  	s0 =	sor.u32 s1, s0  }
0xbb: {  	s0 =	sadd.s32 $0x8F2B, s0  }
0xbc: {  	[sflag:s0] =	ssyncadd.remote.s32 $0x1  }
0xbd: {  	_ =	sfence.sel $0xFFFF  }
0xbe: {  	[dreg:$0x0] =	wrdreg $0xFFFFFFFF;
	(pc) =	sbr.abs _section_cstart, $3  }
0xbf: {  	[dreg:$0x1] =	wrdreg $0xFFFFFFFF  }
0xc0: {  	_ =	task.clear_ibuf [dreg:s6], $0x2FFFF;
	_ =	strace $0x9FFFFFFF  }
0xc1: {  	(tm) =	ssettm $0x7FFFFFFF  }
tec
execute0_lowered:
.L_overlay_start_1:
0x0: {  	(tag) =	ssettag $0x1  }
0x1: {  	s1 =	srdreg.scid  }
0x2: {  	s0 =	stileid.u32;
	s14 =	sand.u32 $0x1, s1  }
0x3: {  	s8 =	rddreg [dreg:$0x0];
	s3 =	sshll.u32 s0, $0xD;
	s4 =	sshll.u32 s14, $0xC  }
0x4: {  	s2 =	simm.s32 $0x0;
	s1 =	rddreg [dreg:$0x1];
	s13 =	sor.u32 s4, s3  }
0x5: {  	[smem:$0x7FF] =	sst s2;
	s15 =	sadd.s32 $0x1400, s8;
	s3 =	sshrl.u32 s13, $0x3  }
0x6: {  	_ =	strace $0x8000004A;
	s4 =	sadd.s32 s15, s3;
	s3 =	simm.s32 $0x2  }
0x7: {  	[tilespmem:s2], [sflag:$0x2] =	stream.linear.gather [hbm4b:s4+s2], $0x400, $0x38;
	[tilespmem:$0x8400] =	vst v63  }
0x8: {  	_ =	swait.ge [sflag:s3], $0x400  }
0x9: {  	s6 =	simm.s32 $0x400;
	[sflag:s3] =	ssyncset.done $0x0  }
0xa: {  	s7 =	simm.s32 $0x1;
	s5 =	sadd.s32 $0x9400, s8;
	[sflag:s3] =	ssyncadd.s32 $0xFFFFFC00  }
0xb: {  	[tilespmem:s6], [sflag:$0x1] =	stream.indirect.gather [hbm4b:s5+s6], $0x20, s2, s6, $0xb8;
	[tilespmem:$0x8400] =	vst v63  }
0xc: {  	_ =	swait.ge [sflag:s7], $0x8000  }
0xd: {  	s16 =	sadd.s32 $0x11400, s8;
	s29 =	sshll.u32 s13, $0x2;
	[sflag:s7] =	ssyncset.done $0x0  }
0xe: {  	s8 =	sadd.s32 s16, s29;
	[sflag:s7] =	ssyncadd.s32 $0xFFFF8000  }
0xf: {  	[hbm4b:s8+s2] =	stream.linear.scatter [tilespmem:s6], [sflag:$0x2], $0x8000, $0x38;
	[tilespmem:$0x8400] =	vst v63  }
0x10: {  	s10 =	sor.u32 $0x400, s13;
	_ =	swait.ge [sflag:s3], $0x8000  }
0x11: {  	s9 =	sshrl.u32 s10, $0x3;
	[sflag:s3] =	ssyncset.done $0x0  }
0x12: {  	s9 =	sadd.s32 s15, s9;
	[sflag:s3] =	ssyncadd.s32 $0xFFFF8000  }
0x13: {  	[tilespmem:s2], [sflag:$0x2] =	stream.linear.gather [hbm4b:s9+s2], $0x400, $0x38;
	[tilespmem:$0x8400] =	vst v63  }
0x14: {  	_ =	swait.ge [sflag:s3], $0x400  }
0x15: {  	[sflag:s3] =	ssyncset.done $0x0  }
0x16: {  	[sflag:s3] =	ssyncadd.s32 $0xFFFFFC00  }
0x17: {  	[tilespmem:s6], [sflag:$0x1] =	stream.indirect.gather [hbm4b:s5+s6], $0x20, s2, s6, $0xb8;
	[tilespmem:$0x8400] =	vst v63  }
0x18: {  	_ =	swait.ge [sflag:s7], $0x8000  }
0x19: {  	s10 =	sshll.u32 s10, $0x2;
	[sflag:s7] =	ssyncset.done $0x0  }
0x1a: {  	s10 =	sadd.s32 s16, s10;
	[sflag:s7] =	ssyncadd.s32 $0xFFFF8000  }
0x1b: {  	[hbm4b:s10+s2] =	stream.linear.scatter [tilespmem:s6], [sflag:$0x2], $0x8000, $0x38;
	[tilespmem:$0x8400] =	vst v63  }
0x1c: {  	s12 =	sor.u32 $0x800, s13;
	_ =	swait.ge [sflag:s3], $0x8000  }
0x1d: {  	s11 =	sshrl.u32 s12, $0x3;
	[sflag:s3] =	ssyncset.done $0x0  }
0x1e: {  	s11 =	sadd.s32 s15, s11;
	[sflag:s3] =	ssyncadd.s32 $0xFFFF8000  }
0x1f: {  	[tilespmem:s2], [sflag:$0x2] =	stream.linear.gather [hbm4b:s11+s2], $0x400, $0x38;
	[tilespmem:$0x8400] =	vst v63  }
0x20: {  	_ =	swait.ge [sflag:s3], $0x400  }
0x21: {  	[sflag:s3] =	ssyncset.done $0x0  }
0x22: {  	[sflag:s3] =	ssyncadd.s32 $0xFFFFFC00  }
0x23: {  	[tilespmem:s6], [sflag:$0x1] =	stream.indirect.gather [hbm4b:s5+s6], $0x20, s2, s6, $0xb8;
	[tilespmem:$0x8400] =	vst v63  }
0x24: {  	_ =	swait.ge [sflag:s7], $0x8000  }
0x25: {  	s12 =	sshll.u32 s12, $0x2;
	[sflag:s7] =	ssyncset.done $0x0  }
0x26: {  	s12 =	sadd.s32 s16, s12;
	[sflag:s7] =	ssyncadd.s32 $0xFFFF8000  }
0x27: {  	[hbm4b:s12+s2] =	stream.linear.scatter [tilespmem:s6], [sflag:$0x2], $0x8000, $0x38;
	[tilespmem:$0x8400] =	vst v63  }
0x28: {  	s17 =	sor.u32 $0xC00, s13;
	_ =	swait.ge [sflag:s3], $0x8000  }
0x29: {  	s13 =	sshrl.u32 s17, $0x3;
	[sflag:s3] =	ssyncset.done $0x0  }
0x2a: {  	s14 =	ssub.s32 $0x2, s14;
	s13 =	sadd.s32 s15, s13;
	[sflag:s3] =	ssyncadd.s32 $0xFFFF8000  }
0x2b: {  	[tilespmem:s2], [sflag:$0x2] =	stream.linear.gather [hbm4b:s13+s2], $0x400, $0x38;
	[tilespmem:$0x8400] =	vst v63  }
0x2c: {  	s30 =	sshrl.u32 s14, $0x1;
	_ =	swait.ge [sflag:s3], $0x400  }
0x2d: {  	s15 =	ssub.s32 s14, s30;
	[sflag:s3] =	ssyncset.done $0x0  }
0x2e: {  	s15 =	smax.u32 s15, $0x1;
	[sflag:s3] =	ssyncadd.s32 $0xFFFFFC00  }
0x2f: {  	[tilespmem:s6], [sflag:$0x1] =	stream.indirect.gather [hbm4b:s5+s6], $0x20, s2, s6, $0xb8;
	[tilespmem:$0x8400] =	vst v63  }
0x30: {  	p0 =	sne.s32 s15, $0x1;
	_ =	swait.ge [sflag:s7], $0x8000  }
.Ltmp0:
0x31: {  	s31 =	sshll.u32 s17, $0x2;
	[sflag:s7] =	ssyncset.done $0x0;
	(pc) =	sbr.rel @!p0 .LBB2_2-.Ltmp0, $4  }
0x32: {  	s14 =	sadd.s32 s16, s31;
	[sflag:s7] =	ssyncadd.s32 $0xFFFF8000  }
0x33: {  	[hbm4b:s14+s2] =	stream.linear.scatter [tilespmem:s6], [sflag:$0x2], $0x8000, $0x38;
	[tilespmem:$0x8400] =	vst v63  }
0x34: {  	_ =	swait.ge [sflag:s3], $0x8000  }
0x35: {  	s15 =	sadd.s32 $0xFFFFFFFF, s15;
	[sflag:s3] =	ssyncset.done $0x0  }
.LBB2_1:
0x36: {  	p0 =	sne.s32 s15, $0x1;
	s15 =	sadd.s32 $0xFFFFFFFF, s15;
	[sflag:s3] =	ssyncadd.s32 $0xFFFF8000  }
0x37: {  	[tilespmem:s2], [sflag:$0x2] =	stream.linear.gather [hbm4b:s4+s2], $0x400, $0x38;
	[tilespmem:$0x8400] =	vst v63  }
0x38: {  	_ =	swait.ge [sflag:s3], $0x400  }
0x39: {  	[sflag:s3] =	ssyncset.done $0x0  }
0x3a: {  	[sflag:s3] =	ssyncadd.s32 $0xFFFFFC00  }
0x3b: {  	[tilespmem:s6], [sflag:$0x1] =	stream.indirect.gather [hbm4b:s5+s6], $0x20, s2, s6, $0xb8;
	[tilespmem:$0x8400] =	vst v63  }
0x3c: {  	_ =	swait.ge [sflag:s7], $0x8000  }
0x3d: {  	[sflag:s7] =	ssyncset.done $0x0  }
0x3e: {  	[sflag:s7] =	ssyncadd.s32 $0xFFFF8000  }
0x3f: {  	[hbm4b:s8+s2] =	stream.linear.scatter [tilespmem:s6], [sflag:$0x2], $0x8000, $0x38;
	[tilespmem:$0x8400] =	vst v63  }
0x40: {  	_ =	swait.ge [sflag:s3], $0x8000  }
0x41: {  	[sflag:s3] =	ssyncset.done $0x0  }
0x42: {  	[sflag:s3] =	ssyncadd.s32 $0xFFFF8000  }
0x43: {  	[tilespmem:s2], [sflag:$0x2] =	stream.linear.gather [hbm4b:s9+s2], $0x400, $0x38;
	[tilespmem:$0x8400] =	vst v63  }
0x44: {  	_ =	swait.ge [sflag:s3], $0x400  }
0x45: {  	[sflag:s3] =	ssyncset.done $0x0  }
0x46: {  	[sflag:s3] =	ssyncadd.s32 $0xFFFFFC00  }
0x47: {  	[tilespmem:s6], [sflag:$0x1] =	stream.indirect.gather [hbm4b:s5+s6], $0x20, s2, s6, $0xb8;
	[tilespmem:$0x8400] =	vst v63  }
0x48: {  	_ =	swait.ge [sflag:s7], $0x8000  }
0x49: {  	[sflag:s7] =	ssyncset.done $0x0  }
0x4a: {  	[sflag:s7] =	ssyncadd.s32 $0xFFFF8000  }
0x4b: {  	[hbm4b:s10+s2] =	stream.linear.scatter [tilespmem:s6], [sflag:$0x2], $0x8000, $0x38;
	[tilespmem:$0x8400] =	vst v63  }
0x4c: {  	_ =	swait.ge [sflag:s3], $0x8000  }
0x4d: {  	[sflag:s3] =	ssyncset.done $0x0  }
0x4e: {  	[sflag:s3] =	ssyncadd.s32 $0xFFFF8000  }
0x4f: {  	[tilespmem:s2], [sflag:$0x2] =	stream.linear.gather [hbm4b:s11+s2], $0x400, $0x38;
	[tilespmem:$0x8400] =	vst v63  }
0x50: {  	_ =	swait.ge [sflag:s3], $0x400  }
0x51: {  	[sflag:s3] =	ssyncset.done $0x0  }
0x52: {  	[sflag:s3] =	ssyncadd.s32 $0xFFFFFC00  }
0x53: {  	[tilespmem:s6], [sflag:$0x1] =	stream.indirect.gather [hbm4b:s5+s6], $0x20, s2, s6, $0xb8;
	[tilespmem:$0x8400] =	vst v63  }
0x54: {  	_ =	swait.ge [sflag:s7], $0x8000  }
0x55: {  	[sflag:s7] =	ssyncset.done $0x0  }
0x56: {  	[sflag:s7] =	ssyncadd.s32 $0xFFFF8000  }
0x57: {  	[hbm4b:s12+s2] =	stream.linear.scatter [tilespmem:s6], [sflag:$0x2], $0x8000, $0x38;
	[tilespmem:$0x8400] =	vst v63  }
0x58: {  	_ =	swait.ge [sflag:s3], $0x8000  }
0x59: {  	[sflag:s3] =	ssyncset.done $0x0  }
0x5a: {  	[sflag:s3] =	ssyncadd.s32 $0xFFFF8000  }
0x5b: {  	[tilespmem:s2], [sflag:$0x2] =	stream.linear.gather [hbm4b:s13+s2], $0x400, $0x38;
	[tilespmem:$0x8400] =	vst v63  }
0x5c: {  	_ =	swait.ge [sflag:s3], $0x400  }
0x5d: {  	[sflag:s3] =	ssyncset.done $0x0  }
0x5e: {  	[sflag:s3] =	ssyncadd.s32 $0xFFFFFC00  }
0x5f: {  	[tilespmem:s6], [sflag:$0x1] =	stream.indirect.gather [hbm4b:s5+s6], $0x20, s2, s6, $0xb8;
	[tilespmem:$0x8400] =	vst v63  }
0x60: {  	_ =	swait.ge [sflag:s7], $0x8000  }
.Ltmp1:
0x61: {  	[sflag:s7] =	ssyncset.done $0x0;
	(pc) =	sbr.rel @p0 .LBB2_1-.Ltmp1, $4  }
0x62: {  	[sflag:s7] =	ssyncadd.s32 $0xFFFF8000  }
0x63: {  	[hbm4b:s14+s2] =	stream.linear.scatter [tilespmem:s6], [sflag:$0x2], $0x8000, $0x38;
	[tilespmem:$0x8400] =	vst v63  }
0x64: {  	_ =	swait.ge [sflag:s3], $0x8000  }
0x65: {  	[sflag:s3] =	ssyncset.done $0x0  }
.LBB2_2:
0x66: {  	[sflag:s3] =	ssyncadd.s32 $0xFFFF8000  }
0x67: {  	_ =	sfence.sel $0x180000  }
0x68: {  	[bflag:$0x0] =	sbarrier.arrive $0xFFFF  }
0x69: {  	p0 =	sne.s32 s0, $0x0;
	_ =	strace $0x9000004A  }
0x6a: {  	s0 =	sadd.s32 @!p0 $0x100000, s1;
	[bflag:$0x2] =	sbarrier.arrive $0xFFFF  }
0x6b: {  	[sflag:s0] =	ssyncadd.tile.s32 @!p0 $0x1;
	_ =	shalt  }
.Lfunc_end2:
_tile_overlayer_lowered:
.L_overlay_start_2:
0x6c: {  	(tag) =	ssettag $0x2  }
0x6d: {  	s0 =	rddreg [dreg:$0x0];
	s2 =	stileid.u32  }
0x6e: {  	s1 =	rddreg [dreg:$0x1];
	p0 =	sne.s32 s2, $0x0  }
0x6f: {  	s3 =	rddreg [dreg:$0x2];
	[bflag:$0x3] =	sbarrier.arrive $0xFFFF;
	s2 =	simm.s32 @!p0 $0x1C02  }
0x70: {  	[timem:s3], [sflag:s2] =	dma.local @!p0 [hbm:s0], s1  }
0x71: {  	s0 =	simm.s32 @!p0 $0x2  }
0x72: {  	_ =	swait.ge @!p0 [sflag:s0], s1  }
0x73: {  	s1 =	ssub.s32 @!p0 $0x0, s1;
	[sflag:s0] =	ssyncset.done @!p0 $0x0  }
0x74: {  	[sflag:s0] =	ssyncadd.s32 @!p0 s1  }
0x75: {  	[bflag:$0x3] =	sbarrier.arrive $0xFFFF  }
0x76: {  	_ =	shalt  }

// kernel: kernel.22.cloned.1.call-start
scs
__scs_entry_jumppad:
0x0: {  	(pc) =	sbr.rel $0x88, $3  }
0x1: {  	(tag) =	ssettag $0x0;
	lr =	simm.s32 $0x1  }
0x2: {  	[smem:$0x3F83] =	sst lr;
	_ =	strace $0xD0000000  }
0x3: {  	_ = 	snop  }
0x4: {  	_ = 	snop  }
0x5: {  	_ = 	snop  }
0x6: {  	_ = 	snop  }
0x7: {  	_ = 	snop  }
__scs_overlays_trampoline_lowered:
0x8: {  	[smem:$0x3F92] =	sst s0  }
0x9: {  	[smem:$0x3F93] =	sst s1  }
0xa: {  	[smem:$0x3F94] =	sst s2  }
0xb: {  	[smem:$0x3F95] =	sst s3  }
0xc: {  	[smem:$0x3F96] =	sst s4  }
0xd: {  	[smem:$0x3F97] =	sst s5  }
0xe: {  	[smem:$0x3F98] =	sst s6  }
0xf: {  	[smem:$0x3F99] =	sst s7  }
0x10: {  	[smem:$0x3F9A] =	sst s8  }
0x11: {  	[smem:$0x3F9B] =	sst s9;
	s0 =	simm.s32 @!p0 $0x0  }
0x12: {  	s1 =	sld [smem:$0x3F81];
	s0 =	simm.s32 @p0 $0x1  }
0x13: {  	[smem:$0x3F9C] =	sst s0;
	s0 =	simm.s32 @!p1 $0x0  }
0x14: {  	s2 =	sld [smem:$0x3F80];
	s0 =	simm.s32 @p1 $0x1  }
0x15: {  	[smem:$0x3F9D] =	sst s0;
	s0 =	simm.s32 @!p2 $0x0  }
0x16: {  	s3 =	sld [smem:$0x3FDB];
	s0 =	simm.s32 @p2 $0x1  }
0x17: {  	s4 =	simm.s32 $0x1BF5;
	[smem:$0x3F9F] =	sst s0  }
0x18: {  	s0 =	sld [smem:$0x3F82];
	_ =	swait.ge [sflag:s4], $0x0  }
0x19: {  	s7 =	sld [smem:$0x3F83]  }
0x1a: {  	s8 =	sadd.s32 $0xFFFFE003, lr  }
0x1b: {  	s9 =	sadd.s32 $0xFFFFFEF7, lr;
	s5 =	simm.s32 $0xFFFFFFFF;
	p2 =	slt.u32 s8, $0xFFFFF086  }
0x1c: {  	p1 =	slt.u32 s9, $0xF7A;
	s5 =	simm.s32 @!p2 $0x0  }
0x1d: {  	s5 =	simm.s32 @p1 $0x1;
	p0 =	seq.s32 s7, s2  }
0x1e: {  	s7 =	smul.u32 @!p0 $0xF7A, s2;
	p2 =	seq.s32 @!p0 s5, $0x0  }
0x1f: {  	s9 =	smul.u32 $0xF7A, s1;
	s8 =	simm.s32 @!p0 $0x1BF5;
	p2 =	por !p2, p0  }
0x20: {  	[sflag:s8] =	ssyncset.s32 @!p0 $0xFFFFF086;
	s6 =	sadd.s32 @!p0 s3, s7;
	s7 =	simm.s32 @!p0 $0x108  }
0x21: {  	s3 =	sadd.s32 s3, s9;
	s6 =	sadd.s32 @!p0 $0x88, s6;
	s7 =	simm.s32 @p2 $0x1082  }
0x22: {  	[simem:s7], [sflag:s8] =	dma.local @!p0 [hbm:s6], $0xF7A  }
0x23: {  	s9 =	sor.u32 $0xD0000000, s2;
	s6 =	simm.s32 $0x108;
	_ =	swait.ge @!p0 [sflag:s8], $0x0  }
0x24: {  	s3 =	sadd.s32 $0x88, s3;
	s6 =	simm.s32 @!p1 $0x1082;
	[sflag:s4] =	ssyncset.s32 $0xFFFFF086  }
0x25: {  	[simem:s6], [sflag:s4] =	dma.local [hbm:s3], $0xF7A  }
0x26: {  	[smem:$0x3F83] =	sst s1;
	(tag) =	ssettag s2;
	_ =	strace s9  }
0x27: {  	s1 =	sld [smem:$0x3F93]  }
0x28: {  	s2 =	sld [smem:$0x3F94]  }
0x29: {  	s4 =	sld [smem:$0x3F96]  }
0x2a: {  	p0 =	seq.s32 s5, $0x0;
	s5 =	sld [smem:$0x3F97]  }
0x2b: {  	s6 =	sld [smem:$0x3F98]  }
0x2c: {  	s7 =	sld [smem:$0x3F99]  }
0x2d: {  	s3 =	simm.s32 $0x108;
	s8 =	sld [smem:$0x3F9A]  }
0x2e: {  	s3 =	simm.s32 @!p0 $0x1082;
	s9 =	sld [smem:$0x3F9B]  }
0x2f: {  	lr =	sadd.s32 s0, s3;
	s0 =	sld [smem:$0x3F92]  }
0x30: {  	s3 =	sld [smem:$0x3F95]  }
0x31: {  	[smem:$0x3F9E] =	sst s10  }
0x32: {  	s10 =	sld [smem:$0x3F9C];
	_ =	sdelay $0x3  }
0x33: {  	p0 =	seq.s32 s10, $0x1;
	s10 =	sld [smem:$0x3F9E];
	_ =	sdelay $0x3  }
0x34: {  	[smem:$0x3F9E] =	sst s10  }
0x35: {  	s10 =	sld [smem:$0x3F9D];
	_ =	sdelay $0x3  }
0x36: {  	p1 =	seq.s32 s10, $0x1;
	s10 =	sld [smem:$0x3F9E];
	_ =	sdelay $0x3  }
0x37: {  	[smem:$0x3F9E] =	sst s10  }
0x38: {  	s10 =	sld [smem:$0x3F9F]  }
0x39: {  	_ = 	snop;
	(pc) =	sbr.ind lr, $3  }
0x3a: {  	_ = 	snop  }
0x3b: {  	_ = 	snop  }
0x3c: {  	p2 =	seq.s32 s10, $0x1;
	s10 =	sld [smem:$0x3F9E]  }
0x3d: {  	_ =	shalt  }
0x3e: {  	_ =	shalt  }
0x3f: {  	_ =	shalt  }
0x40: {  	_ =	shalt  }
0x41: {  	_ =	shalt  }
0x42: {  	_ =	shalt  }
0x43: {  	_ =	shalt  }
0x44: {  	_ =	shalt  }
0x45: {  	_ =	shalt  }
0x46: {  	_ =	shalt  }
0x47: {  	_ =	shalt  }
0x48: {  	_ =	shalt  }
0x49: {  	_ =	shalt  }
0x4a: {  	_ =	shalt  }
0x4b: {  	_ =	shalt  }
0x4c: {  	_ =	shalt  }
0x4d: {  	_ =	shalt  }
0x4e: {  	_ =	shalt  }
0x4f: {  	_ =	shalt  }
0x50: {  	_ =	shalt  }
0x51: {  	_ =	shalt  }
0x52: {  	_ =	shalt  }
0x53: {  	_ =	shalt  }
0x54: {  	_ =	shalt  }
0x55: {  	_ =	shalt  }
0x56: {  	_ =	shalt  }
0x57: {  	_ =	shalt  }
0x58: {  	_ =	shalt  }
0x59: {  	_ =	shalt  }
0x5a: {  	_ =	shalt  }
0x5b: {  	_ =	shalt  }
0x5c: {  	_ =	shalt  }
0x5d: {  	_ =	shalt  }
0x5e: {  	_ =	shalt  }
0x5f: {  	_ =	shalt  }
0x60: {  	_ =	shalt  }
0x61: {  	_ =	shalt  }
0x62: {  	_ =	shalt  }
0x63: {  	_ =	shalt  }
0x64: {  	_ =	shalt  }
0x65: {  	_ =	shalt  }
0x66: {  	_ =	shalt  }
0x67: {  	_ =	shalt  }
0x68: {  	_ =	shalt  }
0x69: {  	_ =	shalt  }
0x6a: {  	_ =	shalt  }
0x6b: {  	_ =	shalt  }
0x6c: {  	_ =	shalt  }
0x6d: {  	_ =	shalt  }
0x6e: {  	_ =	shalt  }
0x6f: {  	_ =	shalt  }
0x70: {  	_ =	shalt  }
0x71: {  	_ =	shalt  }
0x72: {  	_ =	shalt  }
0x73: {  	_ =	shalt  }
0x74: {  	_ =	shalt  }
0x75: {  	_ =	shalt  }
0x76: {  	_ =	shalt  }
0x77: {  	_ =	shalt  }
0x78: {  	_ =	shalt  }
0x79: {  	_ =	shalt  }
0x7a: {  	_ =	shalt  }
0x7b: {  	_ =	shalt  }
0x7c: {  	_ =	shalt  }
0x7d: {  	_ =	shalt  }
0x7e: {  	_ =	shalt  }
0x7f: {  	_ =	shalt  }
0x80: {  	_ =	shalt  }
0x81: {  	_ =	shalt  }
0x82: {  	_ =	shalt  }
0x83: {  	_ =	shalt  }
0x84: {  	_ =	shalt  }
0x85: {  	_ =	shalt  }
0x86: {  	_ =	shalt  }
0x87: {  	_ =	shalt  }
.Lfunc_end0:
.L_simem_size_0:
called_computation.2_lowered:
.L_overlay_start_0:
0x88: {  	s2 =	sld [smem:$0x3FD9]  }
0x89: {  	s3 =	sld [smem:$0x3FFE];
	_ =	sdelay $0x1  }
0x8a: {  	s1 =	srdreg.scid  }
0x8b: {  	s0 =	sand.u32 $0x1, s1  }
0x8c: {  	s16 =	sshll.u32 s0, $0xA;
	s2 =	sadd.s32 s3, s2  }
0x8d: {  	s2 =	sadd.s32 s2, s16  }
0x8e: {  	[smem:$0x3FAA] =	sst s2  }
0x8f: {  	_ = 	snop  }
0x90: {  	(tm) =	ssettm $0x1  }
0x91: {  	s17 =	sld [smem:$0x3FFB];
	_ =	sdelay $0x3  }
0x92: {  	_ =	strace s17  }
0x93: {  	s2 =	sld [smem:$0x3FFC];
	_ =	sdelay $0x3  }
0x94: {  	_ =	strace s2  }
0x95: {  	s2 =	sld [smem:$0x3FFD];
	_ =	sdelay $0x3  }
0x96: {  	_ =	strace s2  }
0x97: {  	_ =	strace $0x8FFFFFFF  }
0x98: {  	s18 =	sld [smem:$0x3FDB];
	_ =	sdelay $0x1  }
0x99: {  	s19 =	simm.s32 $_scs_section_size  }
0x9a: {  	s4 =	simm.s32 $_size__tile_overlayer_lowered;
	s5 =	simm.s32 $_tile_overlayer_lowered  }
0x9b: {  	s22 =	simm.s32 $0x1BFF;
	s21 =	sshll.u32 s5, $0x1;
	s2 =	sadd.s32 s19, s18  }
0x9c: {  	s6 =	simm.s32 $0x0;
	s20 =	sshll.u32 s4, $0x1;
	s4 =	sadd.s32 s21, s2  }
0x9d: {  	[timem:s6], [sflag:s22] =	dma.local [hbm:s4], s20  }
0x9e: {  	_ =	swait.ge [sflag:s22], s20  }
0x9f: {  	s3 =	ssub.s32 $0x0, s20;
	[sflag:s22] =	ssyncset.done $0x0  }
0xa0: {  	[sflag:s22] =	ssyncadd.s32 s3;
	_ =	sdelay $0x1  }
0xa1: {  	s23 =	simm.s32 $0x1B8B  }
0xa2: {  	_ =	swait.ge [sflag:s23], $0x1  }
0xa3: {  	[sflag:s23] =	ssyncset.done $0x0  }
0xa4: {  	s25 =	simm.s32 $0x1B8E;
	s24 =	sld [smem:$0x3FFE];
	[sflag:s23] =	ssyncadd.s32 $0xFFFFFFFF  }
0xa5: {  	s26 =	simm.s32 $execute0_lowered;
	[smem:$0x3FD2] =	sst s25  }
0xa6: {  	s4 =	sshll.u32 s26, $0x1;
	_ =	strace $0x8000004C;
	[dreg:$0x1] =	wrdreg $0xFFFFFFFF  }
0xa7: {  	s28 =	simm.s32 $_size_execute0_lowered;
	s2 =	sadd.s32 s2, s4;
	[dreg:$0x0] =	wrdreg $0x0  }
0xa8: {  	s4 =	sshll.u32 s28, $0x1;
	[dreg:$0x2] =	wrdreg s2  }
0xa9: {  	[dreg:$0x3] =	wrdreg s4  }
0xaa: {  	[dreg:$0x4] =	wrdreg $0xC0  }
0xab: {  	_ =	task [dreg:s6], $0x5FFFF  }
0xac: {  	[dreg:$0x1] =	wrdreg $0xFFFFFFFF  }
0xad: {  	[dreg:$0x0] =	wrdreg $0x60  }
0xae: {  	[dreg:$0x2] =	wrdreg s24  }
0xaf: {  	[dreg:$0x3] =	wrdreg $0x9  }
0xb0: {  	_ =	task.clear_ibuf [dreg:s6], $0x4FFFF;
	_ =	strace $0x9000004C  }
0xb1: {  	s29 =	simm.s32 $0x9;
	_ =	strace $0x8000004E  }
0xb2: {  	_ =	swait.ge [sflag:s29], $0x1  }
0xb3: {  	[sflag:s29] =	ssyncadd.s32 $0xFFFFFFFF  }
0xb4: {  	_ =	strace $0x9000004E  }
0xb5: {  	_ =	sfence  }
0xb6: {  	s30 =	sld [smem:$0x0];
	_ =	sdelay $0x2  }
0xb7: {  	s31 =	sshll.u32 s1, $0xD;
	s1 =	sshrl.u32 s1, $0x2  }
0xb8: {  	s3 =	sand.u32 $0x4000, s31;
	s1 =	sadd.s32 s1, s30  }
0xb9: {  	s0 =	sor.u32 s3, s0;
	s1 =	sshll.u32 s1, $0x11  }
0xba: {  	s0 =	sor.u32 s1, s0  }
0xbb: {  	s0 =	sadd.s32 $0x8F2B, s0  }
0xbc: {  	[sflag:s0] =	ssyncadd.remote.s32 $0x1  }
0xbd: {  	_ =	sfence.sel $0xFFFF  }
0xbe: {  	[dreg:$0x0] =	wrdreg $0xFFFFFFFF;
	(pc) =	sbr.abs _section_cstart, $3  }
0xbf: {  	[dreg:$0x1] =	wrdreg $0xFFFFFFFF  }
0xc0: {  	_ =	task.clear_ibuf [dreg:s6], $0x2FFFF;
	_ =	strace $0x9FFFFFFF  }
0xc1: {  	(tm) =	ssettm $0x7FFFFFFF  }
tec
execute0_lowered:
.L_overlay_start_1:
0x0: {  	(tag) =	ssettag $0x1  }
0x1: {  	s4 =	rddreg [dreg:$0x0]  }
0x2: {  	s0 =	rddreg [dreg:$0x1];
	s2 =	simm.s32 $0x0;
	s3 =	srdreg.scid  }
0x3: {  	s1 =	stileid.u32;
	s10 =	simm.s32 $0x0;
	[smem:$0x7FF] =	sst s2  }
0x4: {  	s5 =	sand.u32 $0x1, s3;
	s6 =	sshll.u32 s1, $0xD;
	s3 =	sadd.s32 $0x11400, s4  }
0x5: {  	s8 =	sshll.u32 s1, $0x11;
	_ =	strace $0x8000004D;
	s7 =	sshll.u32 s5, $0xC  }
0x6: {  	s31 =	ssub.s32 $0x2, s5;
	s8 =	sadd.s32 s8, s4;
	s5 =	sshll.u32 s5, $0x10  }
0x7: {  	s6 =	sor.u32 s7, s6;
	s9 =	sshrl.u32 s31, $0x1;
	s5 =	sadd.s32 s5, s8  }
0x8: {  	s8 =	simm.s32 $0x200;
	s6 =	sshrl.u32 s6, $0x3;
	s7 =	ssub.s32 s31, s9  }
0x9: {  	s5 =	sadd.s32 $0x31400, s5;
	s9 =	simm.s32 $0x1;
	s6 =	sadd.s32 s6, s4  }
0xa: {  	s4 =	smax.u32 s7, $0x1;
	s7 =	simm.s32 $0x2;
	s6 =	sadd.s32 $0x1400, s6  }
.LBB2_1:
0xb: {  	s11 =	sadd.s32 $0x0, s6  }
0xc: {  	[tilespmem:s2], [sflag:$0x2] =	stream.linear.gather [hbm4b:s11+s2], $0x200, $0x38;
	[tilespmem:$0x10200] =	vst v63  }
0xd: {  	_ =	swait.ge [sflag:s7], $0x200  }
0xe: {  	[sflag:s7] =	ssyncset.done $0x0  }
0xf: {  	[sflag:s7] =	ssyncadd.s32 $0xFFFFFE00  }
0x10: {  	[tilespmem:s8], [sflag:$0x1] =	stream.indirect.gather [hbm4b:s3+s8], $0x80, s2, s8, $0xb8;
	[tilespmem:$0x10200] =	vst v63  }
0x11: {  	_ =	swait.ge [sflag:s9], $0x10000  }
0x12: {  	[sflag:s9] =	ssyncset.done $0x0  }
0x13: {  	[sflag:s9] =	ssyncadd.s32 $0xFFFF0000  }
0x14: {  	[hbm4b:s5+s2] =	stream.linear.scatter [tilespmem:s8], [sflag:$0x2], $0x10000, $0x38;
	[tilespmem:$0x10200] =	vst v63  }
0x15: {  	s12 =	simm.s32 $0x40;
	_ =	swait.ge [sflag:s7], $0x10000  }
0x16: {  	s13 =	simm.s32 $0x80;
	s11 =	sadd.s32 $0x2000, s5;
	[sflag:s7] =	ssyncset.done $0x0  }
.LBB2_2:
0x17: {  	s14 =	sadd.s32 s12, s6  }
0x18: {  	[sflag:s7] =	ssyncadd.s32 $0xFFFF0000;
	s12 =	smov.u32 s13;
	s15 =	sadd.s32 $0x40, s13  }
0x19: {  	[tilespmem:s2], [sflag:$0x2] =	stream.linear.gather [hbm4b:s14+s2], $0x200, $0x38;
	[tilespmem:$0x10200] =	vst v63  }
0x1a: {  	p0 =	sne.s32 s13, $0x1C0;
	_ =	swait.ge [sflag:s7], $0x200  }
0x1b: {  	[sflag:s7] =	ssyncset.done $0x0  }
0x1c: {  	[sflag:s7] =	ssyncadd.s32 $0xFFFFFE00  }
0x1d: {  	[tilespmem:s8], [sflag:$0x1] =	stream.indirect.gather [hbm4b:s3+s8], $0x80, s2, s8, $0xb8;
	[tilespmem:$0x10200] =	vst v63  }
0x1e: {  	_ =	swait.ge [sflag:s9], $0x10000  }
.Ltmp0:
0x1f: {  	[sflag:s9] =	ssyncset.done $0x0;
	(pc) =	sbr.rel @p0 .LBB2_2-.Ltmp0, $4  }
0x20: {  	[sflag:s9] =	ssyncadd.s32 $0xFFFF0000  }
0x21: {  	[hbm4b:s11+s2] =	stream.linear.scatter [tilespmem:s8], [sflag:$0x2], $0x10000, $0x38;
	[tilespmem:$0x10200] =	vst v63  }
0x22: {  	_ =	swait.ge [sflag:s7], $0x10000  }
0x23: {  	s13 =	smov.u32 s15;
	s11 =	sadd.s32 $0x2000, s11;
	[sflag:s7] =	ssyncset.done $0x0  }
0x24: {  	s12 =	sadd.s32 s12, s6;
	[sflag:s7] =	ssyncadd.s32 $0xFFFF0000  }
0x25: {  	[tilespmem:s2], [sflag:$0x2] =	stream.linear.gather [hbm4b:s12+s2], $0x200, $0x38;
	[tilespmem:$0x10200] =	vst v63  }
0x26: {  	_ =	swait.ge [sflag:s7], $0x200  }
0x27: {  	[sflag:s7] =	ssyncset.done $0x0  }
0x28: {  	[sflag:s7] =	ssyncadd.s32 $0xFFFFFE00  }
0x29: {  	[tilespmem:s8], [sflag:$0x1] =	stream.indirect.gather [hbm4b:s3+s8], $0x80, s2, s8, $0xb8;
	[tilespmem:$0x10200] =	vst v63  }
0x2a: {  	s10 =	sadd.s32 $0x1, s10;
	_ =	swait.ge [sflag:s9], $0x10000  }
0x2b: {  	p0 =	sne.s32 s10, s4;
	[sflag:s9] =	ssyncset.done $0x0  }
.Ltmp1:
0x2c: {  	[sflag:s9] =	ssyncadd.s32 $0xFFFF0000;
	(pc) =	sbr.rel @p0 .LBB2_1-.Ltmp1, $4  }
0x2d: {  	[hbm4b:s11+s2] =	stream.linear.scatter [tilespmem:s8], [sflag:$0x2], $0x10000, $0x38;
	[tilespmem:$0x10200] =	vst v63  }
0x2e: {  	_ =	swait.ge [sflag:s7], $0x10000  }
0x2f: {  	[sflag:s7] =	ssyncset.done $0x0  }
0x30: {  	[sflag:s7] =	ssyncadd.s32 $0xFFFF0000  }
0x31: {  	_ =	sfence.sel $0x180000  }
0x32: {  	[bflag:$0x0] =	sbarrier.arrive $0xFFFF  }
0x33: {  	p0 =	sne.s32 s1, $0x0;
	_ =	strace $0x9000004D  }
0x34: {  	s0 =	sadd.s32 @!p0 $0x100000, s0;
	[bflag:$0x2] =	sbarrier.arrive $0xFFFF  }
0x35: {  	[sflag:s0] =	ssyncadd.tile.s32 @!p0 $0x1;
	_ =	shalt  }
.Lfunc_end2:
_tile_overlayer_lowered:
.L_overlay_start_2:
0x36: {  	(tag) =	ssettag $0x2  }
0x37: {  	s0 =	rddreg [dreg:$0x0];
	s2 =	stileid.u32  }
0x38: {  	s1 =	rddreg [dreg:$0x1];
	p0 =	sne.s32 s2, $0x0  }
0x39: {  	s3 =	rddreg [dreg:$0x2];
	[bflag:$0x3] =	sbarrier.arrive $0xFFFF;
	s2 =	simm.s32 @!p0 $0x1C02  }
0x3a: {  	[timem:s3], [sflag:s2] =	dma.local @!p0 [hbm:s0], s1  }
0x3b: {  	s0 =	simm.s32 @!p0 $0x2  }
0x3c: {  	_ =	swait.ge @!p0 [sflag:s0], s1  }
0x3d: {  	s1 =	ssub.s32 @!p0 $0x0, s1;
	[sflag:s0] =	ssyncset.done @!p0 $0x0  }
0x3e: {  	[sflag:s0] =	ssyncadd.s32 @!p0 s1  }
0x3f: {  	[bflag:$0x3] =	sbarrier.arrive $0xFFFF  }
0x40: {  	_ =	shalt  }

// kernel: kernel.25.cloned.1.call-start
scs
__scs_entry_jumppad:
0x0: {  	(pc) =	sbr.rel $0x88, $3  }
0x1: {  	(tag) =	ssettag $0x0;
	lr =	simm.s32 $0x1  }
0x2: {  	[smem:$0x3F83] =	sst lr;
	_ =	strace $0xD0000000  }
0x3: {  	_ = 	snop  }
0x4: {  	_ = 	snop  }
0x5: {  	_ = 	snop  }
0x6: {  	_ = 	snop  }
0x7: {  	_ = 	snop  }
__scs_overlays_trampoline_lowered:
0x8: {  	[smem:$0x3F92] =	sst s0  }
0x9: {  	[smem:$0x3F93] =	sst s1  }
0xa: {  	[smem:$0x3F94] =	sst s2  }
0xb: {  	[smem:$0x3F95] =	sst s3  }
0xc: {  	[smem:$0x3F96] =	sst s4  }
0xd: {  	[smem:$0x3F97] =	sst s5  }
0xe: {  	[smem:$0x3F98] =	sst s6  }
0xf: {  	[smem:$0x3F99] =	sst s7  }
0x10: {  	[smem:$0x3F9A] =	sst s8  }
0x11: {  	[smem:$0x3F9B] =	sst s9;
	s0 =	simm.s32 @!p0 $0x0  }
0x12: {  	s1 =	sld [smem:$0x3F81];
	s0 =	simm.s32 @p0 $0x1  }
0x13: {  	[smem:$0x3F9C] =	sst s0;
	s0 =	simm.s32 @!p1 $0x0  }
0x14: {  	s2 =	sld [smem:$0x3F80];
	s0 =	simm.s32 @p1 $0x1  }
0x15: {  	[smem:$0x3F9D] =	sst s0;
	s0 =	simm.s32 @!p2 $0x0  }
0x16: {  	s3 =	sld [smem:$0x3FDB];
	s0 =	simm.s32 @p2 $0x1  }
0x17: {  	s4 =	simm.s32 $0x1BF5;
	[smem:$0x3F9F] =	sst s0  }
0x18: {  	s0 =	sld [smem:$0x3F82];
	_ =	swait.ge [sflag:s4], $0x0  }
0x19: {  	s7 =	sld [smem:$0x3F83]  }
0x1a: {  	s8 =	sadd.s32 $0xFFFFE003, lr  }
0x1b: {  	s9 =	sadd.s32 $0xFFFFFEF7, lr;
	s5 =	simm.s32 $0xFFFFFFFF;
	p2 =	slt.u32 s8, $0xFFFFF086  }
0x1c: {  	p1 =	slt.u32 s9, $0xF7A;
	s5 =	simm.s32 @!p2 $0x0  }
0x1d: {  	s5 =	simm.s32 @p1 $0x1;
	p0 =	seq.s32 s7, s2  }
0x1e: {  	s7 =	smul.u32 @!p0 $0xF7A, s2;
	p2 =	seq.s32 @!p0 s5, $0x0  }
0x1f: {  	s9 =	smul.u32 $0xF7A, s1;
	s8 =	simm.s32 @!p0 $0x1BF5;
	p2 =	por !p2, p0  }
0x20: {  	[sflag:s8] =	ssyncset.s32 @!p0 $0xFFFFF086;
	s6 =	sadd.s32 @!p0 s3, s7;
	s7 =	simm.s32 @!p0 $0x108  }
0x21: {  	s3 =	sadd.s32 s3, s9;
	s6 =	sadd.s32 @!p0 $0x88, s6;
	s7 =	simm.s32 @p2 $0x1082  }
0x22: {  	[simem:s7], [sflag:s8] =	dma.local @!p0 [hbm:s6], $0xF7A  }
0x23: {  	s9 =	sor.u32 $0xD0000000, s2;
	s6 =	simm.s32 $0x108;
	_ =	swait.ge @!p0 [sflag:s8], $0x0  }
0x24: {  	s3 =	sadd.s32 $0x88, s3;
	s6 =	simm.s32 @!p1 $0x1082;
	[sflag:s4] =	ssyncset.s32 $0xFFFFF086  }
0x25: {  	[simem:s6], [sflag:s4] =	dma.local [hbm:s3], $0xF7A  }
0x26: {  	[smem:$0x3F83] =	sst s1;
	(tag) =	ssettag s2;
	_ =	strace s9  }
0x27: {  	s1 =	sld [smem:$0x3F93]  }
0x28: {  	s2 =	sld [smem:$0x3F94]  }
0x29: {  	s4 =	sld [smem:$0x3F96]  }
0x2a: {  	p0 =	seq.s32 s5, $0x0;
	s5 =	sld [smem:$0x3F97]  }
0x2b: {  	s6 =	sld [smem:$0x3F98]  }
0x2c: {  	s7 =	sld [smem:$0x3F99]  }
0x2d: {  	s3 =	simm.s32 $0x108;
	s8 =	sld [smem:$0x3F9A]  }
0x2e: {  	s3 =	simm.s32 @!p0 $0x1082;
	s9 =	sld [smem:$0x3F9B]  }
0x2f: {  	lr =	sadd.s32 s0, s3;
	s0 =	sld [smem:$0x3F92]  }
0x30: {  	s3 =	sld [smem:$0x3F95]  }
0x31: {  	[smem:$0x3F9E] =	sst s10  }
0x32: {  	s10 =	sld [smem:$0x3F9C];
	_ =	sdelay $0x3  }
0x33: {  	p0 =	seq.s32 s10, $0x1;
	s10 =	sld [smem:$0x3F9E];
	_ =	sdelay $0x3  }
0x34: {  	[smem:$0x3F9E] =	sst s10  }
0x35: {  	s10 =	sld [smem:$0x3F9D];
	_ =	sdelay $0x3  }
0x36: {  	p1 =	seq.s32 s10, $0x1;
	s10 =	sld [smem:$0x3F9E];
	_ =	sdelay $0x3  }
0x37: {  	[smem:$0x3F9E] =	sst s10  }
0x38: {  	s10 =	sld [smem:$0x3F9F]  }
0x39: {  	_ = 	snop;
	(pc) =	sbr.ind lr, $3  }
0x3a: {  	_ = 	snop  }
0x3b: {  	_ = 	snop  }
0x3c: {  	p2 =	seq.s32 s10, $0x1;
	s10 =	sld [smem:$0x3F9E]  }
0x3d: {  	_ =	shalt  }
0x3e: {  	_ =	shalt  }
0x3f: {  	_ =	shalt  }
0x40: {  	_ =	shalt  }
0x41: {  	_ =	shalt  }
0x42: {  	_ =	shalt  }
0x43: {  	_ =	shalt  }
0x44: {  	_ =	shalt  }
0x45: {  	_ =	shalt  }
0x46: {  	_ =	shalt  }
0x47: {  	_ =	shalt  }
0x48: {  	_ =	shalt  }
0x49: {  	_ =	shalt  }
0x4a: {  	_ =	shalt  }
0x4b: {  	_ =	shalt  }
0x4c: {  	_ =	shalt  }
0x4d: {  	_ =	shalt  }
0x4e: {  	_ =	shalt  }
0x4f: {  	_ =	shalt  }
0x50: {  	_ =	shalt  }
0x51: {  	_ =	shalt  }
0x52: {  	_ =	shalt  }
0x53: {  	_ =	shalt  }
0x54: {  	_ =	shalt  }
0x55: {  	_ =	shalt  }
0x56: {  	_ =	shalt  }
0x57: {  	_ =	shalt  }
0x58: {  	_ =	shalt  }
0x59: {  	_ =	shalt  }
0x5a: {  	_ =	shalt  }
0x5b: {  	_ =	shalt  }
0x5c: {  	_ =	shalt  }
0x5d: {  	_ =	shalt  }
0x5e: {  	_ =	shalt  }
0x5f: {  	_ =	shalt  }
0x60: {  	_ =	shalt  }
0x61: {  	_ =	shalt  }
0x62: {  	_ =	shalt  }
0x63: {  	_ =	shalt  }
0x64: {  	_ =	shalt  }
0x65: {  	_ =	shalt  }
0x66: {  	_ =	shalt  }
0x67: {  	_ =	shalt  }
0x68: {  	_ =	shalt  }
0x69: {  	_ =	shalt  }
0x6a: {  	_ =	shalt  }
0x6b: {  	_ =	shalt  }
0x6c: {  	_ =	shalt  }
0x6d: {  	_ =	shalt  }
0x6e: {  	_ =	shalt  }
0x6f: {  	_ =	shalt  }
0x70: {  	_ =	shalt  }
0x71: {  	_ =	shalt  }
0x72: {  	_ =	shalt  }
0x73: {  	_ =	shalt  }
0x74: {  	_ =	shalt  }
0x75: {  	_ =	shalt  }
0x76: {  	_ =	shalt  }
0x77: {  	_ =	shalt  }
0x78: {  	_ =	shalt  }
0x79: {  	_ =	shalt  }
0x7a: {  	_ =	shalt  }
0x7b: {  	_ =	shalt  }
0x7c: {  	_ =	shalt  }
0x7d: {  	_ =	shalt  }
0x7e: {  	_ =	shalt  }
0x7f: {  	_ =	shalt  }
0x80: {  	_ =	shalt  }
0x81: {  	_ =	shalt  }
0x82: {  	_ =	shalt  }
0x83: {  	_ =	shalt  }
0x84: {  	_ =	shalt  }
0x85: {  	_ =	shalt  }
0x86: {  	_ =	shalt  }
0x87: {  	_ =	shalt  }
.Lfunc_end0:
.L_simem_size_0:
called_computation.3_lowered:
.L_overlay_start_0:
0x88: {  	s2 =	sld [smem:$0x3FD9]  }
0x89: {  	s3 =	sld [smem:$0x3FFE];
	_ =	sdelay $0x1  }
0x8a: {  	s1 =	srdreg.scid  }
0x8b: {  	s0 =	sand.u32 $0x1, s1  }
0x8c: {  	s14 =	sshll.u32 s0, $0xA;
	s2 =	sadd.s32 s3, s2  }
0x8d: {  	s2 =	sadd.s32 s2, s14  }
0x8e: {  	[smem:$0x3FAA] =	sst s2  }
0x8f: {  	_ = 	snop  }
0x90: {  	s2 =	sld [smem:$0x3FD0];
	_ =	sdelay $0x2  }
0x91: {  	s15 =	simm.s32 $0xA;
	s4 =	simm.s32 $0x10  }
0x92: {  	[smem:s4], [sflag:s15] =	dma.local [hbm:s2], $0x1  }
0x93: {  	_ =	swait.eq [sflag:s15], $0x1  }
0x94: {  	[sflag:s15] =	ssyncset.done $0x0  }
0x95: {  	s16 =	sld [smem:$0x12];
	[sflag:s15] =	ssyncadd.s32 $0xFFFFFFFF  }
0x96: {  	s17 =	sld [smem:$0x13];
	(tm) =	ssettm $0x1  }
0x97: {  	s18 =	sld [smem:$0x3FFB];
	_ =	sdelay $0x3  }
0x98: {  	_ =	strace s18  }
0x99: {  	s4 =	sld [smem:$0x3FFC];
	_ =	sdelay $0x3  }
0x9a: {  	_ =	strace s4  }
0x9b: {  	s4 =	sld [smem:$0x3FFD];
	_ =	sdelay $0x3  }
0x9c: {  	_ =	strace s4  }
0x9d: {  	_ =	strace $0x8FFFFFFF  }
0x9e: {  	s19 =	sld [smem:$0x3FDB];
	_ =	sdelay $0x1  }
0x9f: {  	s5 =	simm.s32 $_scs_section_size  }
0xa0: {  	s6 =	simm.s32 $_size__tile_overlayer_lowered;
	s7 =	simm.s32 $_tile_overlayer_lowered  }
0xa1: {  	s22 =	simm.s32 $0x1BFF;
	s21 =	sshll.u32 s7, $0x1;
	s4 =	sadd.s32 s5, s19  }
0xa2: {  	s8 =	simm.s32 $0x0;
	s20 =	sshll.u32 s6, $0x1;
	s6 =	sadd.s32 s21, s4  }
0xa3: {  	[timem:s8], [sflag:s22] =	dma.local [hbm:s6], s20  }
0xa4: {  	_ =	swait.ge [sflag:s22], s20  }
0xa5: {  	s5 =	ssub.s32 $0x0, s20;
	[sflag:s22] =	ssyncset.done $0x0  }
0xa6: {  	[sflag:s22] =	ssyncadd.s32 s5;
	_ =	sdelay $0x1  }
0xa7: {  	s23 =	simm.s32 $0x1B8B  }
0xa8: {  	_ =	swait.ge [sflag:s23], $0x1  }
0xa9: {  	[sflag:s23] =	ssyncset.done $0x0  }
0xaa: {  	s25 =	simm.s32 $0x1B8E;
	s24 =	sld [smem:$0x3FFE];
	[sflag:s23] =	ssyncadd.s32 $0xFFFFFFFF  }
0xab: {  	s26 =	simm.s32 $execute0_lowered;
	[smem:$0x3FD2] =	sst s25  }
0xac: {  	s6 =	sshll.u32 s26, $0x1;
	_ =	strace $0x8000004F;
	[dreg:$0x1] =	wrdreg $0xFFFFFFFF  }
0xad: {  	s28 =	simm.s32 $_size_execute0_lowered;
	s4 =	sadd.s32 s4, s6;
	[dreg:$0x0] =	wrdreg $0x0  }
0xae: {  	s6 =	sshll.u32 s28, $0x1;
	[dreg:$0x2] =	wrdreg s4  }
0xaf: {  	[dreg:$0x3] =	wrdreg s6  }
0xb0: {  	[dreg:$0x4] =	wrdreg $0xC0  }
0xb1: {  	_ =	task [dreg:s8], $0x5FFFF  }
0xb2: {  	[dreg:$0x1] =	wrdreg $0xFFFFFFFF  }
0xb3: {  	[dreg:$0x0] =	wrdreg $0x60  }
0xb4: {  	[dreg:$0x2] =	wrdreg s24  }
0xb5: {  	[dreg:$0x3] =	wrdreg s16  }
0xb6: {  	[dreg:$0x4] =	wrdreg s17  }
0xb7: {  	[dreg:$0x5] =	wrdreg $0x9  }
0xb8: {  	_ =	task.clear_ibuf [dreg:s8], $0x6FFFF;
	_ =	strace $0x9000004F  }
0xb9: {  	s29 =	simm.s32 $0x9;
	_ =	strace $0x80000051  }
0xba: {  	_ =	swait.ge [sflag:s29], $0x1  }
0xbb: {  	[sflag:s29] =	ssyncadd.s32 $0xFFFFFFFF  }
0xbc: {  	_ =	strace $0x90000051  }
0xbd: {  	_ =	sfence  }
0xbe: {  	s30 =	sld [smem:$0x0];
	_ =	sdelay $0x2  }
0xbf: {  	s31 =	sshll.u32 s1, $0xD;
	s1 =	sshrl.u32 s1, $0x2  }
0xc0: {  	s3 =	sand.u32 $0x4000, s31;
	s1 =	sadd.s32 s1, s30  }
0xc1: {  	s0 =	sor.u32 s3, s0;
	s1 =	sshll.u32 s1, $0x11  }
0xc2: {  	s0 =	sor.u32 s1, s0  }
0xc3: {  	s0 =	sadd.s32 $0x8F2B, s0  }
0xc4: {  	[sflag:s0] =	ssyncadd.remote.s32 $0x1  }
0xc5: {  	_ =	sfence.sel $0xFFFF  }
0xc6: {  	[dreg:$0x0] =	wrdreg $0xFFFFFFFF;
	(pc) =	sbr.abs _section_cstart, $3  }
0xc7: {  	[dreg:$0x1] =	wrdreg $0xFFFFFFFF  }
0xc8: {  	_ =	task.clear_ibuf [dreg:s8], $0x2FFFF;
	_ =	strace $0x9FFFFFFF  }
0xc9: {  	(tm) =	ssettm $0x7FFFFFFF  }
tec
execute0_lowered:
.L_overlay_start_1:
0x0: {  	(tag) =	ssettag $0x1  }
0x1: {  	s20 =	rddreg [dreg:$0x0];
	s1 =	srdreg.scid  }
0x2: {  	s3 =	rddreg [dreg:$0x1];
	s0 =	stileid.u32;
	s19 =	sand.u32 $0x1, s1  }
0x3: {  	s8 =	rddreg [dreg:$0x2];
	s4 =	sshll.u32 s0, $0x7;
	s5 =	sshll.u32 s19, $0x6  }
0x4: {  	s2 =	simm.s32 $0x0;
	s1 =	rddreg [dreg:$0x3];
	s21 =	sor.u32 s5, s4  }
0x5: {  	[smem:$0x7FF] =	sst s2;
	s4 =	sshrl.u32 s21, $0x3  }
0x6: {  	_ =	strace $0x80000050;
	s4 =	sadd.s32 s3, s4;
	s3 =	simm.s32 $0x2  }
0x7: {  	[tilespmem:s2], [sflag:$0x2] =	stream.linear.gather [hbm4b:s4+s2], $0x40, $0x38;
	[tilespmem:$0xB040] =	vst v63  }
0x8: {  	_ =	swait.ge [sflag:s3], $0x40  }
0x9: {  	s6 =	simm.s32 $0x40;
	[sflag:s3] =	ssyncset.done $0x0  }
0xa: {  	s7 =	simm.s32 $0x1;
	s5 =	sadd.s32 $0x5400, s20;
	[sflag:s3] =	ssyncadd.s32 $0xFFFFFFC0  }
0xb: {  	[tilespmem:s6], [sflag:$0x1] =	stream.indirect.gather [hbm4b:s5+s6], $0x10, s2, s6, $0xb8;
	[tilespmem:$0xB040] =	vst v63  }
0xc: {  	_ =	swait.ge [sflag:s7], $0x400  }
0xd: {  	s11 =	sshll.u32 s21, $0x1;
	[sflag:s7] =	ssyncset.done $0x0  }
0xe: {  	s8 =	sadd.s32 s8, s11;
	[sflag:s7] =	ssyncadd.s32 $0xFFFFFC00  }
0xf: {  	[hbm4b:s8+s2] =	stream.linear.scatter [tilespmem:s6], [sflag:$0x2], $0x400, $0x38;
	[tilespmem:$0xB040] =	vst v63  }
0x10: {  	_ =	swait.ge [sflag:s3], $0x400  }
0x11: {  	[sflag:s3] =	ssyncset.done $0x0  }
0x12: {  	s10 =	simm.s32 $0x440;
	s9 =	sadd.s32 $0x232600, s20;
	[sflag:s3] =	ssyncadd.s32 $0xFFFFFC00  }
0x13: {  	[tilespmem:s10], [sflag:$0x1] =	stream.indirect.gather [hbm4b:s9+s6], $0x10, s2, s6, $0xb8;
	[tilespmem:$0xB040] =	vst v63  }
0x14: {  	_ =	swait.ge [sflag:s7], $0x400  }
0x15: {  	s11 =	sadd.s32 s11, s20;
	[sflag:s7] =	ssyncset.done $0x0  }
0x16: {  	s11 =	sadd.s32 $0x3400, s11;
	[sflag:s7] =	ssyncadd.s32 $0xFFFFFC00  }
0x17: {  	[hbm4b:s11+s2] =	stream.linear.scatter [tilespmem:s10], [sflag:$0x2], $0x400, $0x38;
	[tilespmem:$0xB040] =	vst v63  }
0x18: {  	_ =	swait.ge [sflag:s3], $0x400  }
0x19: {  	[sflag:s3] =	ssyncset.done $0x0  }
0x1a: {  	s13 =	simm.s32 $0x840;
	s12 =	sadd.s32 $0x9400, s20;
	[sflag:s3] =	ssyncadd.s32 $0xFFFFFC00  }
0x1b: {  	[tilespmem:s13], [sflag:$0x1] =	stream.indirect.gather [hbm4b:s12+s6], $0x20, s2, s6, $0xb8;
	[tilespmem:$0xB040] =	vst v63  }
0x1c: {  	s14 =	sshll.u32 s21, $0x2;
	_ =	swait.ge [sflag:s7], $0x800  }
0x1d: {  	s14 =	sadd.s32 s14, s20;
	[sflag:s7] =	ssyncset.done $0x0  }
0x1e: {  	s14 =	sadd.s32 $0x1400, s14;
	[sflag:s7] =	ssyncadd.s32 $0xFFFFF800  }
0x1f: {  	[hbm4b:s14+s2] =	stream.linear.scatter [tilespmem:s13], [sflag:$0x2], $0x800, $0x38;
	[tilespmem:$0xB040] =	vst v63  }
0x20: {  	_ =	swait.ge [sflag:s3], $0x800  }
0x21: {  	[sflag:s3] =	ssyncset.done $0x0  }
0x22: {  	s16 =	simm.s32 $0x1040;
	s15 =	sadd.s32 $0x11400, s20;
	[sflag:s3] =	ssyncadd.s32 $0xFFFFF800  }
0x23: {  	[tilespmem:s16], [sflag:$0x1] =	stream.indirect.gather [hbm4b:s15+s6], $0x80, s2, s6, $0xb8;
	[tilespmem:$0xB040] =	vst v63  }
0x24: {  	s17 =	sshll.u32 s21, $0x4;
	_ =	swait.ge [sflag:s7], $0x2000  }
0x25: {  	s18 =	sadd.s32 $0x31400, s20;
	s17 =	sadd.s32 s17, s20;
	[sflag:s7] =	ssyncset.done $0x0  }
0x26: {  	s22 =	ssub.s32 $0x2, s19;
	s17 =	sadd.s32 $0xD1400, s17;
	[sflag:s7] =	ssyncadd.s32 $0xFFFFE000  }
0x27: {  	[hbm4b:s17+s2] =	stream.linear.scatter [tilespmem:s16], [sflag:$0x2], $0x2000, $0x38;
	[tilespmem:$0xB040] =	vst v63  }
0x28: {  	s19 =	simm.s32 $0x3040;
	s23 =	sshrl.u32 s22, $0x1;
	_ =	swait.ge [sflag:s3], $0x2000  }
0x29: {  	s21 =	sshll.u32 s21, $0x6;
	s31 =	ssub.s32 s22, s23;
	[sflag:s3] =	ssyncset.done $0x0  }
0x2a: {  	s20 =	sadd.s32 s21, s20;
	s21 =	smax.u32 s31, $0x1;
	[sflag:s3] =	ssyncadd.s32 $0xFFFFE000  }
0x2b: {  	[tilespmem:s19], [sflag:$0x1] =	stream.indirect.gather [hbm4b:s18+s6], $0x200, s2, s6, $0xb8;
	[tilespmem:$0xB040] =	vst v63  }
0x2c: {  	p0 =	sne.s32 s21, $0x1;
	_ =	swait.ge [sflag:s7], $0x8000  }
.Ltmp0:
0x2d: {  	[sflag:s7] =	ssyncset.done $0x0;
	(pc) =	sbr.rel @!p0 .LBB2_2-.Ltmp0, $4  }
0x2e: {  	s20 =	sadd.s32 $0xB1400, s20;
	[sflag:s7] =	ssyncadd.s32 $0xFFFF8000  }
0x2f: {  	[hbm4b:s20+s2] =	stream.linear.scatter [tilespmem:s19], [sflag:$0x2], $0x8000, $0x38;
	[tilespmem:$0xB040] =	vst v63  }
0x30: {  	_ =	swait.ge [sflag:s3], $0x8000  }
0x31: {  	s21 =	sadd.s32 $0xFFFFFFFF, s21;
	[sflag:s3] =	ssyncset.done $0x0  }
.LBB2_1:
0x32: {  	p0 =	sne.s32 s21, $0x1;
	s21 =	sadd.s32 $0xFFFFFFFF, s21;
	[sflag:s3] =	ssyncadd.s32 $0xFFFF8000  }
0x33: {  	[tilespmem:s2], [sflag:$0x2] =	stream.linear.gather [hbm4b:s4+s2], $0x40, $0x38;
	[tilespmem:$0xB040] =	vst v63  }
0x34: {  	_ =	swait.ge [sflag:s3], $0x40  }
0x35: {  	[sflag:s3] =	ssyncset.done $0x0  }
0x36: {  	[sflag:s3] =	ssyncadd.s32 $0xFFFFFFC0  }
0x37: {  	[tilespmem:s6], [sflag:$0x1] =	stream.indirect.gather [hbm4b:s5+s6], $0x10, s2, s6, $0xb8;
	[tilespmem:$0xB040] =	vst v63  }
0x38: {  	_ =	swait.ge [sflag:s7], $0x400  }
0x39: {  	[sflag:s7] =	ssyncset.done $0x0  }
0x3a: {  	[sflag:s7] =	ssyncadd.s32 $0xFFFFFC00  }
0x3b: {  	[hbm4b:s8+s2] =	stream.linear.scatter [tilespmem:s6], [sflag:$0x2], $0x400, $0x38;
	[tilespmem:$0xB040] =	vst v63  }
0x3c: {  	_ =	swait.ge [sflag:s3], $0x400  }
0x3d: {  	[sflag:s3] =	ssyncset.done $0x0  }
0x3e: {  	[sflag:s3] =	ssyncadd.s32 $0xFFFFFC00  }
0x3f: {  	[tilespmem:s10], [sflag:$0x1] =	stream.indirect.gather [hbm4b:s9+s6], $0x10, s2, s6, $0xb8;
	[tilespmem:$0xB040] =	vst v63  }
0x40: {  	_ =	swait.ge [sflag:s7], $0x400  }
0x41: {  	[sflag:s7] =	ssyncset.done $0x0  }
0x42: {  	[sflag:s7] =	ssyncadd.s32 $0xFFFFFC00  }
0x43: {  	[hbm4b:s11+s2] =	stream.linear.scatter [tilespmem:s10], [sflag:$0x2], $0x400, $0x38;
	[tilespmem:$0xB040] =	vst v63  }
0x44: {  	_ =	swait.ge [sflag:s3], $0x400  }
0x45: {  	[sflag:s3] =	ssyncset.done $0x0  }
0x46: {  	[sflag:s3] =	ssyncadd.s32 $0xFFFFFC00  }
0x47: {  	[tilespmem:s13], [sflag:$0x1] =	stream.indirect.gather [hbm4b:s12+s6], $0x20, s2, s6, $0xb8;
	[tilespmem:$0xB040] =	vst v63  }
0x48: {  	_ =	swait.ge [sflag:s7], $0x800  }
0x49: {  	[sflag:s7] =	ssyncset.done $0x0  }
0x4a: {  	[sflag:s7] =	ssyncadd.s32 $0xFFFFF800  }
0x4b: {  	[hbm4b:s14+s2] =	stream.linear.scatter [tilespmem:s13], [sflag:$0x2], $0x800, $0x38;
	[tilespmem:$0xB040] =	vst v63  }
0x4c: {  	_ =	swait.ge [sflag:s3], $0x800  }
0x4d: {  	[sflag:s3] =	ssyncset.done $0x0  }
0x4e: {  	[sflag:s3] =	ssyncadd.s32 $0xFFFFF800  }
0x4f: {  	[tilespmem:s16], [sflag:$0x1] =	stream.indirect.gather [hbm4b:s15+s6], $0x80, s2, s6, $0xb8;
	[tilespmem:$0xB040] =	vst v63  }
0x50: {  	_ =	swait.ge [sflag:s7], $0x2000  }
0x51: {  	[sflag:s7] =	ssyncset.done $0x0  }
0x52: {  	[sflag:s7] =	ssyncadd.s32 $0xFFFFE000  }
0x53: {  	[hbm4b:s17+s2] =	stream.linear.scatter [tilespmem:s16], [sflag:$0x2], $0x2000, $0x38;
	[tilespmem:$0xB040] =	vst v63  }
0x54: {  	_ =	swait.ge [sflag:s3], $0x2000  }
0x55: {  	[sflag:s3] =	ssyncset.done $0x0  }
0x56: {  	[sflag:s3] =	ssyncadd.s32 $0xFFFFE000  }
0x57: {  	[tilespmem:s19], [sflag:$0x1] =	stream.indirect.gather [hbm4b:s18+s6], $0x200, s2, s6, $0xb8;
	[tilespmem:$0xB040] =	vst v63  }
0x58: {  	_ =	swait.ge [sflag:s7], $0x8000  }
.Ltmp1:
0x59: {  	[sflag:s7] =	ssyncset.done $0x0;
	(pc) =	sbr.rel @p0 .LBB2_1-.Ltmp1, $4  }
0x5a: {  	[sflag:s7] =	ssyncadd.s32 $0xFFFF8000  }
0x5b: {  	[hbm4b:s20+s2] =	stream.linear.scatter [tilespmem:s19], [sflag:$0x2], $0x8000, $0x38;
	[tilespmem:$0xB040] =	vst v63  }
0x5c: {  	_ =	swait.ge [sflag:s3], $0x8000  }
0x5d: {  	[sflag:s3] =	ssyncset.done $0x0  }
.LBB2_2:
0x5e: {  	[sflag:s3] =	ssyncadd.s32 $0xFFFF8000  }
0x5f: {  	_ =	sfence.sel $0x180000  }
0x60: {  	[bflag:$0x0] =	sbarrier.arrive $0xFFFF  }
0x61: {  	p0 =	sne.s32 s0, $0x0;
	_ =	strace $0x90000050  }
0x62: {  	s0 =	sadd.s32 @!p0 $0x100000, s1;
	[bflag:$0x2] =	sbarrier.arrive $0xFFFF  }
0x63: {  	[sflag:s0] =	ssyncadd.tile.s32 @!p0 $0x1;
	_ =	shalt  }
.Lfunc_end2:
_tile_overlayer_lowered:
.L_overlay_start_2:
0x64: {  	(tag) =	ssettag $0x2  }
0x65: {  	s0 =	rddreg [dreg:$0x0];
	s2 =	stileid.u32  }
0x66: {  	s1 =	rddreg [dreg:$0x1];
	p0 =	sne.s32 s2, $0x0  }
0x67: {  	s3 =	rddreg [dreg:$0x2];
	[bflag:$0x3] =	sbarrier.arrive $0xFFFF;
	s2 =	simm.s32 @!p0 $0x1C02  }
0x68: {  	[timem:s3], [sflag:s2] =	dma.local @!p0 [hbm:s0], s1  }
0x69: {  	s0 =	simm.s32 @!p0 $0x2  }
0x6a: {  	_ =	swait.ge @!p0 [sflag:s0], s1  }
0x6b: {  	s1 =	ssub.s32 @!p0 $0x0, s1;
	[sflag:s0] =	ssyncset.done @!p0 $0x0  }
0x6c: {  	[sflag:s0] =	ssyncadd.s32 @!p0 s1  }
0x6d: {  	[bflag:$0x3] =	sbarrier.arrive $0xFFFF  }
0x6e: {  	_ =	shalt  }

</sc_bundles>
